<compile_context>
chip_gen: v7x
topology: tpu7x:2x2x1
jax: 0.10.2.dev20260603
libtpu: 0.0.44.dev20260713+nightly
codegen_flags: <defaults>
</compile_context>

<pallas_src>
import jax
import jax.numpy as jnp
from jax import lax
from jax.experimental import pallas as pl
from jax.experimental.pallas import tpu as pltpu
from jax.experimental.pallas import tpu_sc as plsc

_NUM_TASKS = 8
_NUM_MODALITIES = 4
_PRIOR_LEN = 16
_EMBED_DIM = 768
_BATCH = 4096

_NC, _NS = 2, 16
_NW = _NC * _NS
_NG = _NW // 2
_B_PER_G = _BATCH // _NG
_K = 16


def _sc_body(table_hbm, idx_hbm, out_hbm, tbl_v, idx_v, sem):
    wid = lax.axis_index("s") * _NC + lax.axis_index("c")
    half = wid % 2
    base = (wid // 2) * _B_PER_G
    loff = half * _PRIOR_LEN
    pltpu.sync_copy(idx_hbm.at[wid], idx_v)

    @pl.when(half == 0)
    def _():
        pltpu.sync_copy(table_hbm.at[pl.ds(0, _NUM_TASKS)], tbl_v)

    @pl.when(half == 1)
    def _():
        pltpu.sync_copy(table_hbm.at[pl.ds(_NUM_TASKS, _NUM_MODALITIES)],
                        tbl_v.at[pl.ds(0, _NUM_MODALITIES)])

    def _row_copy(i, r):
        pltpu.async_copy(
            tbl_v.at[r, pl.ds(0, _PRIOR_LEN // 2)],
            out_hbm.at[base + i, pl.ds(loff, _PRIOR_LEN // 2)], sem)
        pltpu.async_copy(
            tbl_v.at[r, pl.ds(_PRIOR_LEN // 2, _PRIOR_LEN // 2)],
            out_hbm.at[base + i, pl.ds(loff + _PRIOR_LEN // 2, _PRIOR_LEN // 2)], sem)

    def _wait_row():
        pltpu.make_async_copy(
            tbl_v.at[0],
            out_hbm.at[0, pl.ds(0, _PRIOR_LEN)], sem).wait()

    rows0 = idx_v[pl.ds(0, _K)]
    for k in range(_K):
        _row_copy(k, rows0[k])

    @pl.loop(_K, _B_PER_G, step=_K)
    def _block(i0):
        rows = idx_v[pl.ds(i0, _K)]
        for k in range(_K):
            _wait_row()
            _row_copy(i0 + k, rows[k])

    for _ in range(_K):
        _wait_row()


_sc_gather = pl.kernel(
    _sc_body,
    out_type=jax.ShapeDtypeStruct((_BATCH, 2 * _PRIOR_LEN, _EMBED_DIM),
                                  jnp.float32),
    mesh=plsc.VectorSubcoreMesh(
        core_axis_name="c", subcore_axis_name="s",
        num_cores=_NC, num_subcores=_NS,
    ),
    scratch_types=[
        pltpu.VMEM((_NUM_TASKS, _PRIOR_LEN, _EMBED_DIM), jnp.float32),
        pltpu.VMEM((_B_PER_G,), jnp.int32),
        pltpu.SemaphoreType.DMA,
    ],
)


def kernel(task_table, modality_table, task_idx, modality_idx):
    table = jnp.concatenate([task_table, modality_table], axis=0)
    sc_idx = jnp.stack(
        [task_idx.astype(jnp.int32).reshape(_NG, _B_PER_G),
         modality_idx.astype(jnp.int32).reshape(_NG, _B_PER_G)],
        axis=1).reshape(_NW, _B_PER_G)
    return _sc_gather(table, sc_idx)

# --- scband reference (transcript-rebuilt; emitter-appended) ---
"""Pipeline reference for scband-context-prior-pool-89756226552058 (READ-ONLY COPY).

The authoritative reference and input builder live on the scoring server;
editing this copy changes nothing except your own understanding.
"""

import jax, jax.numpy as jnp
import numpy as np

NUM_TASKS = 8
NUM_MODALITIES = 4
PRIOR_LEN = 16
EMBED_DIM = 768
BATCH = 4096


def setup_inputs(seed: int = 0) -> dict:
    key = jax.random.key(seed)
    k1, k2, k3, k4 = jax.random.split(key, 4)
    # Learned parameters: one prior embedding table per task / per modality.
    # The torch module stores these in nn.ParameterDicts; we stack them into
    # dense tables so the per-key getter becomes an integer gather.
    task_table = jax.random.normal(k1, (NUM_TASKS, PRIOR_LEN, EMBED_DIM), dtype=jnp.float32) * 0.02
    modality_table = jax.random.normal(k2, (NUM_MODALITIES, PRIOR_LEN, EMBED_DIM), dtype=jnp.float32) * 0.02
    task_idx = jax.random.randint(k3, (BATCH,), 0, NUM_TASKS)
    modality_idx = jax.random.randint(k4, (BATCH,), 0, NUM_MODALITIES)
    return {
        "task_table": task_table,
        "modality_table": modality_table,
        "task_idx": task_idx,
        "modality_idx": modality_idx,
    }


def reference(task_table, modality_table, task_idx, modality_idx):
    # get_task_prior(task) -> task_prior_embeddings[task]  (a gather by key)
    task_priors = jnp.take(task_table, task_idx, axis=0)          # [B, L, D]
    # get_modality_prior(modality) -> modality_prior_embeddings[modality]
    modality_priors = jnp.take(modality_table, modality_idx, axis=0)  # [B, L, D]
    # Batched retrieval of both priors (concatenated along the prior-length axis,
    # as they would be prepended to a token sequence downstream).
    return jnp.concatenate([task_priors, modality_priors], axis=1)    # [B, 2L, D]

if __name__ == "__main__":
    import jax
    _d = setup_inputs()
    print(jax.jit(kernel)(*tuple(_d.values())))

</pallas_src>

<mosaic_0001>
#map = affine_map<(d0, d1) -> (0, 0, 0)>
#map1 = affine_map<(d0, d1) -> (0, 0)>
module attributes {stable_mosaic.version = 14 : i64} {
  func.func @_sc_body(%arg0: i32, %arg1: i32, %arg2: memref<12x16x768xf32, #tpu.memory_space<hbm>>, %arg3: memref<32x256xi32, #tpu.memory_space<hbm>>, %arg4: memref<4096x32x768xf32, #tpu.memory_space<hbm>>, %arg5: memref<8x16x768xf32, #tpu.memory_space<vmem>>, %arg6: memref<256xi32, #tpu.memory_space<vmem>>, %arg7: memref<!tpu.dma_semaphore, #tpu.memory_space<semaphore_mem>>) attributes {dimension_semantics = [#tpu.dimension_semantics<core_parallel>, #tpu.dimension_semantics<subcore_parallel>], iteration_bounds = array<i64: 2, 16>, scalar_prefetch = 0 : i64, scratch_operands = 3 : i64, tpu.core_type = #tpu.core_type<sc_vector_subcore>, window_params = [{transform_indices = #map}, {transform_indices = #map1}, {transform_indices = #map}]} {
    %mul3A = arith.constant 2 : i32
    %mul3A_0 = arith.muli %arg1, %mul3A : i32
    %add3A = arith.addi %mul3A_0, %arg0 : i32
    %jit3A = arith.constant 2 : i32
    %eq3A = arith.constant 0 : i32
    %eq3A_1 = arith.cmpi eq, %jit3A, %eq3A : i32
    %jit3A_2 = arith.constant 1 : i32
    %select_n3A = arith.select %eq3A_1, %jit3A_2, %jit3A : i32
    %rem3A = arith.remsi %add3A, %select_n3A : i32
    %ne3A = arith.constant 0 : i32
    %ne3A_3 = arith.cmpi ne, %rem3A, %ne3A : i32
    %lt3A = arith.constant 0 : i32
    %lt3A_4 = arith.cmpi slt, %rem3A, %lt3A : i32
    %lt3A_5 = arith.constant 0 : i32
    %lt3A_6 = arith.cmpi slt, %select_n3A, %lt3A_5 : i32
    %ne3A_7 = arith.xori %lt3A_4, %lt3A_6 : i1
    %and3A = arith.andi %ne3A_7, %ne3A_3 : i1
    %add3A_8 = arith.addi %rem3A, %select_n3A : i32
    %select_n3A_9 = arith.select %and3A, %add3A_8, %rem3A : i32
    %jit3A_10 = arith.constant 2 : i32
    %div3A = arith.divsi %add3A, %jit3A_10 : i32
    %sign3A = arith.constant 0 : i32
    %sign3A_11 = arith.cmpi sgt, %add3A, %sign3A : i32
    %sign3A_12 = arith.extui %sign3A_11 : i1 to i32
    %sign3A_13 = arith.constant 0 : i32
    %sign3A_14 = arith.cmpi slt, %add3A, %sign3A_13 : i32
    %sign3A_15 = arith.extui %sign3A_14 : i1 to i32
    %sign3A_16 = arith.subi %sign3A_12, %sign3A_15 : i32
    %sign3A_17 = arith.constant 0 : i32
    %sign3A_18 = arith.cmpi sgt, %jit3A_10, %sign3A_17 : i32
    %sign3A_19 = arith.extui %sign3A_18 : i1 to i32
    %sign3A_20 = arith.constant 0 : i32
    %sign3A_21 = arith.cmpi slt, %jit3A_10, %sign3A_20 : i32
    %sign3A_22 = arith.extui %sign3A_21 : i1 to i32
    %sign3A_23 = arith.subi %sign3A_19, %sign3A_22 : i32
    %ne3A_24 = arith.cmpi ne, %sign3A_16, %sign3A_23 : i32
    %rem3A_25 = arith.remsi %add3A, %jit3A_10 : i32
    %ne3A_26 = arith.constant 0 : i32
    %ne3A_27 = arith.cmpi ne, %rem3A_25, %ne3A_26 : i32
    %and3A_28 = arith.andi %ne3A_24, %ne3A_27 : i1
    %sub3A = arith.constant 1 : i32
    %sub3A_29 = arith.subi %div3A, %sub3A : i32
    %select_n3A_30 = arith.select %and3A_28, %sub3A_29, %div3A : i32
    %mul3A_31 = arith.constant 256 : i32
    %mul3A_32 = arith.muli %select_n3A_30, %mul3A_31 : i32
    %mul3A_33 = arith.constant 16 : i32
    %mul3A_34 = arith.muli %select_n3A_9, %mul3A_33 : i32
    "tpu.region"() ({
      %run_scoped3A = tpu.sem_alloc : memref<!tpu.dma_semaphore, #tpu.memory_space<semaphore_mem>>
      %dma_start3A_909 = arith.constant 0 : i32
      %dma_start3A_910 = tpu.memref_slice %arg3[%add3A, %dma_start3A_909] : memref<32x256xi32, #tpu.memory_space<hbm>> -> memref<1x256xi32, #tpu.memory_space<hbm>>
      %dma_start3A_911 = tpu.memref_squeeze %dma_start3A_910 : memref<1x256xi32, #tpu.memory_space<hbm>> -> memref<256xi32, #tpu.memory_space<hbm>>
      %dma_start3A_912 = arith.constant 0 : i32
      %dma_start3A_913 = tpu.memref_slice %arg3[%add3A, %dma_start3A_912] : memref<32x256xi32, #tpu.memory_space<hbm>> -> memref<1x256xi32, #tpu.memory_space<hbm>>
      %dma_start3A_914 = tpu.memref_squeeze %dma_start3A_913 : memref<1x256xi32, #tpu.memory_space<hbm>> -> memref<256xi32, #tpu.memory_space<hbm>>
      tpu.enqueue_dma source(%dma_start3A_914 : memref<256xi32, #tpu.memory_space<hbm>>) target(%arg6 : memref<256xi32, #tpu.memory_space<vmem>>) target_semaphore(%run_scoped3A : memref<!tpu.dma_semaphore, #tpu.memory_space<semaphore_mem>>)
      %dma_wait3A_915 = arith.constant 0 : i32
      %dma_wait3A_916 = tpu.memref_slice %arg3[%add3A, %dma_wait3A_915] : memref<32x256xi32, #tpu.memory_space<hbm>> -> memref<1x256xi32, #tpu.memory_space<hbm>>
      %dma_wait3A_917 = tpu.memref_squeeze %dma_wait3A_916 : memref<1x256xi32, #tpu.memory_space<hbm>> -> memref<256xi32, #tpu.memory_space<hbm>>
      %dma_wait3A_918 = arith.constant 0 : i32
      %dma_wait3A_919 = tpu.memref_slice %arg3[%add3A, %dma_wait3A_918] : memref<32x256xi32, #tpu.memory_space<hbm>> -> memref<1x256xi32, #tpu.memory_space<hbm>>
      %dma_wait3A_920 = tpu.memref_squeeze %dma_wait3A_919 : memref<1x256xi32, #tpu.memory_space<hbm>> -> memref<256xi32, #tpu.memory_space<hbm>>
      tpu.wait_dma2 semaphore(%run_scoped3A : memref<!tpu.dma_semaphore, #tpu.memory_space<semaphore_mem>>) src(%dma_wait3A_920 : memref<256xi32, #tpu.memory_space<hbm>>) dst(%arg6 : memref<256xi32, #tpu.memory_space<vmem>>)
      tpu.yield
    }) : () -> ()
    %eq3A_35 = arith.constant 0 : i32
    %eq3A_36 = arith.cmpi eq, %select_n3A_9, %eq3A_35 : i32
    %convert_element_type3A = arith.extui %eq3A_36 : i1 to i32
    %cond3A = arith.constant 0 : i32
    %cond3A_37 = arith.cmpi ne, %convert_element_type3A, %cond3A : i32
    scf.if %cond3A_37 {
      "tpu.region"() ({
        %run_scoped3A = tpu.sem_alloc : memref<!tpu.dma_semaphore, #tpu.memory_space<semaphore_mem>>
        %dma_start3A_909 = arith.constant 0 : i32
        %dma_start3A_910 = arith.constant 0 : i32
        %dma_start3A_911 = arith.constant 0 : i32
        %dma_start3A_912 = tpu.memref_slice %arg2[%dma_start3A_909, %dma_start3A_910, %dma_start3A_911] : memref<12x16x768xf32, #tpu.memory_space<hbm>> -> memref<8x16x768xf32, #tpu.memory_space<hbm>>
        %dma_start3A_913 = arith.constant 0 : i32
        %dma_start3A_914 = arith.constant 0 : i32
        %dma_start3A_915 = arith.constant 0 : i32
        %dma_start3A_916 = tpu.memref_slice %arg2[%dma_start3A_913, %dma_start3A_914, %dma_start3A_915] : memref<12x16x768xf32, #tpu.memory_space<hbm>> -> memref<8x16x768xf32, #tpu.memory_space<hbm>>
        tpu.enqueue_dma source(%dma_start3A_916 : memref<8x16x768xf32, #tpu.memory_space<hbm>>) target(%arg5 : memref<8x16x768xf32, #tpu.memory_space<vmem>>) target_semaphore(%run_scoped3A : memref<!tpu.dma_semaphore, #tpu.memory_space<semaphore_mem>>)
        %dma_wait3A_917 = arith.constant 0 : i32
        %dma_wait3A_918 = arith.constant 0 : i32
        %dma_wait3A_919 = arith.constant 0 : i32
        %dma_wait3A_920 = tpu.memref_slice %arg2[%dma_wait3A_917, %dma_wait3A_918, %dma_wait3A_919] : memref<12x16x768xf32, #tpu.memory_space<hbm>> -> memref<8x16x768xf32, #tpu.memory_space<hbm>>
        %dma_wait3A_921 = arith.constant 0 : i32
        %dma_wait3A_922 = arith.constant 0 : i32
        %dma_wait3A_923 = arith.constant 0 : i32
        %dma_wait3A_924 = tpu.memref_slice %arg2[%dma_wait3A_921, %dma_wait3A_922, %dma_wait3A_923] : memref<12x16x768xf32, #tpu.memory_space<hbm>> -> memref<8x16x768xf32, #tpu.memory_space<hbm>>
        tpu.wait_dma2 semaphore(%run_scoped3A : memref<!tpu.dma_semaphore, #tpu.memory_space<semaphore_mem>>) src(%dma_wait3A_924 : memref<8x16x768xf32, #tpu.memory_space<hbm>>) dst(%arg5 : memref<8x16x768xf32, #tpu.memory_space<vmem>>)
        tpu.yield
      }) : () -> ()
    } else {
    }
    %eq3A_38 = arith.constant 1 : i32
    %eq3A_39 = arith.cmpi eq, %select_n3A_9, %eq3A_38 : i32
    %convert_element_type3A_40 = arith.extui %eq3A_39 : i1 to i32
    %cond3A_41 = arith.constant 0 : i32
    %cond3A_42 = arith.cmpi ne, %convert_element_type3A_40, %cond3A_41 : i32
    scf.if %cond3A_42 {
      "tpu.region"() ({
        %run_scoped3A = tpu.sem_alloc : memref<!tpu.dma_semaphore, #tpu.memory_space<semaphore_mem>>
        %dma_start3A_909 = arith.constant 0 : i32
        %dma_start3A_910 = arith.constant 0 : i32
        %dma_start3A_911 = arith.constant 0 : i32
        %dma_start3A_912 = tpu.memref_slice %arg5[%dma_start3A_909, %dma_start3A_910, %dma_start3A_911] : memref<8x16x768xf32, #tpu.memory_space<vmem>> -> memref<4x16x768xf32, #tpu.memory_space<vmem>>
        %dma_start3A_913 = arith.constant 8 : i32
        %dma_start3A_914 = arith.constant 0 : i32
        %dma_start3A_915 = arith.constant 0 : i32
        %dma_start3A_916 = tpu.memref_slice %arg2[%dma_start3A_913, %dma_start3A_914, %dma_start3A_915] : memref<12x16x768xf32, #tpu.memory_space<hbm>> -> memref<4x16x768xf32, #tpu.memory_space<hbm>>
        %dma_start3A_917 = arith.constant 0 : i32
        %dma_start3A_918 = arith.constant 0 : i32
        %dma_start3A_919 = arith.constant 0 : i32
        %dma_start3A_920 = tpu.memref_slice %arg5[%dma_start3A_917, %dma_start3A_918, %dma_start3A_919] : memref<8x16x768xf32, #tpu.memory_space<vmem>> -> memref<4x16x768xf32, #tpu.memory_space<vmem>>
        %dma_start3A_921 = arith.constant 8 : i32
        %dma_start3A_922 = arith.constant 0 : i32
        %dma_start3A_923 = arith.constant 0 : i32
        %dma_start3A_924 = tpu.memref_slice %arg2[%dma_start3A_921, %dma_start3A_922, %dma_start3A_923] : memref<12x16x768xf32, #tpu.memory_space<hbm>> -> memref<4x16x768xf32, #tpu.memory_space<hbm>>
        tpu.enqueue_dma source(%dma_start3A_924 : memref<4x16x768xf32, #tpu.memory_space<hbm>>) target(%dma_start3A_920 : memref<4x16x768xf32, #tpu.memory_space<vmem>>) target_semaphore(%run_scoped3A : memref<!tpu.dma_semaphore, #tpu.memory_space<semaphore_mem>>)
        %dma_wait3A_925 = arith.constant 0 : i32
        %dma_wait3A_926 = arith.constant 0 : i32
        %dma_wait3A_927 = arith.constant 0 : i32
        %dma_wait3A_928 = tpu.memref_slice %arg5[%dma_wait3A_925, %dma_wait3A_926, %dma_wait3A_927] : memref<8x16x768xf32, #tpu.memory_space<vmem>> -> memref<4x16x768xf32, #tpu.memory_space<vmem>>
        %dma_wait3A_929 = arith.constant 8 : i32
        %dma_wait3A_930 = arith.constant 0 : i32
        %dma_wait3A_931 = arith.constant 0 : i32
        %dma_wait3A_932 = tpu.memref_slice %arg2[%dma_wait3A_929, %dma_wait3A_930, %dma_wait3A_931] : memref<12x16x768xf32, #tpu.memory_space<hbm>> -> memref<4x16x768xf32, #tpu.memory_space<hbm>>
        %dma_wait3A_933 = arith.constant 0 : i32
        %dma_wait3A_934 = arith.constant 0 : i32
        %dma_wait3A_935 = arith.constant 0 : i32
        %dma_wait3A_936 = tpu.memref_slice %arg5[%dma_wait3A_933, %dma_wait3A_934, %dma_wait3A_935] : memref<8x16x768xf32, #tpu.memory_space<vmem>> -> memref<4x16x768xf32, #tpu.memory_space<vmem>>
        %dma_wait3A_937 = arith.constant 8 : i32
        %dma_wait3A_938 = arith.constant 0 : i32
        %dma_wait3A_939 = arith.constant 0 : i32
        %dma_wait3A_940 = tpu.memref_slice %arg2[%dma_wait3A_937, %dma_wait3A_938, %dma_wait3A_939] : memref<12x16x768xf32, #tpu.memory_space<hbm>> -> memref<4x16x768xf32, #tpu.memory_space<hbm>>
        tpu.wait_dma2 semaphore(%run_scoped3A : memref<!tpu.dma_semaphore, #tpu.memory_space<semaphore_mem>>) src(%dma_wait3A_940 : memref<4x16x768xf32, #tpu.memory_space<hbm>>) dst(%dma_wait3A_936 : memref<4x16x768xf32, #tpu.memory_space<vmem>>)
        tpu.yield
      }) : () -> ()
    } else {
    }
    %get3A = arith.constant 0 : index
    %get3A_43 = tpu.vector_load %arg6[%get3A] {strides = array<i32>} : memref<256xi32, #tpu.memory_space<vmem>>, vector<16xi32>,
    %get3A_44 = vector.shape_cast %get3A_43 : vector<16xi32> to vector<16xi32>
    %slice3A = vector.extract_strided_slice %get3A_44 {offsets = [0], sizes = [1], strides = [1]} : vector<16xi32> to vector<1xi32>
    %squeeze3A = vector.extract %slice3A[0] : i32 from vector<1xi32>
    %add3A_45 = arith.constant 0 : i32
    %add3A_46 = arith.addi %mul3A_32, %add3A_45 : i32
    %dma_start3A = arith.constant 0 : i32
    %dma_start3A_47 = arith.constant 0 : i32
    %dma_start3A_48 = tpu.memref_slice %arg5[%squeeze3A, %dma_start3A, %dma_start3A_47] : memref<8x16x768xf32, #tpu.memory_space<vmem>> -> memref<1x8x768xf32, #tpu.memory_space<vmem>>
    %dma_start3A_49 = tpu.memref_squeeze %dma_start3A_48 : memref<1x8x768xf32, #tpu.memory_space<vmem>> -> memref<8x768xf32, #tpu.memory_space<vmem>>
    %dma_start3A_50 = arith.constant 0 : i32
    %dma_start3A_51 = tpu.memref_slice %arg4[%add3A_46, %mul3A_34, %dma_start3A_50] : memref<4096x32x768xf32, #tpu.memory_space<hbm>> -> memref<1x8x768xf32, #tpu.memory_space<hbm>>
    %dma_start3A_52 = tpu.memref_squeeze %dma_start3A_51 : memref<1x8x768xf32, #tpu.memory_space<hbm>> -> memref<8x768xf32, #tpu.memory_space<hbm>>
    %dma_start3A_53 = arith.constant 0 : i32
    %dma_start3A_54 = tpu.memref_slice %arg4[%add3A_46, %mul3A_34, %dma_start3A_53] : memref<4096x32x768xf32, #tpu.memory_space<hbm>> -> memref<1x8x768xf32, #tpu.memory_space<hbm>>
    %dma_start3A_55 = tpu.memref_squeeze %dma_start3A_54 : memref<1x8x768xf32, #tpu.memory_space<hbm>> -> memref<8x768xf32, #tpu.memory_space<hbm>>
    %dma_start3A_56 = arith.constant 0 : i32
    %dma_start3A_57 = arith.constant 0 : i32
    %dma_start3A_58 = tpu.memref_slice %arg5[%squeeze3A, %dma_start3A_56, %dma_start3A_57] : memref<8x16x768xf32, #tpu.memory_space<vmem>> -> memref<1x8x768xf32, #tpu.memory_space<vmem>>
    %dma_start3A_59 = tpu.memref_squeeze %dma_start3A_58 : memref<1x8x768xf32, #tpu.memory_space<vmem>> -> memref<8x768xf32, #tpu.memory_space<vmem>>
    tpu.enqueue_dma source(%dma_start3A_59 : memref<8x768xf32, #tpu.memory_space<vmem>>) target(%dma_start3A_55 : memref<8x768xf32, #tpu.memory_space<hbm>>) target_semaphore(%arg7 : memref<!tpu.dma_semaphore, #tpu.memory_space<semaphore_mem>>)
    %add3A_60 = arith.constant 0 : i32
    %add3A_61 = arith.addi %mul3A_32, %add3A_60 : i32
    %add3A_62 = arith.constant 8 : i32
    %add3A_63 = arith.addi %mul3A_34, %add3A_62 : i32
    %dma_start3A_64 = arith.constant 8 : i32
    %dma_start3A_65 = arith.constant 0 : i32
    %dma_start3A_66 = tpu.memref_slice %arg5[%squeeze3A, %dma_start3A_64, %dma_start3A_65] : memref<8x16x768xf32, #tpu.memory_space<vmem>> -> memref<1x8x768xf32, #tpu.memory_space<vmem>>
    %dma_start3A_67 = tpu.memref_squeeze %dma_start3A_66 : memref<1x8x768xf32, #tpu.memory_space<vmem>> -> memref<8x768xf32, #tpu.memory_space<vmem>>
    %dma_start3A_68 = arith.constant 0 : i32
    %dma_start3A_69 = tpu.memref_slice %arg4[%add3A_61, %add3A_63, %dma_start3A_68] : memref<4096x32x768xf32, #tpu.memory_space<hbm>> -> memref<1x8x768xf32, #tpu.memory_space<hbm>>
    %dma_start3A_70 = tpu.memref_squeeze %dma_start3A_69 : memref<1x8x768xf32, #tpu.memory_space<hbm>> -> memref<8x768xf32, #tpu.memory_space<hbm>>
    %dma_start3A_71 = arith.constant 0 : i32
    %dma_start3A_72 = tpu.memref_slice %arg4[%add3A_61, %add3A_63, %dma_start3A_71] : memref<4096x32x768xf32, #tpu.memory_space<hbm>> -> memref<1x8x768xf32, #tpu.memory_space<hbm>>
    %dma_start3A_73 = tpu.memref_squeeze %dma_start3A_72 : memref<1x8x768xf32, #tpu.memory_space<hbm>> -> memref<8x768xf32, #tpu.memory_space<hbm>>
    %dma_start3A_74 = arith.constant 8 : i32
    %dma_start3A_75 = arith.constant 0 : i32
    %dma_start3A_76 = tpu.memref_slice %arg5[%squeeze3A, %dma_start3A_74, %dma_start3A_75] : memref<8x16x768xf32, #tpu.memory_space<vmem>> -> memref<1x8x768xf32, #tpu.memory_space<vmem>>
    %dma_start3A_77 = tpu.memref_squeeze %dma_start3A_76 : memref<1x8x768xf32, #tpu.memory_space<vmem>> -> memref<8x768xf32, #tpu.memory_space<vmem>>
    tpu.enqueue_dma source(%dma_start3A_77 : memref<8x768xf32, #tpu.memory_space<vmem>>) target(%dma_start3A_73 : memref<8x768xf32, #tpu.memory_space<hbm>>) target_semaphore(%arg7 : memref<!tpu.dma_semaphore, #tpu.memory_space<semaphore_mem>>)
    %slice3A_78 = vector.extract_strided_slice %get3A_44 {offsets = [1], sizes = [1], strides = [1]} : vector<16xi32> to vector<1xi32>
    %squeeze3A_79 = vector.extract %slice3A_78[0] : i32 from vector<1xi32>
    %add3A_80 = arith.constant 1 : i32
    %add3A_81 = arith.addi %mul3A_32, %add3A_80 : i32
    %dma_start3A_82 = arith.constant 0 : i32
    %dma_start3A_83 = arith.constant 0 : i32
    %dma_start3A_84 = tpu.memref_slice %arg5[%squeeze3A_79, %dma_start3A_82, %dma_start3A_83] : memref<8x16x768xf32, #tpu.memory_space<vmem>> -> memref<1x8x768xf32, #tpu.memory_space<vmem>>
    %dma_start3A_85 = tpu.memref_squeeze %dma_start3A_84 : memref<1x8x768xf32, #tpu.memory_space<vmem>> -> memref<8x768xf32, #tpu.memory_space<vmem>>
    %dma_start3A_86 = arith.constant 0 : i32
    %dma_start3A_87 = tpu.memref_slice %arg4[%add3A_81, %mul3A_34, %dma_start3A_86] : memref<4096x32x768xf32, #tpu.memory_space<hbm>> -> memref<1x8x768xf32, #tpu.memory_space<hbm>>
    %dma_start3A_88 = tpu.memref_squeeze %dma_start3A_87 : memref<1x8x768xf32, #tpu.memory_space<hbm>> -> memref<8x768xf32, #tpu.memory_space<hbm>>
    %dma_start3A_89 = arith.constant 0 : i32
    %dma_start3A_90 = tpu.memref_slice %arg4[%add3A_81, %mul3A_34, %dma_start3A_89] : memref<4096x32x768xf32, #tpu.memory_space<hbm>> -> memref<1x8x768xf32, #tpu.memory_space<hbm>>
    %dma_start3A_91 = tpu.memref_squeeze %dma_start3A_90 : memref<1x8x768xf32, #tpu.memory_space<hbm>> -> memref<8x768xf32, #tpu.memory_space<hbm>>
    %dma_start3A_92 = arith.constant 0 : i32
    %dma_start3A_93 = arith.constant 0 : i32
    %dma_start3A_94 = tpu.memref_slice %arg5[%squeeze3A_79, %dma_start3A_92, %dma_start3A_93] : memref<8x16x768xf32, #tpu.memory_space<vmem>> -> memref<1x8x768xf32, #tpu.memory_space<vmem>>
    %dma_start3A_95 = tpu.memref_squeeze %dma_start3A_94 : memref<1x8x768xf32, #tpu.memory_space<vmem>> -> memref<8x768xf32, #tpu.memory_space<vmem>>
    tpu.enqueue_dma source(%dma_start3A_95 : memref<8x768xf32, #tpu.memory_space<vmem>>) target(%dma_start3A_91 : memref<8x768xf32, #tpu.memory_space<hbm>>) target_semaphore(%arg7 : memref<!tpu.dma_semaphore, #tpu.memory_space<semaphore_mem>>)
    %add3A_96 = arith.constant 1 : i32
    %add3A_97 = arith.addi %mul3A_32, %add3A_96 : i32
    %add3A_98 = arith.constant 8 : i32
    %add3A_99 = arith.addi %mul3A_34, %add3A_98 : i32
    %dma_start3A_100 = arith.constant 8 : i32
    %dma_start3A_101 = arith.constant 0 : i32
    %dma_start3A_102 = tpu.memref_slice %arg5[%squeeze3A_79, %dma_start3A_100, %dma_start3A_101] : memref<8x16x768xf32, #tpu.memory_space<vmem>> -> memref<1x8x768xf32, #tpu.memory_space<vmem>>
    %dma_start3A_103 = tpu.memref_squeeze %dma_start3A_102 : memref<1x8x768xf32, #tpu.memory_space<vmem>> -> memref<8x768xf32, #tpu.memory_space<vmem>>
    %dma_start3A_104 = arith.constant 0 : i32
    %dma_start3A_105 = tpu.memref_slice %arg4[%add3A_97, %add3A_99, %dma_start3A_104] : memref<4096x32x768xf32, #tpu.memory_space<hbm>> -> memref<1x8x768xf32, #tpu.memory_space<hbm>>
    %dma_start3A_106 = tpu.memref_squeeze %dma_start3A_105 : memref<1x8x768xf32, #tpu.memory_space<hbm>> -> memref<8x768xf32, #tpu.memory_space<hbm>>
    %dma_start3A_107 = arith.constant 0 : i32
    %dma_start3A_108 = tpu.memref_slice %arg4[%add3A_97, %add3A_99, %dma_start3A_107] : memref<4096x32x768xf32, #tpu.memory_space<hbm>> -> memref<1x8x768xf32, #tpu.memory_space<hbm>>
    %dma_start3A_109 = tpu.memref_squeeze %dma_start3A_108 : memref<1x8x768xf32, #tpu.memory_space<hbm>> -> memref<8x768xf32, #tpu.memory_space<hbm>>
    %dma_start3A_110 = arith.constant 8 : i32
    %dma_start3A_111 = arith.constant 0 : i32
    %dma_start3A_112 = tpu.memref_slice %arg5[%squeeze3A_79, %dma_start3A_110, %dma_start3A_111] : memref<8x16x768xf32, #tpu.memory_space<vmem>> -> memref<1x8x768xf32, #tpu.memory_space<vmem>>
    %dma_start3A_113 = tpu.memref_squeeze %dma_start3A_112 : memref<1x8x768xf32, #tpu.memory_space<vmem>> -> memref<8x768xf32, #tpu.memory_space<vmem>>
    tpu.enqueue_dma source(%dma_start3A_113 : memref<8x768xf32, #tpu.memory_space<vmem>>) target(%dma_start3A_109 : memref<8x768xf32, #tpu.memory_space<hbm>>) target_semaphore(%arg7 : memref<!tpu.dma_semaphore, #tpu.memory_space<semaphore_mem>>)
    %slice3A_114 = vector.extract_strided_slice %get3A_44 {offsets = [2], sizes = [1], strides = [1]} : vector<16xi32> to vector<1xi32>
    %squeeze3A_115 = vector.extract %slice3A_114[0] : i32 from vector<1xi32>
    %add3A_116 = arith.constant 2 : i32
    %add3A_117 = arith.addi %mul3A_32, %add3A_116 : i32
    %dma_start3A_118 = arith.constant 0 : i32
    %dma_start3A_119 = arith.constant 0 : i32
    %dma_start3A_120 = tpu.memref_slice %arg5[%squeeze3A_115, %dma_start3A_118, %dma_start3A_119] : memref<8x16x768xf32, #tpu.memory_space<vmem>> -> memref<1x8x768xf32, #tpu.memory_space<vmem>>
    %dma_start3A_121 = tpu.memref_squeeze %dma_start3A_120 : memref<1x8x768xf32, #tpu.memory_space<vmem>> -> memref<8x768xf32, #tpu.memory_space<vmem>>
    %dma_start3A_122 = arith.constant 0 : i32
    %dma_start3A_123 = tpu.memref_slice %arg4[%add3A_117, %mul3A_34, %dma_start3A_122] : memref<4096x32x768xf32, #tpu.memory_space<hbm>> -> memref<1x8x768xf32, #tpu.memory_space<hbm>>
    %dma_start3A_124 = tpu.memref_squeeze %dma_start3A_123 : memref<1x8x768xf32, #tpu.memory_space<hbm>> -> memref<8x768xf32, #tpu.memory_space<hbm>>
    %dma_start3A_125 = arith.constant 0 : i32
    %dma_start3A_126 = tpu.memref_slice %arg4[%add3A_117, %mul3A_34, %dma_start3A_125] : memref<4096x32x768xf32, #tpu.memory_space<hbm>> -> memref<1x8x768xf32, #tpu.memory_space<hbm>>
    %dma_start3A_127 = tpu.memref_squeeze %dma_start3A_126 : memref<1x8x768xf32, #tpu.memory_space<hbm>> -> memref<8x768xf32, #tpu.memory_space<hbm>>
    %dma_start3A_128 = arith.constant 0 : i32
    %dma_start3A_129 = arith.constant 0 : i32
    %dma_start3A_130 = tpu.memref_slice %arg5[%squeeze3A_115, %dma_start3A_128, %dma_start3A_129] : memref<8x16x768xf32, #tpu.memory_space<vmem>> -> memref<1x8x768xf32, #tpu.memory_space<vmem>>
    %dma_start3A_131 = tpu.memref_squeeze %dma_start3A_130 : memref<1x8x768xf32, #tpu.memory_space<vmem>> -> memref<8x768xf32, #tpu.memory_space<vmem>>
    tpu.enqueue_dma source(%dma_start3A_131 : memref<8x768xf32, #tpu.memory_space<vmem>>) target(%dma_start3A_127 : memref<8x768xf32, #tpu.memory_space<hbm>>) target_semaphore(%arg7 : memref<!tpu.dma_semaphore, #tpu.memory_space<semaphore_mem>>)
    %add3A_132 = arith.constant 2 : i32
    %add3A_133 = arith.addi %mul3A_32, %add3A_132 : i32
    %add3A_134 = arith.constant 8 : i32
    %add3A_135 = arith.addi %mul3A_34, %add3A_134 : i32
    %dma_start3A_136 = arith.constant 8 : i32
    %dma_start3A_137 = arith.constant 0 : i32
    %dma_start3A_138 = tpu.memref_slice %arg5[%squeeze3A_115, %dma_start3A_136, %dma_start3A_137] : memref<8x16x768xf32, #tpu.memory_space<vmem>> -> memref<1x8x768xf32, #tpu.memory_space<vmem>>
    %dma_start3A_139 = tpu.memref_squeeze %dma_start3A_138 : memref<1x8x768xf32, #tpu.memory_space<vmem>> -> memref<8x768xf32, #tpu.memory_space<vmem>>
    %dma_start3A_140 = arith.constant 0 : i32
    %dma_start3A_141 = tpu.memref_slice %arg4[%add3A_133, %add3A_135, %dma_start3A_140] : memref<4096x32x768xf32, #tpu.memory_space<hbm>> -> memref<1x8x768xf32, #tpu.memory_space<hbm>>
    %dma_start3A_142 = tpu.memref_squeeze %dma_start3A_141 : memref<1x8x768xf32, #tpu.memory_space<hbm>> -> memref<8x768xf32, #tpu.memory_space<hbm>>
    %dma_start3A_143 = arith.constant 0 : i32
    %dma_start3A_144 = tpu.memref_slice %arg4[%add3A_133, %add3A_135, %dma_start3A_143] : memref<4096x32x768xf32, #tpu.memory_space<hbm>> -> memref<1x8x768xf32, #tpu.memory_space<hbm>>
    %dma_start3A_145 = tpu.memref_squeeze %dma_start3A_144 : memref<1x8x768xf32, #tpu.memory_space<hbm>> -> memref<8x768xf32, #tpu.memory_space<hbm>>
    %dma_start3A_146 = arith.constant 8 : i32
    %dma_start3A_147 = arith.constant 0 : i32
    %dma_start3A_148 = tpu.memref_slice %arg5[%squeeze3A_115, %dma_start3A_146, %dma_start3A_147] : memref<8x16x768xf32, #tpu.memory_space<vmem>> -> memref<1x8x768xf32, #tpu.memory_space<vmem>>
    %dma_start3A_149 = tpu.memref_squeeze %dma_start3A_148 : memref<1x8x768xf32, #tpu.memory_space<vmem>> -> memref<8x768xf32, #tpu.memory_space<vmem>>
    tpu.enqueue_dma source(%dma_start3A_149 : memref<8x768xf32, #tpu.memory_space<vmem>>) target(%dma_start3A_145 : memref<8x768xf32, #tpu.memory_space<hbm>>) target_semaphore(%arg7 : memref<!tpu.dma_semaphore, #tpu.memory_space<semaphore_mem>>)
    %slice3A_150 = vector.extract_strided_slice %get3A_44 {offsets = [3], sizes = [1], strides = [1]} : vector<16xi32> to vector<1xi32>
    %squeeze3A_151 = vector.extract %slice3A_150[0] : i32 from vector<1xi32>
    %add3A_152 = arith.constant 3 : i32
    %add3A_153 = arith.addi %mul3A_32, %add3A_152 : i32
    %dma_start3A_154 = arith.constant 0 : i32
    %dma_start3A_155 = arith.constant 0 : i32
    %dma_start3A_156 = tpu.memref_slice %arg5[%squeeze3A_151, %dma_start3A_154, %dma_start3A_155] : memref<8x16x768xf32, #tpu.memory_space<vmem>> -> memref<1x8x768xf32, #tpu.memory_space<vmem>>
    %dma_start3A_157 = tpu.memref_squeeze %dma_start3A_156 : memref<1x8x768xf32, #tpu.memory_space<vmem>> -> memref<8x768xf32, #tpu.memory_space<vmem>>
    %dma_start3A_158 = arith.constant 0 : i32
    %dma_start3A_159 = tpu.memref_slice %arg4[%add3A_153, %mul3A_34, %dma_start3A_158] : memref<4096x32x768xf32, #tpu.memory_space<hbm>> -> memref<1x8x768xf32, #tpu.memory_space<hbm>>
    %dma_start3A_160 = tpu.memref_squeeze %dma_start3A_159 : memref<1x8x768xf32, #tpu.memory_space<hbm>> -> memref<8x768xf32, #tpu.memory_space<hbm>>
    %dma_start3A_161 = arith.constant 0 : i32
    %dma_start3A_162 = tpu.memref_slice %arg4[%add3A_153, %mul3A_34, %dma_start3A_161] : memref<4096x32x768xf32, #tpu.memory_space<hbm>> -> memref<1x8x768xf32, #tpu.memory_space<hbm>>
    %dma_start3A_163 = tpu.memref_squeeze %dma_start3A_162 : memref<1x8x768xf32, #tpu.memory_space<hbm>> -> memref<8x768xf32, #tpu.memory_space<hbm>>
    %dma_start3A_164 = arith.constant 0 : i32
    %dma_start3A_165 = arith.constant 0 : i32
    %dma_start3A_166 = tpu.memref_slice %arg5[%squeeze3A_151, %dma_start3A_164, %dma_start3A_165] : memref<8x16x768xf32, #tpu.memory_space<vmem>> -> memref<1x8x768xf32, #tpu.memory_space<vmem>>
    %dma_start3A_167 = tpu.memref_squeeze %dma_start3A_166 : memref<1x8x768xf32, #tpu.memory_space<vmem>> -> memref<8x768xf32, #tpu.memory_space<vmem>>
    tpu.enqueue_dma source(%dma_start3A_167 : memref<8x768xf32, #tpu.memory_space<vmem>>) target(%dma_start3A_163 : memref<8x768xf32, #tpu.memory_space<hbm>>) target_semaphore(%arg7 : memref<!tpu.dma_semaphore, #tpu.memory_space<semaphore_mem>>)
    %add3A_168 = arith.constant 3 : i32
    %add3A_169 = arith.addi %mul3A_32, %add3A_168 : i32
    %add3A_170 = arith.constant 8 : i32
    %add3A_171 = arith.addi %mul3A_34, %add3A_170 : i32
    %dma_start3A_172 = arith.constant 8 : i32
    %dma_start3A_173 = arith.constant 0 : i32
    %dma_start3A_174 = tpu.memref_slice %arg5[%squeeze3A_151, %dma_start3A_172, %dma_start3A_173] : memref<8x16x768xf32, #tpu.memory_space<vmem>> -> memref<1x8x768xf32, #tpu.memory_space<vmem>>
    %dma_start3A_175 = tpu.memref_squeeze %dma_start3A_174 : memref<1x8x768xf32, #tpu.memory_space<vmem>> -> memref<8x768xf32, #tpu.memory_space<vmem>>
    %dma_start3A_176 = arith.constant 0 : i32
    %dma_start3A_177 = tpu.memref_slice %arg4[%add3A_169, %add3A_171, %dma_start3A_176] : memref<4096x32x768xf32, #tpu.memory_space<hbm>> -> memref<1x8x768xf32, #tpu.memory_space<hbm>>
    %dma_start3A_178 = tpu.memref_squeeze %dma_start3A_177 : memref<1x8x768xf32, #tpu.memory_space<hbm>> -> memref<8x768xf32, #tpu.memory_space<hbm>>
    %dma_start3A_179 = arith.constant 0 : i32
    %dma_start3A_180 = tpu.memref_slice %arg4[%add3A_169, %add3A_171, %dma_start3A_179] : memref<4096x32x768xf32, #tpu.memory_space<hbm>> -> memref<1x8x768xf32, #tpu.memory_space<hbm>>
    %dma_start3A_181 = tpu.memref_squeeze %dma_start3A_180 : memref<1x8x768xf32, #tpu.memory_space<hbm>> -> memref<8x768xf32, #tpu.memory_space<hbm>>
    %dma_start3A_182 = arith.constant 8 : i32
    %dma_start3A_183 = arith.constant 0 : i32
    %dma_start3A_184 = tpu.memref_slice %arg5[%squeeze3A_151, %dma_start3A_182, %dma_start3A_183] : memref<8x16x768xf32, #tpu.memory_space<vmem>> -> memref<1x8x768xf32, #tpu.memory_space<vmem>>
    %dma_start3A_185 = tpu.memref_squeeze %dma_start3A_184 : memref<1x8x768xf32, #tpu.memory_space<vmem>> -> memref<8x768xf32, #tpu.memory_space<vmem>>
    tpu.enqueue_dma source(%dma_start3A_185 : memref<8x768xf32, #tpu.memory_space<vmem>>) target(%dma_start3A_181 : memref<8x768xf32, #tpu.memory_space<hbm>>) target_semaphore(%arg7 : memref<!tpu.dma_semaphore, #tpu.memory_space<semaphore_mem>>)
    %slice3A_186 = vector.extract_strided_slice %get3A_44 {offsets = [4], sizes = [1], strides = [1]} : vector<16xi32> to vector<1xi32>
    %squeeze3A_187 = vector.extract %slice3A_186[0] : i32 from vector<1xi32>
    %add3A_188 = arith.constant 4 : i32
    %add3A_189 = arith.addi %mul3A_32, %add3A_188 : i32
    %dma_start3A_190 = arith.constant 0 : i32
    %dma_start3A_191 = arith.constant 0 : i32
    %dma_start3A_192 = tpu.memref_slice %arg5[%squeeze3A_187, %dma_start3A_190, %dma_start3A_191] : memref<8x16x768xf32, #tpu.memory_space<vmem>> -> memref<1x8x768xf32, #tpu.memory_space<vmem>>
    %dma_start3A_193 = tpu.memref_squeeze %dma_start3A_192 : memref<1x8x768xf32, #tpu.memory_space<vmem>> -> memref<8x768xf32, #tpu.memory_space<vmem>>
    %dma_start3A_194 = arith.constant 0 : i32
    %dma_start3A_195 = tpu.memref_slice %arg4[%add3A_189, %mul3A_34, %dma_start3A_194] : memref<4096x32x768xf32, #tpu.memory_space<hbm>> -> memref<1x8x768xf32, #tpu.memory_space<hbm>>
    %dma_start3A_196 = tpu.memref_squeeze %dma_start3A_195 : memref<1x8x768xf32, #tpu.memory_space<hbm>> -> memref<8x768xf32, #tpu.memory_space<hbm>>
    %dma_start3A_197 = arith.constant 0 : i32
    %dma_start3A_198 = tpu.memref_slice %arg4[%add3A_189, %mul3A_34, %dma_start3A_197] : memref<4096x32x768xf32, #tpu.memory_space<hbm>> -> memref<1x8x768xf32, #tpu.memory_space<hbm>>
    %dma_start3A_199 = tpu.memref_squeeze %dma_start3A_198 : memref<1x8x768xf32, #tpu.memory_space<hbm>> -> memref<8x768xf32, #tpu.memory_space<hbm>>
    %dma_start3A_200 = arith.constant 0 : i32
    %dma_start3A_201 = arith.constant 0 : i32
    %dma_start3A_202 = tpu.memref_slice %arg5[%squeeze3A_187, %dma_start3A_200, %dma_start3A_201] : memref<8x16x768xf32, #tpu.memory_space<vmem>> -> memref<1x8x768xf32, #tpu.memory_space<vmem>>
    %dma_start3A_203 = tpu.memref_squeeze %dma_start3A_202 : memref<1x8x768xf32, #tpu.memory_space<vmem>> -> memref<8x768xf32, #tpu.memory_space<vmem>>
    tpu.enqueue_dma source(%dma_start3A_203 : memref<8x768xf32, #tpu.memory_space<vmem>>) target(%dma_start3A_199 : memref<8x768xf32, #tpu.memory_space<hbm>>) target_semaphore(%arg7 : memref<!tpu.dma_semaphore, #tpu.memory_space<semaphore_mem>>)
    %add3A_204 = arith.constant 4 : i32
    %add3A_205 = arith.addi %mul3A_32, %add3A_204 : i32
    %add3A_206 = arith.constant 8 : i32
    %add3A_207 = arith.addi %mul3A_34, %add3A_206 : i32
    %dma_start3A_208 = arith.constant 8 : i32
    %dma_start3A_209 = arith.constant 0 : i32
    %dma_start3A_210 = tpu.memref_slice %arg5[%squeeze3A_187, %dma_start3A_208, %dma_start3A_209] : memref<8x16x768xf32, #tpu.memory_space<vmem>> -> memref<1x8x768xf32, #tpu.memory_space<vmem>>
    %dma_start3A_211 = tpu.memref_squeeze %dma_start3A_210 : memref<1x8x768xf32, #tpu.memory_space<vmem>> -> memref<8x768xf32, #tpu.memory_space<vmem>>
    %dma_start3A_212 = arith.constant 0 : i32
    %dma_start3A_213 = tpu.memref_slice %arg4[%add3A_205, %add3A_207, %dma_start3A_212] : memref<4096x32x768xf32, #tpu.memory_space<hbm>> -> memref<1x8x768xf32, #tpu.memory_space<hbm>>
    %dma_start3A_214 = tpu.memref_squeeze %dma_start3A_213 : memref<1x8x768xf32, #tpu.memory_space<hbm>> -> memref<8x768xf32, #tpu.memory_space<hbm>>
    %dma_start3A_215 = arith.constant 0 : i32
    %dma_start3A_216 = tpu.memref_slice %arg4[%add3A_205, %add3A_207, %dma_start3A_215] : memref<4096x32x768xf32, #tpu.memory_space<hbm>> -> memref<1x8x768xf32, #tpu.memory_space<hbm>>
    %dma_start3A_217 = tpu.memref_squeeze %dma_start3A_216 : memref<1x8x768xf32, #tpu.memory_space<hbm>> -> memref<8x768xf32, #tpu.memory_space<hbm>>
    %dma_start3A_218 = arith.constant 8 : i32
    %dma_start3A_219 = arith.constant 0 : i32
    %dma_start3A_220 = tpu.memref_slice %arg5[%squeeze3A_187, %dma_start3A_218, %dma_start3A_219] : memref<8x16x768xf32, #tpu.memory_space<vmem>> -> memref<1x8x768xf32, #tpu.memory_space<vmem>>
    %dma_start3A_221 = tpu.memref_squeeze %dma_start3A_220 : memref<1x8x768xf32, #tpu.memory_space<vmem>> -> memref<8x768xf32, #tpu.memory_space<vmem>>
    tpu.enqueue_dma source(%dma_start3A_221 : memref<8x768xf32, #tpu.memory_space<vmem>>) target(%dma_start3A_217 : memref<8x768xf32, #tpu.memory_space<hbm>>) target_semaphore(%arg7 : memref<!tpu.dma_semaphore, #tpu.memory_space<semaphore_mem>>)
    %slice3A_222 = vector.extract_strided_slice %get3A_44 {offsets = [5], sizes = [1], strides = [1]} : vector<16xi32> to vector<1xi32>
    %squeeze3A_223 = vector.extract %slice3A_222[0] : i32 from vector<1xi32>
    %add3A_224 = arith.constant 5 : i32
    %add3A_225 = arith.addi %mul3A_32, %add3A_224 : i32
    %dma_start3A_226 = arith.constant 0 : i32
    %dma_start3A_227 = arith.constant 0 : i32
    %dma_start3A_228 = tpu.memref_slice %arg5[%squeeze3A_223, %dma_start3A_226, %dma_start3A_227] : memref<8x16x768xf32, #tpu.memory_space<vmem>> -> memref<1x8x768xf32, #tpu.memory_space<vmem>>
    %dma_start3A_229 = tpu.memref_squeeze %dma_start3A_228 : memref<1x8x768xf32, #tpu.memory_space<vmem>> -> memref<8x768xf32, #tpu.memory_space<vmem>>
    %dma_start3A_230 = arith.constant 0 : i32
    %dma_start3A_231 = tpu.memref_slice %arg4[%add3A_225, %mul3A_34, %dma_start3A_230] : memref<4096x32x768xf32, #tpu.memory_space<hbm>> -> memref<1x8x768xf32, #tpu.memory_space<hbm>>
    %dma_start3A_232 = tpu.memref_squeeze %dma_start3A_231 : memref<1x8x768xf32, #tpu.memory_space<hbm>> -> memref<8x768xf32, #tpu.memory_space<hbm>>
    %dma_start3A_233 = arith.constant 0 : i32
    %dma_start3A_234 = tpu.memref_slice %arg4[%add3A_225, %mul3A_34, %dma_start3A_233] : memref<4096x32x768xf32, #tpu.memory_space<hbm>> -> memref<1x8x768xf32, #tpu.memory_space<hbm>>
    %dma_start3A_235 = tpu.memref_squeeze %dma_start3A_234 : memref<1x8x768xf32, #tpu.memory_space<hbm>> -> memref<8x768xf32, #tpu.memory_space<hbm>>
    %dma_start3A_236 = arith.constant 0 : i32
    %dma_start3A_237 = arith.constant 0 : i32
    %dma_start3A_238 = tpu.memref_slice %arg5[%squeeze3A_223, %dma_start3A_236, %dma_start3A_237] : memref<8x16x768xf32, #tpu.memory_space<vmem>> -> memref<1x8x768xf32, #tpu.memory_space<vmem>>
    %dma_start3A_239 = tpu.memref_squeeze %dma_start3A_238 : memref<1x8x768xf32, #tpu.memory_space<vmem>> -> memref<8x768xf32, #tpu.memory_space<vmem>>
    tpu.enqueue_dma source(%dma_start3A_239 : memref<8x768xf32, #tpu.memory_space<vmem>>) target(%dma_start3A_235 : memref<8x768xf32, #tpu.memory_space<hbm>>) target_semaphore(%arg7 : memref<!tpu.dma_semaphore, #tpu.memory_space<semaphore_mem>>)
    %add3A_240 = arith.constant 5 : i32
    %add3A_241 = arith.addi %mul3A_32, %add3A_240 : i32
    %add3A_242 = arith.constant 8 : i32
    %add3A_243 = arith.addi %mul3A_34, %add3A_242 : i32
    %dma_start3A_244 = arith.constant 8 : i32
    %dma_start3A_245 = arith.constant 0 : i32
    %dma_start3A_246 = tpu.memref_slice %arg5[%squeeze3A_223, %dma_start3A_244, %dma_start3A_245] : memref<8x16x768xf32, #tpu.memory_space<vmem>> -> memref<1x8x768xf32, #tpu.memory_space<vmem>>
    %dma_start3A_247 = tpu.memref_squeeze %dma_start3A_246 : memref<1x8x768xf32, #tpu.memory_space<vmem>> -> memref<8x768xf32, #tpu.memory_space<vmem>>
    %dma_start3A_248 = arith.constant 0 : i32
    %dma_start3A_249 = tpu.memref_slice %arg4[%add3A_241, %add3A_243, %dma_start3A_248] : memref<4096x32x768xf32, #tpu.memory_space<hbm>> -> memref<1x8x768xf32, #tpu.memory_space<hbm>>
    %dma_start3A_250 = tpu.memref_squeeze %dma_start3A_249 : memref<1x8x768xf32, #tpu.memory_space<hbm>> -> memref<8x768xf32, #tpu.memory_space<hbm>>
    %dma_start3A_251 = arith.constant 0 : i32
    %dma_start3A_252 = tpu.memref_slice %arg4[%add3A_241, %add3A_243, %dma_start3A_251] : memref<4096x32x768xf32, #tpu.memory_space<hbm>> -> memref<1x8x768xf32, #tpu.memory_space<hbm>>
    %dma_start3A_253 = tpu.memref_squeeze %dma_start3A_252 : memref<1x8x768xf32, #tpu.memory_space<hbm>> -> memref<8x768xf32, #tpu.memory_space<hbm>>
    %dma_start3A_254 = arith.constant 8 : i32
    %dma_start3A_255 = arith.constant 0 : i32
    %dma_start3A_256 = tpu.memref_slice %arg5[%squeeze3A_223, %dma_start3A_254, %dma_start3A_255] : memref<8x16x768xf32, #tpu.memory_space<vmem>> -> memref<1x8x768xf32, #tpu.memory_space<vmem>>
    %dma_start3A_257 = tpu.memref_squeeze %dma_start3A_256 : memref<1x8x768xf32, #tpu.memory_space<vmem>> -> memref<8x768xf32, #tpu.memory_space<vmem>>
    tpu.enqueue_dma source(%dma_start3A_257 : memref<8x768xf32, #tpu.memory_space<vmem>>) target(%dma_start3A_253 : memref<8x768xf32, #tpu.memory_space<hbm>>) target_semaphore(%arg7 : memref<!tpu.dma_semaphore, #tpu.memory_space<semaphore_mem>>)
    %slice3A_258 = vector.extract_strided_slice %get3A_44 {offsets = [6], sizes = [1], strides = [1]} : vector<16xi32> to vector<1xi32>
    %squeeze3A_259 = vector.extract %slice3A_258[0] : i32 from vector<1xi32>
    %add3A_260 = arith.constant 6 : i32
    %add3A_261 = arith.addi %mul3A_32, %add3A_260 : i32
    %dma_start3A_262 = arith.constant 0 : i32
    %dma_start3A_263 = arith.constant 0 : i32
    %dma_start3A_264 = tpu.memref_slice %arg5[%squeeze3A_259, %dma_start3A_262, %dma_start3A_263] : memref<8x16x768xf32, #tpu.memory_space<vmem>> -> memref<1x8x768xf32, #tpu.memory_space<vmem>>
    %dma_start3A_265 = tpu.memref_squeeze %dma_start3A_264 : memref<1x8x768xf32, #tpu.memory_space<vmem>> -> memref<8x768xf32, #tpu.memory_space<vmem>>
    %dma_start3A_266 = arith.constant 0 : i32
    %dma_start3A_267 = tpu.memref_slice %arg4[%add3A_261, %mul3A_34, %dma_start3A_266] : memref<4096x32x768xf32, #tpu.memory_space<hbm>> -> memref<1x8x768xf32, #tpu.memory_space<hbm>>
    %dma_start3A_268 = tpu.memref_squeeze %dma_start3A_267 : memref<1x8x768xf32, #tpu.memory_space<hbm>> -> memref<8x768xf32, #tpu.memory_space<hbm>>
    %dma_start3A_269 = arith.constant 0 : i32
    %dma_start3A_270 = tpu.memref_slice %arg4[%add3A_261, %mul3A_34, %dma_start3A_269] : memref<4096x32x768xf32, #tpu.memory_space<hbm>> -> memref<1x8x768xf32, #tpu.memory_space<hbm>>
    %dma_start3A_271 = tpu.memref_squeeze %dma_start3A_270 : memref<1x8x768xf32, #tpu.memory_space<hbm>> -> memref<8x768xf32, #tpu.memory_space<hbm>>
    %dma_start3A_272 = arith.constant 0 : i32
    %dma_start3A_273 = arith.constant 0 : i32
    %dma_start3A_274 = tpu.memref_slice %arg5[%squeeze3A_259, %dma_start3A_272, %dma_start3A_273] : memref<8x16x768xf32, #tpu.memory_space<vmem>> -> memref<1x8x768xf32, #tpu.memory_space<vmem>>
    %dma_start3A_275 = tpu.memref_squeeze %dma_start3A_274 : memref<1x8x768xf32, #tpu.memory_space<vmem>> -> memref<8x768xf32, #tpu.memory_space<vmem>>
    tpu.enqueue_dma source(%dma_start3A_275 : memref<8x768xf32, #tpu.memory_space<vmem>>) target(%dma_start3A_271 : memref<8x768xf32, #tpu.memory_space<hbm>>) target_semaphore(%arg7 : memref<!tpu.dma_semaphore, #tpu.memory_space<semaphore_mem>>)
    %add3A_276 = arith.constant 6 : i32
    %add3A_277 = arith.addi %mul3A_32, %add3A_276 : i32
    %add3A_278 = arith.constant 8 : i32
    %add3A_279 = arith.addi %mul3A_34, %add3A_278 : i32
    %dma_start3A_280 = arith.constant 8 : i32
    %dma_start3A_281 = arith.constant 0 : i32
    %dma_start3A_282 = tpu.memref_slice %arg5[%squeeze3A_259, %dma_start3A_280, %dma_start3A_281] : memref<8x16x768xf32, #tpu.memory_space<vmem>> -> memref<1x8x768xf32, #tpu.memory_space<vmem>>
    %dma_start3A_283 = tpu.memref_squeeze %dma_start3A_282 : memref<1x8x768xf32, #tpu.memory_space<vmem>> -> memref<8x768xf32, #tpu.memory_space<vmem>>
    %dma_start3A_284 = arith.constant 0 : i32
    %dma_start3A_285 = tpu.memref_slice %arg4[%add3A_277, %add3A_279, %dma_start3A_284] : memref<4096x32x768xf32, #tpu.memory_space<hbm>> -> memref<1x8x768xf32, #tpu.memory_space<hbm>>
    %dma_start3A_286 = tpu.memref_squeeze %dma_start3A_285 : memref<1x8x768xf32, #tpu.memory_space<hbm>> -> memref<8x768xf32, #tpu.memory_space<hbm>>
    %dma_start3A_287 = arith.constant 0 : i32
    %dma_start3A_288 = tpu.memref_slice %arg4[%add3A_277, %add3A_279, %dma_start3A_287] : memref<4096x32x768xf32, #tpu.memory_space<hbm>> -> memref<1x8x768xf32, #tpu.memory_space<hbm>>
    %dma_start3A_289 = tpu.memref_squeeze %dma_start3A_288 : memref<1x8x768xf32, #tpu.memory_space<hbm>> -> memref<8x768xf32, #tpu.memory_space<hbm>>
    %dma_start3A_290 = arith.constant 8 : i32
    %dma_start3A_291 = arith.constant 0 : i32
    %dma_start3A_292 = tpu.memref_slice %arg5[%squeeze3A_259, %dma_start3A_290, %dma_start3A_291] : memref<8x16x768xf32, #tpu.memory_space<vmem>> -> memref<1x8x768xf32, #tpu.memory_space<vmem>>
    %dma_start3A_293 = tpu.memref_squeeze %dma_start3A_292 : memref<1x8x768xf32, #tpu.memory_space<vmem>> -> memref<8x768xf32, #tpu.memory_space<vmem>>
    tpu.enqueue_dma source(%dma_start3A_293 : memref<8x768xf32, #tpu.memory_space<vmem>>) target(%dma_start3A_289 : memref<8x768xf32, #tpu.memory_space<hbm>>) target_semaphore(%arg7 : memref<!tpu.dma_semaphore, #tpu.memory_space<semaphore_mem>>)
    %slice3A_294 = vector.extract_strided_slice %get3A_44 {offsets = [7], sizes = [1], strides = [1]} : vector<16xi32> to vector<1xi32>
    %squeeze3A_295 = vector.extract %slice3A_294[0] : i32 from vector<1xi32>
    %add3A_296 = arith.constant 7 : i32
    %add3A_297 = arith.addi %mul3A_32, %add3A_296 : i32
    %dma_start3A_298 = arith.constant 0 : i32
    %dma_start3A_299 = arith.constant 0 : i32
    %dma_start3A_300 = tpu.memref_slice %arg5[%squeeze3A_295, %dma_start3A_298, %dma_start3A_299] : memref<8x16x768xf32, #tpu.memory_space<vmem>> -> memref<1x8x768xf32, #tpu.memory_space<vmem>>
    %dma_start3A_301 = tpu.memref_squeeze %dma_start3A_300 : memref<1x8x768xf32, #tpu.memory_space<vmem>> -> memref<8x768xf32, #tpu.memory_space<vmem>>
    %dma_start3A_302 = arith.constant 0 : i32
    %dma_start3A_303 = tpu.memref_slice %arg4[%add3A_297, %mul3A_34, %dma_start3A_302] : memref<4096x32x768xf32, #tpu.memory_space<hbm>> -> memref<1x8x768xf32, #tpu.memory_space<hbm>>
    %dma_start3A_304 = tpu.memref_squeeze %dma_start3A_303 : memref<1x8x768xf32, #tpu.memory_space<hbm>> -> memref<8x768xf32, #tpu.memory_space<hbm>>
    %dma_start3A_305 = arith.constant 0 : i32
    %dma_start3A_306 = tpu.memref_slice %arg4[%add3A_297, %mul3A_34, %dma_start3A_305] : memref<4096x32x768xf32, #tpu.memory_space<hbm>> -> memref<1x8x768xf32, #tpu.memory_space<hbm>>
    %dma_start3A_307 = tpu.memref_squeeze %dma_start3A_306 : memref<1x8x768xf32, #tpu.memory_space<hbm>> -> memref<8x768xf32, #tpu.memory_space<hbm>>
    %dma_start3A_308 = arith.constant 0 : i32
    %dma_start3A_309 = arith.constant 0 : i32
    %dma_start3A_310 = tpu.memref_slice %arg5[%squeeze3A_295, %dma_start3A_308, %dma_start3A_309] : memref<8x16x768xf32, #tpu.memory_space<vmem>> -> memref<1x8x768xf32, #tpu.memory_space<vmem>>
    %dma_start3A_311 = tpu.memref_squeeze %dma_start3A_310 : memref<1x8x768xf32, #tpu.memory_space<vmem>> -> memref<8x768xf32, #tpu.memory_space<vmem>>
    tpu.enqueue_dma source(%dma_start3A_311 : memref<8x768xf32, #tpu.memory_space<vmem>>) target(%dma_start3A_307 : memref<8x768xf32, #tpu.memory_space<hbm>>) target_semaphore(%arg7 : memref<!tpu.dma_semaphore, #tpu.memory_space<semaphore_mem>>)
    %add3A_312 = arith.constant 7 : i32
    %add3A_313 = arith.addi %mul3A_32, %add3A_312 : i32
    %add3A_314 = arith.constant 8 : i32
    %add3A_315 = arith.addi %mul3A_34, %add3A_314 : i32
    %dma_start3A_316 = arith.constant 8 : i32
    %dma_start3A_317 = arith.constant 0 : i32
    %dma_start3A_318 = tpu.memref_slice %arg5[%squeeze3A_295, %dma_start3A_316, %dma_start3A_317] : memref<8x16x768xf32, #tpu.memory_space<vmem>> -> memref<1x8x768xf32, #tpu.memory_space<vmem>>
    %dma_start3A_319 = tpu.memref_squeeze %dma_start3A_318 : memref<1x8x768xf32, #tpu.memory_space<vmem>> -> memref<8x768xf32, #tpu.memory_space<vmem>>
    %dma_start3A_320 = arith.constant 0 : i32
    %dma_start3A_321 = tpu.memref_slice %arg4[%add3A_313, %add3A_315, %dma_start3A_320] : memref<4096x32x768xf32, #tpu.memory_space<hbm>> -> memref<1x8x768xf32, #tpu.memory_space<hbm>>
    %dma_start3A_322 = tpu.memref_squeeze %dma_start3A_321 : memref<1x8x768xf32, #tpu.memory_space<hbm>> -> memref<8x768xf32, #tpu.memory_space<hbm>>
    %dma_start3A_323 = arith.constant 0 : i32
    %dma_start3A_324 = tpu.memref_slice %arg4[%add3A_313, %add3A_315, %dma_start3A_323] : memref<4096x32x768xf32, #tpu.memory_space<hbm>> -> memref<1x8x768xf32, #tpu.memory_space<hbm>>
    %dma_start3A_325 = tpu.memref_squeeze %dma_start3A_324 : memref<1x8x768xf32, #tpu.memory_space<hbm>> -> memref<8x768xf32, #tpu.memory_space<hbm>>
    %dma_start3A_326 = arith.constant 8 : i32
    %dma_start3A_327 = arith.constant 0 : i32
    %dma_start3A_328 = tpu.memref_slice %arg5[%squeeze3A_295, %dma_start3A_326, %dma_start3A_327] : memref<8x16x768xf32, #tpu.memory_space<vmem>> -> memref<1x8x768xf32, #tpu.memory_space<vmem>>
    %dma_start3A_329 = tpu.memref_squeeze %dma_start3A_328 : memref<1x8x768xf32, #tpu.memory_space<vmem>> -> memref<8x768xf32, #tpu.memory_space<vmem>>
    tpu.enqueue_dma source(%dma_start3A_329 : memref<8x768xf32, #tpu.memory_space<vmem>>) target(%dma_start3A_325 : memref<8x768xf32, #tpu.memory_space<hbm>>) target_semaphore(%arg7 : memref<!tpu.dma_semaphore, #tpu.memory_space<semaphore_mem>>)
    %slice3A_330 = vector.extract_strided_slice %get3A_44 {offsets = [8], sizes = [1], strides = [1]} : vector<16xi32> to vector<1xi32>
    %squeeze3A_331 = vector.extract %slice3A_330[0] : i32 from vector<1xi32>
    %add3A_332 = arith.constant 8 : i32
    %add3A_333 = arith.addi %mul3A_32, %add3A_332 : i32
    %dma_start3A_334 = arith.constant 0 : i32
    %dma_start3A_335 = arith.constant 0 : i32
    %dma_start3A_336 = tpu.memref_slice %arg5[%squeeze3A_331, %dma_start3A_334, %dma_start3A_335] : memref<8x16x768xf32, #tpu.memory_space<vmem>> -> memref<1x8x768xf32, #tpu.memory_space<vmem>>
    %dma_start3A_337 = tpu.memref_squeeze %dma_start3A_336 : memref<1x8x768xf32, #tpu.memory_space<vmem>> -> memref<8x768xf32, #tpu.memory_space<vmem>>
    %dma_start3A_338 = arith.constant 0 : i32
    %dma_start3A_339 = tpu.memref_slice %arg4[%add3A_333, %mul3A_34, %dma_start3A_338] : memref<4096x32x768xf32, #tpu.memory_space<hbm>> -> memref<1x8x768xf32, #tpu.memory_space<hbm>>
    %dma_start3A_340 = tpu.memref_squeeze %dma_start3A_339 : memref<1x8x768xf32, #tpu.memory_space<hbm>> -> memref<8x768xf32, #tpu.memory_space<hbm>>
    %dma_start3A_341 = arith.constant 0 : i32
    %dma_start3A_342 = tpu.memref_slice %arg4[%add3A_333, %mul3A_34, %dma_start3A_341] : memref<4096x32x768xf32, #tpu.memory_space<hbm>> -> memref<1x8x768xf32, #tpu.memory_space<hbm>>
    %dma_start3A_343 = tpu.memref_squeeze %dma_start3A_342 : memref<1x8x768xf32, #tpu.memory_space<hbm>> -> memref<8x768xf32, #tpu.memory_space<hbm>>
    %dma_start3A_344 = arith.constant 0 : i32
    %dma_start3A_345 = arith.constant 0 : i32
    %dma_start3A_346 = tpu.memref_slice %arg5[%squeeze3A_331, %dma_start3A_344, %dma_start3A_345] : memref<8x16x768xf32, #tpu.memory_space<vmem>> -> memref<1x8x768xf32, #tpu.memory_space<vmem>>
    %dma_start3A_347 = tpu.memref_squeeze %dma_start3A_346 : memref<1x8x768xf32, #tpu.memory_space<vmem>> -> memref<8x768xf32, #tpu.memory_space<vmem>>
    tpu.enqueue_dma source(%dma_start3A_347 : memref<8x768xf32, #tpu.memory_space<vmem>>) target(%dma_start3A_343 : memref<8x768xf32, #tpu.memory_space<hbm>>) target_semaphore(%arg7 : memref<!tpu.dma_semaphore, #tpu.memory_space<semaphore_mem>>)
    %add3A_348 = arith.constant 8 : i32
    %add3A_349 = arith.addi %mul3A_32, %add3A_348 : i32
    %add3A_350 = arith.constant 8 : i32
    %add3A_351 = arith.addi %mul3A_34, %add3A_350 : i32
    %dma_start3A_352 = arith.constant 8 : i32
    %dma_start3A_353 = arith.constant 0 : i32
    %dma_start3A_354 = tpu.memref_slice %arg5[%squeeze3A_331, %dma_start3A_352, %dma_start3A_353] : memref<8x16x768xf32, #tpu.memory_space<vmem>> -> memref<1x8x768xf32, #tpu.memory_space<vmem>>
    %dma_start3A_355 = tpu.memref_squeeze %dma_start3A_354 : memref<1x8x768xf32, #tpu.memory_space<vmem>> -> memref<8x768xf32, #tpu.memory_space<vmem>>
    %dma_start3A_356 = arith.constant 0 : i32
    %dma_start3A_357 = tpu.memref_slice %arg4[%add3A_349, %add3A_351, %dma_start3A_356] : memref<4096x32x768xf32, #tpu.memory_space<hbm>> -> memref<1x8x768xf32, #tpu.memory_space<hbm>>
    %dma_start3A_358 = tpu.memref_squeeze %dma_start3A_357 : memref<1x8x768xf32, #tpu.memory_space<hbm>> -> memref<8x768xf32, #tpu.memory_space<hbm>>
    %dma_start3A_359 = arith.constant 0 : i32
    %dma_start3A_360 = tpu.memref_slice %arg4[%add3A_349, %add3A_351, %dma_start3A_359] : memref<4096x32x768xf32, #tpu.memory_space<hbm>> -> memref<1x8x768xf32, #tpu.memory_space<hbm>>
    %dma_start3A_361 = tpu.memref_squeeze %dma_start3A_360 : memref<1x8x768xf32, #tpu.memory_space<hbm>> -> memref<8x768xf32, #tpu.memory_space<hbm>>
    %dma_start3A_362 = arith.constant 8 : i32
    %dma_start3A_363 = arith.constant 0 : i32
    %dma_start3A_364 = tpu.memref_slice %arg5[%squeeze3A_331, %dma_start3A_362, %dma_start3A_363] : memref<8x16x768xf32, #tpu.memory_space<vmem>> -> memref<1x8x768xf32, #tpu.memory_space<vmem>>
    %dma_start3A_365 = tpu.memref_squeeze %dma_start3A_364 : memref<1x8x768xf32, #tpu.memory_space<vmem>> -> memref<8x768xf32, #tpu.memory_space<vmem>>
    tpu.enqueue_dma source(%dma_start3A_365 : memref<8x768xf32, #tpu.memory_space<vmem>>) target(%dma_start3A_361 : memref<8x768xf32, #tpu.memory_space<hbm>>) target_semaphore(%arg7 : memref<!tpu.dma_semaphore, #tpu.memory_space<semaphore_mem>>)
    %slice3A_366 = vector.extract_strided_slice %get3A_44 {offsets = [9], sizes = [1], strides = [1]} : vector<16xi32> to vector<1xi32>
    %squeeze3A_367 = vector.extract %slice3A_366[0] : i32 from vector<1xi32>
    %add3A_368 = arith.constant 9 : i32
    %add3A_369 = arith.addi %mul3A_32, %add3A_368 : i32
    %dma_start3A_370 = arith.constant 0 : i32
    %dma_start3A_371 = arith.constant 0 : i32
    %dma_start3A_372 = tpu.memref_slice %arg5[%squeeze3A_367, %dma_start3A_370, %dma_start3A_371] : memref<8x16x768xf32, #tpu.memory_space<vmem>> -> memref<1x8x768xf32, #tpu.memory_space<vmem>>
    %dma_start3A_373 = tpu.memref_squeeze %dma_start3A_372 : memref<1x8x768xf32, #tpu.memory_space<vmem>> -> memref<8x768xf32, #tpu.memory_space<vmem>>
    %dma_start3A_374 = arith.constant 0 : i32
    %dma_start3A_375 = tpu.memref_slice %arg4[%add3A_369, %mul3A_34, %dma_start3A_374] : memref<4096x32x768xf32, #tpu.memory_space<hbm>> -> memref<1x8x768xf32, #tpu.memory_space<hbm>>
    %dma_start3A_376 = tpu.memref_squeeze %dma_start3A_375 : memref<1x8x768xf32, #tpu.memory_space<hbm>> -> memref<8x768xf32, #tpu.memory_space<hbm>>
    %dma_start3A_377 = arith.constant 0 : i32
    %dma_start3A_378 = tpu.memref_slice %arg4[%add3A_369, %mul3A_34, %dma_start3A_377] : memref<4096x32x768xf32, #tpu.memory_space<hbm>> -> memref<1x8x768xf32, #tpu.memory_space<hbm>>
    %dma_start3A_379 = tpu.memref_squeeze %dma_start3A_378 : memref<1x8x768xf32, #tpu.memory_space<hbm>> -> memref<8x768xf32, #tpu.memory_space<hbm>>
    %dma_start3A_380 = arith.constant 0 : i32
    %dma_start3A_381 = arith.constant 0 : i32
    %dma_start3A_382 = tpu.memref_slice %arg5[%squeeze3A_367, %dma_start3A_380, %dma_start3A_381] : memref<8x16x768xf32, #tpu.memory_space<vmem>> -> memref<1x8x768xf32, #tpu.memory_space<vmem>>
    %dma_start3A_383 = tpu.memref_squeeze %dma_start3A_382 : memref<1x8x768xf32, #tpu.memory_space<vmem>> -> memref<8x768xf32, #tpu.memory_space<vmem>>
    tpu.enqueue_dma source(%dma_start3A_383 : memref<8x768xf32, #tpu.memory_space<vmem>>) target(%dma_start3A_379 : memref<8x768xf32, #tpu.memory_space<hbm>>) target_semaphore(%arg7 : memref<!tpu.dma_semaphore, #tpu.memory_space<semaphore_mem>>)
    %add3A_384 = arith.constant 9 : i32
    %add3A_385 = arith.addi %mul3A_32, %add3A_384 : i32
    %add3A_386 = arith.constant 8 : i32
    %add3A_387 = arith.addi %mul3A_34, %add3A_386 : i32
    %dma_start3A_388 = arith.constant 8 : i32
    %dma_start3A_389 = arith.constant 0 : i32
    %dma_start3A_390 = tpu.memref_slice %arg5[%squeeze3A_367, %dma_start3A_388, %dma_start3A_389] : memref<8x16x768xf32, #tpu.memory_space<vmem>> -> memref<1x8x768xf32, #tpu.memory_space<vmem>>
    %dma_start3A_391 = tpu.memref_squeeze %dma_start3A_390 : memref<1x8x768xf32, #tpu.memory_space<vmem>> -> memref<8x768xf32, #tpu.memory_space<vmem>>
    %dma_start3A_392 = arith.constant 0 : i32
    %dma_start3A_393 = tpu.memref_slice %arg4[%add3A_385, %add3A_387, %dma_start3A_392] : memref<4096x32x768xf32, #tpu.memory_space<hbm>> -> memref<1x8x768xf32, #tpu.memory_space<hbm>>
    %dma_start3A_394 = tpu.memref_squeeze %dma_start3A_393 : memref<1x8x768xf32, #tpu.memory_space<hbm>> -> memref<8x768xf32, #tpu.memory_space<hbm>>
    %dma_start3A_395 = arith.constant 0 : i32
    %dma_start3A_396 = tpu.memref_slice %arg4[%add3A_385, %add3A_387, %dma_start3A_395] : memref<4096x32x768xf32, #tpu.memory_space<hbm>> -> memref<1x8x768xf32, #tpu.memory_space<hbm>>
    %dma_start3A_397 = tpu.memref_squeeze %dma_start3A_396 : memref<1x8x768xf32, #tpu.memory_space<hbm>> -> memref<8x768xf32, #tpu.memory_space<hbm>>
    %dma_start3A_398 = arith.constant 8 : i32
    %dma_start3A_399 = arith.constant 0 : i32
    %dma_start3A_400 = tpu.memref_slice %arg5[%squeeze3A_367, %dma_start3A_398, %dma_start3A_399] : memref<8x16x768xf32, #tpu.memory_space<vmem>> -> memref<1x8x768xf32, #tpu.memory_space<vmem>>
    %dma_start3A_401 = tpu.memref_squeeze %dma_start3A_400 : memref<1x8x768xf32, #tpu.memory_space<vmem>> -> memref<8x768xf32, #tpu.memory_space<vmem>>
    tpu.enqueue_dma source(%dma_start3A_401 : memref<8x768xf32, #tpu.memory_space<vmem>>) target(%dma_start3A_397 : memref<8x768xf32, #tpu.memory_space<hbm>>) target_semaphore(%arg7 : memref<!tpu.dma_semaphore, #tpu.memory_space<semaphore_mem>>)
    %slice3A_402 = vector.extract_strided_slice %get3A_44 {offsets = [10], sizes = [1], strides = [1]} : vector<16xi32> to vector<1xi32>
    %squeeze3A_403 = vector.extract %slice3A_402[0] : i32 from vector<1xi32>
    %add3A_404 = arith.constant 10 : i32
    %add3A_405 = arith.addi %mul3A_32, %add3A_404 : i32
    %dma_start3A_406 = arith.constant 0 : i32
    %dma_start3A_407 = arith.constant 0 : i32
    %dma_start3A_408 = tpu.memref_slice %arg5[%squeeze3A_403, %dma_start3A_406, %dma_start3A_407] : memref<8x16x768xf32, #tpu.memory_space<vmem>> -> memref<1x8x768xf32, #tpu.memory_space<vmem>>
    %dma_start3A_409 = tpu.memref_squeeze %dma_start3A_408 : memref<1x8x768xf32, #tpu.memory_space<vmem>> -> memref<8x768xf32, #tpu.memory_space<vmem>>
    %dma_start3A_410 = arith.constant 0 : i32
    %dma_start3A_411 = tpu.memref_slice %arg4[%add3A_405, %mul3A_34, %dma_start3A_410] : memref<4096x32x768xf32, #tpu.memory_space<hbm>> -> memref<1x8x768xf32, #tpu.memory_space<hbm>>
    %dma_start3A_412 = tpu.memref_squeeze %dma_start3A_411 : memref<1x8x768xf32, #tpu.memory_space<hbm>> -> memref<8x768xf32, #tpu.memory_space<hbm>>
    %dma_start3A_413 = arith.constant 0 : i32
    %dma_start3A_414 = tpu.memref_slice %arg4[%add3A_405, %mul3A_34, %dma_start3A_413] : memref<4096x32x768xf32, #tpu.memory_space<hbm>> -> memref<1x8x768xf32, #tpu.memory_space<hbm>>
    %dma_start3A_415 = tpu.memref_squeeze %dma_start3A_414 : memref<1x8x768xf32, #tpu.memory_space<hbm>> -> memref<8x768xf32, #tpu.memory_space<hbm>>
    %dma_start3A_416 = arith.constant 0 : i32
    %dma_start3A_417 = arith.constant 0 : i32
    %dma_start3A_418 = tpu.memref_slice %arg5[%squeeze3A_403, %dma_start3A_416, %dma_start3A_417] : memref<8x16x768xf32, #tpu.memory_space<vmem>> -> memref<1x8x768xf32, #tpu.memory_space<vmem>>
    %dma_start3A_419 = tpu.memref_squeeze %dma_start3A_418 : memref<1x8x768xf32, #tpu.memory_space<vmem>> -> memref<8x768xf32, #tpu.memory_space<vmem>>
    tpu.enqueue_dma source(%dma_start3A_419 : memref<8x768xf32, #tpu.memory_space<vmem>>) target(%dma_start3A_415 : memref<8x768xf32, #tpu.memory_space<hbm>>) target_semaphore(%arg7 : memref<!tpu.dma_semaphore, #tpu.memory_space<semaphore_mem>>)
    %add3A_420 = arith.constant 10 : i32
    %add3A_421 = arith.addi %mul3A_32, %add3A_420 : i32
    %add3A_422 = arith.constant 8 : i32
    %add3A_423 = arith.addi %mul3A_34, %add3A_422 : i32
    %dma_start3A_424 = arith.constant 8 : i32
    %dma_start3A_425 = arith.constant 0 : i32
    %dma_start3A_426 = tpu.memref_slice %arg5[%squeeze3A_403, %dma_start3A_424, %dma_start3A_425] : memref<8x16x768xf32, #tpu.memory_space<vmem>> -> memref<1x8x768xf32, #tpu.memory_space<vmem>>
    %dma_start3A_427 = tpu.memref_squeeze %dma_start3A_426 : memref<1x8x768xf32, #tpu.memory_space<vmem>> -> memref<8x768xf32, #tpu.memory_space<vmem>>
    %dma_start3A_428 = arith.constant 0 : i32
    %dma_start3A_429 = tpu.memref_slice %arg4[%add3A_421, %add3A_423, %dma_start3A_428] : memref<4096x32x768xf32, #tpu.memory_space<hbm>> -> memref<1x8x768xf32, #tpu.memory_space<hbm>>
    %dma_start3A_430 = tpu.memref_squeeze %dma_start3A_429 : memref<1x8x768xf32, #tpu.memory_space<hbm>> -> memref<8x768xf32, #tpu.memory_space<hbm>>
    %dma_start3A_431 = arith.constant 0 : i32
    %dma_start3A_432 = tpu.memref_slice %arg4[%add3A_421, %add3A_423, %dma_start3A_431] : memref<4096x32x768xf32, #tpu.memory_space<hbm>> -> memref<1x8x768xf32, #tpu.memory_space<hbm>>
    %dma_start3A_433 = tpu.memref_squeeze %dma_start3A_432 : memref<1x8x768xf32, #tpu.memory_space<hbm>> -> memref<8x768xf32, #tpu.memory_space<hbm>>
    %dma_start3A_434 = arith.constant 8 : i32
    %dma_start3A_435 = arith.constant 0 : i32
    %dma_start3A_436 = tpu.memref_slice %arg5[%squeeze3A_403, %dma_start3A_434, %dma_start3A_435] : memref<8x16x768xf32, #tpu.memory_space<vmem>> -> memref<1x8x768xf32, #tpu.memory_space<vmem>>
    %dma_start3A_437 = tpu.memref_squeeze %dma_start3A_436 : memref<1x8x768xf32, #tpu.memory_space<vmem>> -> memref<8x768xf32, #tpu.memory_space<vmem>>
    tpu.enqueue_dma source(%dma_start3A_437 : memref<8x768xf32, #tpu.memory_space<vmem>>) target(%dma_start3A_433 : memref<8x768xf32, #tpu.memory_space<hbm>>) target_semaphore(%arg7 : memref<!tpu.dma_semaphore, #tpu.memory_space<semaphore_mem>>)
    %slice3A_438 = vector.extract_strided_slice %get3A_44 {offsets = [11], sizes = [1], strides = [1]} : vector<16xi32> to vector<1xi32>
    %squeeze3A_439 = vector.extract %slice3A_438[0] : i32 from vector<1xi32>
    %add3A_440 = arith.constant 11 : i32
    %add3A_441 = arith.addi %mul3A_32, %add3A_440 : i32
    %dma_start3A_442 = arith.constant 0 : i32
    %dma_start3A_443 = arith.constant 0 : i32
    %dma_start3A_444 = tpu.memref_slice %arg5[%squeeze3A_439, %dma_start3A_442, %dma_start3A_443] : memref<8x16x768xf32, #tpu.memory_space<vmem>> -> memref<1x8x768xf32, #tpu.memory_space<vmem>>
    %dma_start3A_445 = tpu.memref_squeeze %dma_start3A_444 : memref<1x8x768xf32, #tpu.memory_space<vmem>> -> memref<8x768xf32, #tpu.memory_space<vmem>>
    %dma_start3A_446 = arith.constant 0 : i32
    %dma_start3A_447 = tpu.memref_slice %arg4[%add3A_441, %mul3A_34, %dma_start3A_446] : memref<4096x32x768xf32, #tpu.memory_space<hbm>> -> memref<1x8x768xf32, #tpu.memory_space<hbm>>
    %dma_start3A_448 = tpu.memref_squeeze %dma_start3A_447 : memref<1x8x768xf32, #tpu.memory_space<hbm>> -> memref<8x768xf32, #tpu.memory_space<hbm>>
    %dma_start3A_449 = arith.constant 0 : i32
    %dma_start3A_450 = tpu.memref_slice %arg4[%add3A_441, %mul3A_34, %dma_start3A_449] : memref<4096x32x768xf32, #tpu.memory_space<hbm>> -> memref<1x8x768xf32, #tpu.memory_space<hbm>>
    %dma_start3A_451 = tpu.memref_squeeze %dma_start3A_450 : memref<1x8x768xf32, #tpu.memory_space<hbm>> -> memref<8x768xf32, #tpu.memory_space<hbm>>
    %dma_start3A_452 = arith.constant 0 : i32
    %dma_start3A_453 = arith.constant 0 : i32
    %dma_start3A_454 = tpu.memref_slice %arg5[%squeeze3A_439, %dma_start3A_452, %dma_start3A_453] : memref<8x16x768xf32, #tpu.memory_space<vmem>> -> memref<1x8x768xf32, #tpu.memory_space<vmem>>
    %dma_start3A_455 = tpu.memref_squeeze %dma_start3A_454 : memref<1x8x768xf32, #tpu.memory_space<vmem>> -> memref<8x768xf32, #tpu.memory_space<vmem>>
    tpu.enqueue_dma source(%dma_start3A_455 : memref<8x768xf32, #tpu.memory_space<vmem>>) target(%dma_start3A_451 : memref<8x768xf32, #tpu.memory_space<hbm>>) target_semaphore(%arg7 : memref<!tpu.dma_semaphore, #tpu.memory_space<semaphore_mem>>)
    %add3A_456 = arith.constant 11 : i32
    %add3A_457 = arith.addi %mul3A_32, %add3A_456 : i32
    %add3A_458 = arith.constant 8 : i32
    %add3A_459 = arith.addi %mul3A_34, %add3A_458 : i32
    %dma_start3A_460 = arith.constant 8 : i32
    %dma_start3A_461 = arith.constant 0 : i32
    %dma_start3A_462 = tpu.memref_slice %arg5[%squeeze3A_439, %dma_start3A_460, %dma_start3A_461] : memref<8x16x768xf32, #tpu.memory_space<vmem>> -> memref<1x8x768xf32, #tpu.memory_space<vmem>>
    %dma_start3A_463 = tpu.memref_squeeze %dma_start3A_462 : memref<1x8x768xf32, #tpu.memory_space<vmem>> -> memref<8x768xf32, #tpu.memory_space<vmem>>
    %dma_start3A_464 = arith.constant 0 : i32
    %dma_start3A_465 = tpu.memref_slice %arg4[%add3A_457, %add3A_459, %dma_start3A_464] : memref<4096x32x768xf32, #tpu.memory_space<hbm>> -> memref<1x8x768xf32, #tpu.memory_space<hbm>>
    %dma_start3A_466 = tpu.memref_squeeze %dma_start3A_465 : memref<1x8x768xf32, #tpu.memory_space<hbm>> -> memref<8x768xf32, #tpu.memory_space<hbm>>
    %dma_start3A_467 = arith.constant 0 : i32
    %dma_start3A_468 = tpu.memref_slice %arg4[%add3A_457, %add3A_459, %dma_start3A_467] : memref<4096x32x768xf32, #tpu.memory_space<hbm>> -> memref<1x8x768xf32, #tpu.memory_space<hbm>>
    %dma_start3A_469 = tpu.memref_squeeze %dma_start3A_468 : memref<1x8x768xf32, #tpu.memory_space<hbm>> -> memref<8x768xf32, #tpu.memory_space<hbm>>
    %dma_start3A_470 = arith.constant 8 : i32
    %dma_start3A_471 = arith.constant 0 : i32
    %dma_start3A_472 = tpu.memref_slice %arg5[%squeeze3A_439, %dma_start3A_470, %dma_start3A_471] : memref<8x16x768xf32, #tpu.memory_space<vmem>> -> memref<1x8x768xf32, #tpu.memory_space<vmem>>
    %dma_start3A_473 = tpu.memref_squeeze %dma_start3A_472 : memref<1x8x768xf32, #tpu.memory_space<vmem>> -> memref<8x768xf32, #tpu.memory_space<vmem>>
    tpu.enqueue_dma source(%dma_start3A_473 : memref<8x768xf32, #tpu.memory_space<vmem>>) target(%dma_start3A_469 : memref<8x768xf32, #tpu.memory_space<hbm>>) target_semaphore(%arg7 : memref<!tpu.dma_semaphore, #tpu.memory_space<semaphore_mem>>)
    %slice3A_474 = vector.extract_strided_slice %get3A_44 {offsets = [12], sizes = [1], strides = [1]} : vector<16xi32> to vector<1xi32>
    %squeeze3A_475 = vector.extract %slice3A_474[0] : i32 from vector<1xi32>
    %add3A_476 = arith.constant 12 : i32
    %add3A_477 = arith.addi %mul3A_32, %add3A_476 : i32
    %dma_start3A_478 = arith.constant 0 : i32
    %dma_start3A_479 = arith.constant 0 : i32
    %dma_start3A_480 = tpu.memref_slice %arg5[%squeeze3A_475, %dma_start3A_478, %dma_start3A_479] : memref<8x16x768xf32, #tpu.memory_space<vmem>> -> memref<1x8x768xf32, #tpu.memory_space<vmem>>
    %dma_start3A_481 = tpu.memref_squeeze %dma_start3A_480 : memref<1x8x768xf32, #tpu.memory_space<vmem>> -> memref<8x768xf32, #tpu.memory_space<vmem>>
    %dma_start3A_482 = arith.constant 0 : i32
    %dma_start3A_483 = tpu.memref_slice %arg4[%add3A_477, %mul3A_34, %dma_start3A_482] : memref<4096x32x768xf32, #tpu.memory_space<hbm>> -> memref<1x8x768xf32, #tpu.memory_space<hbm>>
    %dma_start3A_484 = tpu.memref_squeeze %dma_start3A_483 : memref<1x8x768xf32, #tpu.memory_space<hbm>> -> memref<8x768xf32, #tpu.memory_space<hbm>>
    %dma_start3A_485 = arith.constant 0 : i32
    %dma_start3A_486 = tpu.memref_slice %arg4[%add3A_477, %mul3A_34, %dma_start3A_485] : memref<4096x32x768xf32, #tpu.memory_space<hbm>> -> memref<1x8x768xf32, #tpu.memory_space<hbm>>
    %dma_start3A_487 = tpu.memref_squeeze %dma_start3A_486 : memref<1x8x768xf32, #tpu.memory_space<hbm>> -> memref<8x768xf32, #tpu.memory_space<hbm>>
    %dma_start3A_488 = arith.constant 0 : i32
    %dma_start3A_489 = arith.constant 0 : i32
    %dma_start3A_490 = tpu.memref_slice %arg5[%squeeze3A_475, %dma_start3A_488, %dma_start3A_489] : memref<8x16x768xf32, #tpu.memory_space<vmem>> -> memref<1x8x768xf32, #tpu.memory_space<vmem>>
    %dma_start3A_491 = tpu.memref_squeeze %dma_start3A_490 : memref<1x8x768xf32, #tpu.memory_space<vmem>> -> memref<8x768xf32, #tpu.memory_space<vmem>>
    tpu.enqueue_dma source(%dma_start3A_491 : memref<8x768xf32, #tpu.memory_space<vmem>>) target(%dma_start3A_487 : memref<8x768xf32, #tpu.memory_space<hbm>>) target_semaphore(%arg7 : memref<!tpu.dma_semaphore, #tpu.memory_space<semaphore_mem>>)
    %add3A_492 = arith.constant 12 : i32
    %add3A_493 = arith.addi %mul3A_32, %add3A_492 : i32
    %add3A_494 = arith.constant 8 : i32
    %add3A_495 = arith.addi %mul3A_34, %add3A_494 : i32
    %dma_start3A_496 = arith.constant 8 : i32
    %dma_start3A_497 = arith.constant 0 : i32
    %dma_start3A_498 = tpu.memref_slice %arg5[%squeeze3A_475, %dma_start3A_496, %dma_start3A_497] : memref<8x16x768xf32, #tpu.memory_space<vmem>> -> memref<1x8x768xf32, #tpu.memory_space<vmem>>
    %dma_start3A_499 = tpu.memref_squeeze %dma_start3A_498 : memref<1x8x768xf32, #tpu.memory_space<vmem>> -> memref<8x768xf32, #tpu.memory_space<vmem>>
    %dma_start3A_500 = arith.constant 0 : i32
    %dma_start3A_501 = tpu.memref_slice %arg4[%add3A_493, %add3A_495, %dma_start3A_500] : memref<4096x32x768xf32, #tpu.memory_space<hbm>> -> memref<1x8x768xf32, #tpu.memory_space<hbm>>
    %dma_start3A_502 = tpu.memref_squeeze %dma_start3A_501 : memref<1x8x768xf32, #tpu.memory_space<hbm>> -> memref<8x768xf32, #tpu.memory_space<hbm>>
    %dma_start3A_503 = arith.constant 0 : i32
    %dma_start3A_504 = tpu.memref_slice %arg4[%add3A_493, %add3A_495, %dma_start3A_503] : memref<4096x32x768xf32, #tpu.memory_space<hbm>> -> memref<1x8x768xf32, #tpu.memory_space<hbm>>
    %dma_start3A_505 = tpu.memref_squeeze %dma_start3A_504 : memref<1x8x768xf32, #tpu.memory_space<hbm>> -> memref<8x768xf32, #tpu.memory_space<hbm>>
    %dma_start3A_506 = arith.constant 8 : i32
    %dma_start3A_507 = arith.constant 0 : i32
    %dma_start3A_508 = tpu.memref_slice %arg5[%squeeze3A_475, %dma_start3A_506, %dma_start3A_507] : memref<8x16x768xf32, #tpu.memory_space<vmem>> -> memref<1x8x768xf32, #tpu.memory_space<vmem>>
    %dma_start3A_509 = tpu.memref_squeeze %dma_start3A_508 : memref<1x8x768xf32, #tpu.memory_space<vmem>> -> memref<8x768xf32, #tpu.memory_space<vmem>>
    tpu.enqueue_dma source(%dma_start3A_509 : memref<8x768xf32, #tpu.memory_space<vmem>>) target(%dma_start3A_505 : memref<8x768xf32, #tpu.memory_space<hbm>>) target_semaphore(%arg7 : memref<!tpu.dma_semaphore, #tpu.memory_space<semaphore_mem>>)
    %slice3A_510 = vector.extract_strided_slice %get3A_44 {offsets = [13], sizes = [1], strides = [1]} : vector<16xi32> to vector<1xi32>
    %squeeze3A_511 = vector.extract %slice3A_510[0] : i32 from vector<1xi32>
    %add3A_512 = arith.constant 13 : i32
    %add3A_513 = arith.addi %mul3A_32, %add3A_512 : i32
    %dma_start3A_514 = arith.constant 0 : i32
    %dma_start3A_515 = arith.constant 0 : i32
    %dma_start3A_516 = tpu.memref_slice %arg5[%squeeze3A_511, %dma_start3A_514, %dma_start3A_515] : memref<8x16x768xf32, #tpu.memory_space<vmem>> -> memref<1x8x768xf32, #tpu.memory_space<vmem>>
    %dma_start3A_517 = tpu.memref_squeeze %dma_start3A_516 : memref<1x8x768xf32, #tpu.memory_space<vmem>> -> memref<8x768xf32, #tpu.memory_space<vmem>>
    %dma_start3A_518 = arith.constant 0 : i32
    %dma_start3A_519 = tpu.memref_slice %arg4[%add3A_513, %mul3A_34, %dma_start3A_518] : memref<4096x32x768xf32, #tpu.memory_space<hbm>> -> memref<1x8x768xf32, #tpu.memory_space<hbm>>
    %dma_start3A_520 = tpu.memref_squeeze %dma_start3A_519 : memref<1x8x768xf32, #tpu.memory_space<hbm>> -> memref<8x768xf32, #tpu.memory_space<hbm>>
    %dma_start3A_521 = arith.constant 0 : i32
    %dma_start3A_522 = tpu.memref_slice %arg4[%add3A_513, %mul3A_34, %dma_start3A_521] : memref<4096x32x768xf32, #tpu.memory_space<hbm>> -> memref<1x8x768xf32, #tpu.memory_space<hbm>>
    %dma_start3A_523 = tpu.memref_squeeze %dma_start3A_522 : memref<1x8x768xf32, #tpu.memory_space<hbm>> -> memref<8x768xf32, #tpu.memory_space<hbm>>
    %dma_start3A_524 = arith.constant 0 : i32
    %dma_start3A_525 = arith.constant 0 : i32
    %dma_start3A_526 = tpu.memref_slice %arg5[%squeeze3A_511, %dma_start3A_524, %dma_start3A_525] : memref<8x16x768xf32, #tpu.memory_space<vmem>> -> memref<1x8x768xf32, #tpu.memory_space<vmem>>
    %dma_start3A_527 = tpu.memref_squeeze %dma_start3A_526 : memref<1x8x768xf32, #tpu.memory_space<vmem>> -> memref<8x768xf32, #tpu.memory_space<vmem>>
    tpu.enqueue_dma source(%dma_start3A_527 : memref<8x768xf32, #tpu.memory_space<vmem>>) target(%dma_start3A_523 : memref<8x768xf32, #tpu.memory_space<hbm>>) target_semaphore(%arg7 : memref<!tpu.dma_semaphore, #tpu.memory_space<semaphore_mem>>)
    %add3A_528 = arith.constant 13 : i32
    %add3A_529 = arith.addi %mul3A_32, %add3A_528 : i32
    %add3A_530 = arith.constant 8 : i32
    %add3A_531 = arith.addi %mul3A_34, %add3A_530 : i32
    %dma_start3A_532 = arith.constant 8 : i32
    %dma_start3A_533 = arith.constant 0 : i32
    %dma_start3A_534 = tpu.memref_slice %arg5[%squeeze3A_511, %dma_start3A_532, %dma_start3A_533] : memref<8x16x768xf32, #tpu.memory_space<vmem>> -> memref<1x8x768xf32, #tpu.memory_space<vmem>>
    %dma_start3A_535 = tpu.memref_squeeze %dma_start3A_534 : memref<1x8x768xf32, #tpu.memory_space<vmem>> -> memref<8x768xf32, #tpu.memory_space<vmem>>
    %dma_start3A_536 = arith.constant 0 : i32
    %dma_start3A_537 = tpu.memref_slice %arg4[%add3A_529, %add3A_531, %dma_start3A_536] : memref<4096x32x768xf32, #tpu.memory_space<hbm>> -> memref<1x8x768xf32, #tpu.memory_space<hbm>>
    %dma_start3A_538 = tpu.memref_squeeze %dma_start3A_537 : memref<1x8x768xf32, #tpu.memory_space<hbm>> -> memref<8x768xf32, #tpu.memory_space<hbm>>
    %dma_start3A_539 = arith.constant 0 : i32
    %dma_start3A_540 = tpu.memref_slice %arg4[%add3A_529, %add3A_531, %dma_start3A_539] : memref<4096x32x768xf32, #tpu.memory_space<hbm>> -> memref<1x8x768xf32, #tpu.memory_space<hbm>>
    %dma_start3A_541 = tpu.memref_squeeze %dma_start3A_540 : memref<1x8x768xf32, #tpu.memory_space<hbm>> -> memref<8x768xf32, #tpu.memory_space<hbm>>
    %dma_start3A_542 = arith.constant 8 : i32
    %dma_start3A_543 = arith.constant 0 : i32
    %dma_start3A_544 = tpu.memref_slice %arg5[%squeeze3A_511, %dma_start3A_542, %dma_start3A_543] : memref<8x16x768xf32, #tpu.memory_space<vmem>> -> memref<1x8x768xf32, #tpu.memory_space<vmem>>
    %dma_start3A_545 = tpu.memref_squeeze %dma_start3A_544 : memref<1x8x768xf32, #tpu.memory_space<vmem>> -> memref<8x768xf32, #tpu.memory_space<vmem>>
    tpu.enqueue_dma source(%dma_start3A_545 : memref<8x768xf32, #tpu.memory_space<vmem>>) target(%dma_start3A_541 : memref<8x768xf32, #tpu.memory_space<hbm>>) target_semaphore(%arg7 : memref<!tpu.dma_semaphore, #tpu.memory_space<semaphore_mem>>)
    %slice3A_546 = vector.extract_strided_slice %get3A_44 {offsets = [14], sizes = [1], strides = [1]} : vector<16xi32> to vector<1xi32>
    %squeeze3A_547 = vector.extract %slice3A_546[0] : i32 from vector<1xi32>
    %add3A_548 = arith.constant 14 : i32
    %add3A_549 = arith.addi %mul3A_32, %add3A_548 : i32
    %dma_start3A_550 = arith.constant 0 : i32
    %dma_start3A_551 = arith.constant 0 : i32
    %dma_start3A_552 = tpu.memref_slice %arg5[%squeeze3A_547, %dma_start3A_550, %dma_start3A_551] : memref<8x16x768xf32, #tpu.memory_space<vmem>> -> memref<1x8x768xf32, #tpu.memory_space<vmem>>
    %dma_start3A_553 = tpu.memref_squeeze %dma_start3A_552 : memref<1x8x768xf32, #tpu.memory_space<vmem>> -> memref<8x768xf32, #tpu.memory_space<vmem>>
    %dma_start3A_554 = arith.constant 0 : i32
    %dma_start3A_555 = tpu.memref_slice %arg4[%add3A_549, %mul3A_34, %dma_start3A_554] : memref<4096x32x768xf32, #tpu.memory_space<hbm>> -> memref<1x8x768xf32, #tpu.memory_space<hbm>>
    %dma_start3A_556 = tpu.memref_squeeze %dma_start3A_555 : memref<1x8x768xf32, #tpu.memory_space<hbm>> -> memref<8x768xf32, #tpu.memory_space<hbm>>
    %dma_start3A_557 = arith.constant 0 : i32
    %dma_start3A_558 = tpu.memref_slice %arg4[%add3A_549, %mul3A_34, %dma_start3A_557] : memref<4096x32x768xf32, #tpu.memory_space<hbm>> -> memref<1x8x768xf32, #tpu.memory_space<hbm>>
    %dma_start3A_559 = tpu.memref_squeeze %dma_start3A_558 : memref<1x8x768xf32, #tpu.memory_space<hbm>> -> memref<8x768xf32, #tpu.memory_space<hbm>>
    %dma_start3A_560 = arith.constant 0 : i32
    %dma_start3A_561 = arith.constant 0 : i32
    %dma_start3A_562 = tpu.memref_slice %arg5[%squeeze3A_547, %dma_start3A_560, %dma_start3A_561] : memref<8x16x768xf32, #tpu.memory_space<vmem>> -> memref<1x8x768xf32, #tpu.memory_space<vmem>>
    %dma_start3A_563 = tpu.memref_squeeze %dma_start3A_562 : memref<1x8x768xf32, #tpu.memory_space<vmem>> -> memref<8x768xf32, #tpu.memory_space<vmem>>
    tpu.enqueue_dma source(%dma_start3A_563 : memref<8x768xf32, #tpu.memory_space<vmem>>) target(%dma_start3A_559 : memref<8x768xf32, #tpu.memory_space<hbm>>) target_semaphore(%arg7 : memref<!tpu.dma_semaphore, #tpu.memory_space<semaphore_mem>>)
    %add3A_564 = arith.constant 14 : i32
    %add3A_565 = arith.addi %mul3A_32, %add3A_564 : i32
    %add3A_566 = arith.constant 8 : i32
    %add3A_567 = arith.addi %mul3A_34, %add3A_566 : i32
    %dma_start3A_568 = arith.constant 8 : i32
    %dma_start3A_569 = arith.constant 0 : i32
    %dma_start3A_570 = tpu.memref_slice %arg5[%squeeze3A_547, %dma_start3A_568, %dma_start3A_569] : memref<8x16x768xf32, #tpu.memory_space<vmem>> -> memref<1x8x768xf32, #tpu.memory_space<vmem>>
    %dma_start3A_571 = tpu.memref_squeeze %dma_start3A_570 : memref<1x8x768xf32, #tpu.memory_space<vmem>> -> memref<8x768xf32, #tpu.memory_space<vmem>>
    %dma_start3A_572 = arith.constant 0 : i32
    %dma_start3A_573 = tpu.memref_slice %arg4[%add3A_565, %add3A_567, %dma_start3A_572] : memref<4096x32x768xf32, #tpu.memory_space<hbm>> -> memref<1x8x768xf32, #tpu.memory_space<hbm>>
    %dma_start3A_574 = tpu.memref_squeeze %dma_start3A_573 : memref<1x8x768xf32, #tpu.memory_space<hbm>> -> memref<8x768xf32, #tpu.memory_space<hbm>>
    %dma_start3A_575 = arith.constant 0 : i32
    %dma_start3A_576 = tpu.memref_slice %arg4[%add3A_565, %add3A_567, %dma_start3A_575] : memref<4096x32x768xf32, #tpu.memory_space<hbm>> -> memref<1x8x768xf32, #tpu.memory_space<hbm>>
    %dma_start3A_577 = tpu.memref_squeeze %dma_start3A_576 : memref<1x8x768xf32, #tpu.memory_space<hbm>> -> memref<8x768xf32, #tpu.memory_space<hbm>>
    %dma_start3A_578 = arith.constant 8 : i32
    %dma_start3A_579 = arith.constant 0 : i32
    %dma_start3A_580 = tpu.memref_slice %arg5[%squeeze3A_547, %dma_start3A_578, %dma_start3A_579] : memref<8x16x768xf32, #tpu.memory_space<vmem>> -> memref<1x8x768xf32, #tpu.memory_space<vmem>>
    %dma_start3A_581 = tpu.memref_squeeze %dma_start3A_580 : memref<1x8x768xf32, #tpu.memory_space<vmem>> -> memref<8x768xf32, #tpu.memory_space<vmem>>
    tpu.enqueue_dma source(%dma_start3A_581 : memref<8x768xf32, #tpu.memory_space<vmem>>) target(%dma_start3A_577 : memref<8x768xf32, #tpu.memory_space<hbm>>) target_semaphore(%arg7 : memref<!tpu.dma_semaphore, #tpu.memory_space<semaphore_mem>>)
    %slice3A_582 = vector.extract_strided_slice %get3A_44 {offsets = [15], sizes = [1], strides = [1]} : vector<16xi32> to vector<1xi32>
    %squeeze3A_583 = vector.extract %slice3A_582[0] : i32 from vector<1xi32>
    %add3A_584 = arith.constant 15 : i32
    %add3A_585 = arith.addi %mul3A_32, %add3A_584 : i32
    %dma_start3A_586 = arith.constant 0 : i32
    %dma_start3A_587 = arith.constant 0 : i32
    %dma_start3A_588 = tpu.memref_slice %arg5[%squeeze3A_583, %dma_start3A_586, %dma_start3A_587] : memref<8x16x768xf32, #tpu.memory_space<vmem>> -> memref<1x8x768xf32, #tpu.memory_space<vmem>>
    %dma_start3A_589 = tpu.memref_squeeze %dma_start3A_588 : memref<1x8x768xf32, #tpu.memory_space<vmem>> -> memref<8x768xf32, #tpu.memory_space<vmem>>
    %dma_start3A_590 = arith.constant 0 : i32
    %dma_start3A_591 = tpu.memref_slice %arg4[%add3A_585, %mul3A_34, %dma_start3A_590] : memref<4096x32x768xf32, #tpu.memory_space<hbm>> -> memref<1x8x768xf32, #tpu.memory_space<hbm>>
    %dma_start3A_592 = tpu.memref_squeeze %dma_start3A_591 : memref<1x8x768xf32, #tpu.memory_space<hbm>> -> memref<8x768xf32, #tpu.memory_space<hbm>>
    %dma_start3A_593 = arith.constant 0 : i32
    %dma_start3A_594 = tpu.memref_slice %arg4[%add3A_585, %mul3A_34, %dma_start3A_593] : memref<4096x32x768xf32, #tpu.memory_space<hbm>> -> memref<1x8x768xf32, #tpu.memory_space<hbm>>
    %dma_start3A_595 = tpu.memref_squeeze %dma_start3A_594 : memref<1x8x768xf32, #tpu.memory_space<hbm>> -> memref<8x768xf32, #tpu.memory_space<hbm>>
    %dma_start3A_596 = arith.constant 0 : i32
    %dma_start3A_597 = arith.constant 0 : i32
    %dma_start3A_598 = tpu.memref_slice %arg5[%squeeze3A_583, %dma_start3A_596, %dma_start3A_597] : memref<8x16x768xf32, #tpu.memory_space<vmem>> -> memref<1x8x768xf32, #tpu.memory_space<vmem>>
    %dma_start3A_599 = tpu.memref_squeeze %dma_start3A_598 : memref<1x8x768xf32, #tpu.memory_space<vmem>> -> memref<8x768xf32, #tpu.memory_space<vmem>>
    tpu.enqueue_dma source(%dma_start3A_599 : memref<8x768xf32, #tpu.memory_space<vmem>>) target(%dma_start3A_595 : memref<8x768xf32, #tpu.memory_space<hbm>>) target_semaphore(%arg7 : memref<!tpu.dma_semaphore, #tpu.memory_space<semaphore_mem>>)
    %add3A_600 = arith.constant 15 : i32
    %add3A_601 = arith.addi %mul3A_32, %add3A_600 : i32
    %add3A_602 = arith.constant 8 : i32
    %add3A_603 = arith.addi %mul3A_34, %add3A_602 : i32
    %dma_start3A_604 = arith.constant 8 : i32
    %dma_start3A_605 = arith.constant 0 : i32
    %dma_start3A_606 = tpu.memref_slice %arg5[%squeeze3A_583, %dma_start3A_604, %dma_start3A_605] : memref<8x16x768xf32, #tpu.memory_space<vmem>> -> memref<1x8x768xf32, #tpu.memory_space<vmem>>
    %dma_start3A_607 = tpu.memref_squeeze %dma_start3A_606 : memref<1x8x768xf32, #tpu.memory_space<vmem>> -> memref<8x768xf32, #tpu.memory_space<vmem>>
    %dma_start3A_608 = arith.constant 0 : i32
    %dma_start3A_609 = tpu.memref_slice %arg4[%add3A_601, %add3A_603, %dma_start3A_608] : memref<4096x32x768xf32, #tpu.memory_space<hbm>> -> memref<1x8x768xf32, #tpu.memory_space<hbm>>
    %dma_start3A_610 = tpu.memref_squeeze %dma_start3A_609 : memref<1x8x768xf32, #tpu.memory_space<hbm>> -> memref<8x768xf32, #tpu.memory_space<hbm>>
    %dma_start3A_611 = arith.constant 0 : i32
    %dma_start3A_612 = tpu.memref_slice %arg4[%add3A_601, %add3A_603, %dma_start3A_611] : memref<4096x32x768xf32, #tpu.memory_space<hbm>> -> memref<1x8x768xf32, #tpu.memory_space<hbm>>
    %dma_start3A_613 = tpu.memref_squeeze %dma_start3A_612 : memref<1x8x768xf32, #tpu.memory_space<hbm>> -> memref<8x768xf32, #tpu.memory_space<hbm>>
    %dma_start3A_614 = arith.constant 8 : i32
    %dma_start3A_615 = arith.constant 0 : i32
    %dma_start3A_616 = tpu.memref_slice %arg5[%squeeze3A_583, %dma_start3A_614, %dma_start3A_615] : memref<8x16x768xf32, #tpu.memory_space<vmem>> -> memref<1x8x768xf32, #tpu.memory_space<vmem>>
    %dma_start3A_617 = tpu.memref_squeeze %dma_start3A_616 : memref<1x8x768xf32, #tpu.memory_space<vmem>> -> memref<8x768xf32, #tpu.memory_space<vmem>>
    tpu.enqueue_dma source(%dma_start3A_617 : memref<8x768xf32, #tpu.memory_space<vmem>>) target(%dma_start3A_613 : memref<8x768xf32, #tpu.memory_space<hbm>>) target_semaphore(%arg7 : memref<!tpu.dma_semaphore, #tpu.memory_space<semaphore_mem>>)
    %scan3A = arith.constant 0 : i32
    %scan3A_618 = arith.constant 15 : i32
    %scan3A_619 = arith.addi %scan3A, %scan3A_618 : i32
    %scan3A_620 = arith.constant 1 : i32
    scf.for %scan3A_909 = %scan3A to %scan3A_619 step %scan3A_620  : i32 {
      %mul3A_910 = arith.constant 16 : i32
      %mul3A_911 = arith.muli %scan3A_909, %mul3A_910 : i32
      %add3A_912 = arith.constant 16 : i32
      %add3A_913 = arith.addi %add3A_912, %mul3A_911 : i32
      %get3A_914 = arith.index_cast %add3A_913 : i32 to index
      %get3A_915 = tpu.vector_load %arg6[%get3A_914] {strides = array<i32>} : memref<256xi32, #tpu.memory_space<vmem>>, vector<16xi32>,
      %get3A_916 = vector.shape_cast %get3A_915 : vector<16xi32> to vector<16xi32>
      %dma_wait3A_917 = arith.constant 0 : i32
      %dma_wait3A_918 = arith.constant 0 : i32
      %dma_wait3A_919 = arith.constant 0 : i32
      %dma_wait3A_920 = arith.constant 0 : i32
      %dma_wait3A_921 = tpu.memref_slice %arg5[%dma_wait3A_917, %dma_wait3A_919, %dma_wait3A_920] : memref<8x16x768xf32, #tpu.memory_space<vmem>> -> memref<1x16x768xf32, #tpu.memory_space<vmem>>
      %dma_wait3A_922 = tpu.memref_squeeze %dma_wait3A_921 : memref<1x16x768xf32, #tpu.memory_space<vmem>> -> memref<16x768xf32, #tpu.memory_space<vmem>>
      %dma_wait3A_923 = arith.constant 0 : i32
      %dma_wait3A_924 = arith.constant 0 : i32
      %dma_wait3A_925 = tpu.memref_slice %arg4[%dma_wait3A_918, %dma_wait3A_923, %dma_wait3A_924] : memref<4096x32x768xf32, #tpu.memory_space<hbm>> -> memref<1x16x768xf32, #tpu.memory_space<hbm>>
      %dma_wait3A_926 = tpu.memref_squeeze %dma_wait3A_925 : memref<1x16x768xf32, #tpu.memory_space<hbm>> -> memref<16x768xf32, #tpu.memory_space<hbm>>
      %dma_wait3A_927 = arith.constant 0 : i32
      %dma_wait3A_928 = arith.constant 0 : i32
      %dma_wait3A_929 = tpu.memref_slice %arg4[%dma_wait3A_918, %dma_wait3A_927, %dma_wait3A_928] : memref<4096x32x768xf32, #tpu.memory_space<hbm>> -> memref<1x16x768xf32, #tpu.memory_space<hbm>>
      %dma_wait3A_930 = tpu.memref_squeeze %dma_wait3A_929 : memref<1x16x768xf32, #tpu.memory_space<hbm>> -> memref<16x768xf32, #tpu.memory_space<hbm>>
      %dma_wait3A_931 = arith.constant 0 : i32
      %dma_wait3A_932 = arith.constant 0 : i32
      %dma_wait3A_933 = tpu.memref_slice %arg5[%dma_wait3A_917, %dma_wait3A_931, %dma_wait3A_932] : memref<8x16x768xf32, #tpu.memory_space<vmem>> -> memref<1x16x768xf32, #tpu.memory_space<vmem>>
      %dma_wait3A_934 = tpu.memref_squeeze %dma_wait3A_933 : memref<1x16x768xf32, #tpu.memory_space<vmem>> -> memref<16x768xf32, #tpu.memory_space<vmem>>
      tpu.wait_dma2 semaphore(%arg7 : memref<!tpu.dma_semaphore, #tpu.memory_space<semaphore_mem>>) src(%dma_wait3A_934 : memref<16x768xf32, #tpu.memory_space<vmem>>) dst(%dma_wait3A_930 : memref<16x768xf32, #tpu.memory_space<hbm>>)
      %add3A_935 = arith.constant 0 : i32
      %add3A_936 = arith.addi %add3A_913, %add3A_935 : i32
      %slice3A_937 = vector.extract_strided_slice %get3A_916 {offsets = [0], sizes = [1], strides = [1]} : vector<16xi32> to vector<1xi32>
      %squeeze3A_938 = vector.extract %slice3A_937[0] : i32 from vector<1xi32>
      %add3A_939 = arith.addi %mul3A_32, %add3A_936 : i32
      %dma_start3A_940 = arith.constant 0 : i32
      %dma_start3A_941 = arith.constant 0 : i32
      %dma_start3A_942 = tpu.memref_slice %arg5[%squeeze3A_938, %dma_start3A_940, %dma_start3A_941] : memref<8x16x768xf32, #tpu.memory_space<vmem>> -> memref<1x8x768xf32, #tpu.memory_space<vmem>>
      %dma_start3A_943 = tpu.memref_squeeze %dma_start3A_942 : memref<1x8x768xf32, #tpu.memory_space<vmem>> -> memref<8x768xf32, #tpu.memory_space<vmem>>
      %dma_start3A_944 = arith.constant 0 : i32
      %dma_start3A_945 = tpu.memref_slice %arg4[%add3A_939, %mul3A_34, %dma_start3A_944] : memref<4096x32x768xf32, #tpu.memory_space<hbm>> -> memref<1x8x768xf32, #tpu.memory_space<hbm>>
      %dma_start3A_946 = tpu.memref_squeeze %dma_start3A_945 : memref<1x8x768xf32, #tpu.memory_space<hbm>> -> memref<8x768xf32, #tpu.memory_space<hbm>>
      %dma_start3A_947 = arith.constant 0 : i32
      %dma_start3A_948 = tpu.memref_slice %arg4[%add3A_939, %mul3A_34, %dma_start3A_947] : memref<4096x32x768xf32, #tpu.memory_space<hbm>> -> memref<1x8x768xf32, #tpu.memory_space<hbm>>
      %dma_start3A_949 = tpu.memref_squeeze %dma_start3A_948 : memref<1x8x768xf32, #tpu.memory_space<hbm>> -> memref<8x768xf32, #tpu.memory_space<hbm>>
      %dma_start3A_950 = arith.constant 0 : i32
      %dma_start3A_951 = arith.constant 0 : i32
      %dma_start3A_952 = tpu.memref_slice %arg5[%squeeze3A_938, %dma_start3A_950, %dma_start3A_951] : memref<8x16x768xf32, #tpu.memory_space<vmem>> -> memref<1x8x768xf32, #tpu.memory_space<vmem>>
      %dma_start3A_953 = tpu.memref_squeeze %dma_start3A_952 : memref<1x8x768xf32, #tpu.memory_space<vmem>> -> memref<8x768xf32, #tpu.memory_space<vmem>>
      tpu.enqueue_dma source(%dma_start3A_953 : memref<8x768xf32, #tpu.memory_space<vmem>>) target(%dma_start3A_949 : memref<8x768xf32, #tpu.memory_space<hbm>>) target_semaphore(%arg7 : memref<!tpu.dma_semaphore, #tpu.memory_space<semaphore_mem>>)
      %add3A_954 = arith.addi %mul3A_32, %add3A_936 : i32
      %add3A_955 = arith.constant 8 : i32
      %add3A_956 = arith.addi %mul3A_34, %add3A_955 : i32
      %dma_start3A_957 = arith.constant 8 : i32
      %dma_start3A_958 = arith.constant 0 : i32
      %dma_start3A_959 = tpu.memref_slice %arg5[%squeeze3A_938, %dma_start3A_957, %dma_start3A_958] : memref<8x16x768xf32, #tpu.memory_space<vmem>> -> memref<1x8x768xf32, #tpu.memory_space<vmem>>
      %dma_start3A_960 = tpu.memref_squeeze %dma_start3A_959 : memref<1x8x768xf32, #tpu.memory_space<vmem>> -> memref<8x768xf32, #tpu.memory_space<vmem>>
      %dma_start3A_961 = arith.constant 0 : i32
      %dma_start3A_962 = tpu.memref_slice %arg4[%add3A_954, %add3A_956, %dma_start3A_961] : memref<4096x32x768xf32, #tpu.memory_space<hbm>> -> memref<1x8x768xf32, #tpu.memory_space<hbm>>
      %dma_start3A_963 = tpu.memref_squeeze %dma_start3A_962 : memref<1x8x768xf32, #tpu.memory_space<hbm>> -> memref<8x768xf32, #tpu.memory_space<hbm>>
      %dma_start3A_964 = arith.constant 0 : i32
      %dma_start3A_965 = tpu.memref_slice %arg4[%add3A_954, %add3A_956, %dma_start3A_964] : memref<4096x32x768xf32, #tpu.memory_space<hbm>> -> memref<1x8x768xf32, #tpu.memory_space<hbm>>
      %dma_start3A_966 = tpu.memref_squeeze %dma_start3A_965 : memref<1x8x768xf32, #tpu.memory_space<hbm>> -> memref<8x768xf32, #tpu.memory_space<hbm>>
      %dma_start3A_967 = arith.constant 8 : i32
      %dma_start3A_968 = arith.constant 0 : i32
      %dma_start3A_969 = tpu.memref_slice %arg5[%squeeze3A_938, %dma_start3A_967, %dma_start3A_968] : memref<8x16x768xf32, #tpu.memory_space<vmem>> -> memref<1x8x768xf32, #tpu.memory_space<vmem>>
      %dma_start3A_970 = tpu.memref_squeeze %dma_start3A_969 : memref<1x8x768xf32, #tpu.memory_space<vmem>> -> memref<8x768xf32, #tpu.memory_space<vmem>>
      tpu.enqueue_dma source(%dma_start3A_970 : memref<8x768xf32, #tpu.memory_space<vmem>>) target(%dma_start3A_966 : memref<8x768xf32, #tpu.memory_space<hbm>>) target_semaphore(%arg7 : memref<!tpu.dma_semaphore, #tpu.memory_space<semaphore_mem>>)
      %dma_wait3A_971 = arith.constant 0 : i32
      %dma_wait3A_972 = arith.constant 0 : i32
      %dma_wait3A_973 = arith.constant 0 : i32
      %dma_wait3A_974 = arith.constant 0 : i32
      %dma_wait3A_975 = tpu.memref_slice %arg5[%dma_wait3A_971, %dma_wait3A_973, %dma_wait3A_974] : memref<8x16x768xf32, #tpu.memory_space<vmem>> -> memref<1x16x768xf32, #tpu.memory_space<vmem>>
      %dma_wait3A_976 = tpu.memref_squeeze %dma_wait3A_975 : memref<1x16x768xf32, #tpu.memory_space<vmem>> -> memref<16x768xf32, #tpu.memory_space<vmem>>
      %dma_wait3A_977 = arith.constant 0 : i32
      %dma_wait3A_978 = arith.constant 0 : i32
      %dma_wait3A_979 = tpu.memref_slice %arg4[%dma_wait3A_972, %dma_wait3A_977, %dma_wait3A_978] : memref<4096x32x768xf32, #tpu.memory_space<hbm>> -> memref<1x16x768xf32, #tpu.memory_space<hbm>>
      %dma_wait3A_980 = tpu.memref_squeeze %dma_wait3A_979 : memref<1x16x768xf32, #tpu.memory_space<hbm>> -> memref<16x768xf32, #tpu.memory_space<hbm>>
      %dma_wait3A_981 = arith.constant 0 : i32
      %dma_wait3A_982 = arith.constant 0 : i32
      %dma_wait3A_983 = tpu.memref_slice %arg4[%dma_wait3A_972, %dma_wait3A_981, %dma_wait3A_982] : memref<4096x32x768xf32, #tpu.memory_space<hbm>> -> memref<1x16x768xf32, #tpu.memory_space<hbm>>
      %dma_wait3A_984 = tpu.memref_squeeze %dma_wait3A_983 : memref<1x16x768xf32, #tpu.memory_space<hbm>> -> memref<16x768xf32, #tpu.memory_space<hbm>>
      %dma_wait3A_985 = arith.constant 0 : i32
      %dma_wait3A_986 = arith.constant 0 : i32
      %dma_wait3A_987 = tpu.memref_slice %arg5[%dma_wait3A_971, %dma_wait3A_985, %dma_wait3A_986] : memref<8x16x768xf32, #tpu.memory_space<vmem>> -> memref<1x16x768xf32, #tpu.memory_space<vmem>>
      %dma_wait3A_988 = tpu.memref_squeeze %dma_wait3A_987 : memref<1x16x768xf32, #tpu.memory_space<vmem>> -> memref<16x768xf32, #tpu.memory_space<vmem>>
      tpu.wait_dma2 semaphore(%arg7 : memref<!tpu.dma_semaphore, #tpu.memory_space<semaphore_mem>>) src(%dma_wait3A_988 : memref<16x768xf32, #tpu.memory_space<vmem>>) dst(%dma_wait3A_984 : memref<16x768xf32, #tpu.memory_space<hbm>>)
      %add3A_989 = arith.constant 1 : i32
      %add3A_990 = arith.addi %add3A_913, %add3A_989 : i32
      %slice3A_991 = vector.extract_strided_slice %get3A_916 {offsets = [1], sizes = [1], strides = [1]} : vector<16xi32> to vector<1xi32>
      %squeeze3A_992 = vector.extract %slice3A_991[0] : i32 from vector<1xi32>
      %add3A_993 = arith.addi %mul3A_32, %add3A_990 : i32
      %dma_start3A_994 = arith.constant 0 : i32
      %dma_start3A_995 = arith.constant 0 : i32
      %dma_start3A_996 = tpu.memref_slice %arg5[%squeeze3A_992, %dma_start3A_994, %dma_start3A_995] : memref<8x16x768xf32, #tpu.memory_space<vmem>> -> memref<1x8x768xf32, #tpu.memory_space<vmem>>
      %dma_start3A_997 = tpu.memref_squeeze %dma_start3A_996 : memref<1x8x768xf32, #tpu.memory_space<vmem>> -> memref<8x768xf32, #tpu.memory_space<vmem>>
      %dma_start3A_998 = arith.constant 0 : i32
      %dma_start3A_999 = tpu.memref_slice %arg4[%add3A_993, %mul3A_34, %dma_start3A_998] : memref<4096x32x768xf32, #tpu.memory_space<hbm>> -> memref<1x8x768xf32, #tpu.memory_space<hbm>>
      %dma_start3A_1000 = tpu.memref_squeeze %dma_start3A_999 : memref<1x8x768xf32, #tpu.memory_space<hbm>> -> memref<8x768xf32, #tpu.memory_space<hbm>>
      %dma_start3A_1001 = arith.constant 0 : i32
      %dma_start3A_1002 = tpu.memref_slice %arg4[%add3A_993, %mul3A_34, %dma_start3A_1001] : memref<4096x32x768xf32, #tpu.memory_space<hbm>> -> memref<1x8x768xf32, #tpu.memory_space<hbm>>
      %dma_start3A_1003 = tpu.memref_squeeze %dma_start3A_1002 : memref<1x8x768xf32, #tpu.memory_space<hbm>> -> memref<8x768xf32, #tpu.memory_space<hbm>>
      %dma_start3A_1004 = arith.constant 0 : i32
      %dma_start3A_1005 = arith.constant 0 : i32
      %dma_start3A_1006 = tpu.memref_slice %arg5[%squeeze3A_992, %dma_start3A_1004, %dma_start3A_1005] : memref<8x16x768xf32, #tpu.memory_space<vmem>> -> memref<1x8x768xf32, #tpu.memory_space<vmem>>
      %dma_start3A_1007 = tpu.memref_squeeze %dma_start3A_1006 : memref<1x8x768xf32, #tpu.memory_space<vmem>> -> memref<8x768xf32, #tpu.memory_space<vmem>>
      tpu.enqueue_dma source(%dma_start3A_1007 : memref<8x768xf32, #tpu.memory_space<vmem>>) target(%dma_start3A_1003 : memref<8x768xf32, #tpu.memory_space<hbm>>) target_semaphore(%arg7 : memref<!tpu.dma_semaphore, #tpu.memory_space<semaphore_mem>>)
      %add3A_1008 = arith.addi %mul3A_32, %add3A_990 : i32
      %add3A_1009 = arith.constant 8 : i32
      %add3A_1010 = arith.addi %mul3A_34, %add3A_1009 : i32
      %dma_start3A_1011 = arith.constant 8 : i32
      %dma_start3A_1012 = arith.constant 0 : i32
      %dma_start3A_1013 = tpu.memref_slice %arg5[%squeeze3A_992, %dma_start3A_1011, %dma_start3A_1012] : memref<8x16x768xf32, #tpu.memory_space<vmem>> -> memref<1x8x768xf32, #tpu.memory_space<vmem>>
      %dma_start3A_1014 = tpu.memref_squeeze %dma_start3A_1013 : memref<1x8x768xf32, #tpu.memory_space<vmem>> -> memref<8x768xf32, #tpu.memory_space<vmem>>
      %dma_start3A_1015 = arith.constant 0 : i32
      %dma_start3A_1016 = tpu.memref_slice %arg4[%add3A_1008, %add3A_1010, %dma_start3A_1015] : memref<4096x32x768xf32, #tpu.memory_space<hbm>> -> memref<1x8x768xf32, #tpu.memory_space<hbm>>
      %dma_start3A_1017 = tpu.memref_squeeze %dma_start3A_1016 : memref<1x8x768xf32, #tpu.memory_space<hbm>> -> memref<8x768xf32, #tpu.memory_space<hbm>>
      %dma_start3A_1018 = arith.constant 0 : i32
      %dma_start3A_1019 = tpu.memref_slice %arg4[%add3A_1008, %add3A_1010, %dma_start3A_1018] : memref<4096x32x768xf32, #tpu.memory_space<hbm>> -> memref<1x8x768xf32, #tpu.memory_space<hbm>>
      %dma_start3A_1020 = tpu.memref_squeeze %dma_start3A_1019 : memref<1x8x768xf32, #tpu.memory_space<hbm>> -> memref<8x768xf32, #tpu.memory_space<hbm>>
      %dma_start3A_1021 = arith.constant 8 : i32
      %dma_start3A_1022 = arith.constant 0 : i32
      %dma_start3A_1023 = tpu.memref_slice %arg5[%squeeze3A_992, %dma_start3A_1021, %dma_start3A_1022] : memref<8x16x768xf32, #tpu.memory_space<vmem>> -> memref<1x8x768xf32, #tpu.memory_space<vmem>>
      %dma_start3A_1024 = tpu.memref_squeeze %dma_start3A_1023 : memref<1x8x768xf32, #tpu.memory_space<vmem>> -> memref<8x768xf32, #tpu.memory_space<vmem>>
      tpu.enqueue_dma source(%dma_start3A_1024 : memref<8x768xf32, #tpu.memory_space<vmem>>) target(%dma_start3A_1020 : memref<8x768xf32, #tpu.memory_space<hbm>>) target_semaphore(%arg7 : memref<!tpu.dma_semaphore, #tpu.memory_space<semaphore_mem>>)
      %dma_wait3A_1025 = arith.constant 0 : i32
      %dma_wait3A_1026 = arith.constant 0 : i32
      %dma_wait3A_1027 = arith.constant 0 : i32
      %dma_wait3A_1028 = arith.constant 0 : i32
      %dma_wait3A_1029 = tpu.memref_slice %arg5[%dma_wait3A_1025, %dma_wait3A_1027, %dma_wait3A_1028] : memref<8x16x768xf32, #tpu.memory_space<vmem>> -> memref<1x16x768xf32, #tpu.memory_space<vmem>>
      %dma_wait3A_1030 = tpu.memref_squeeze %dma_wait3A_1029 : memref<1x16x768xf32, #tpu.memory_space<vmem>> -> memref<16x768xf32, #tpu.memory_space<vmem>>
      %dma_wait3A_1031 = arith.constant 0 : i32
      %dma_wait3A_1032 = arith.constant 0 : i32
      %dma_wait3A_1033 = tpu.memref_slice %arg4[%dma_wait3A_1026, %dma_wait3A_1031, %dma_wait3A_1032] : memref<4096x32x768xf32, #tpu.memory_space<hbm>> -> memref<1x16x768xf32, #tpu.memory_space<hbm>>
      %dma_wait3A_1034 = tpu.memref_squeeze %dma_wait3A_1033 : memref<1x16x768xf32, #tpu.memory_space<hbm>> -> memref<16x768xf32, #tpu.memory_space<hbm>>
      %dma_wait3A_1035 = arith.constant 0 : i32
      %dma_wait3A_1036 = arith.constant 0 : i32
      %dma_wait3A_1037 = tpu.memref_slice %arg4[%dma_wait3A_1026, %dma_wait3A_1035, %dma_wait3A_1036] : memref<4096x32x768xf32, #tpu.memory_space<hbm>> -> memref<1x16x768xf32, #tpu.memory_space<hbm>>
      %dma_wait3A_1038 = tpu.memref_squeeze %dma_wait3A_1037 : memref<1x16x768xf32, #tpu.memory_space<hbm>> -> memref<16x768xf32, #tpu.memory_space<hbm>>
      %dma_wait3A_1039 = arith.constant 0 : i32
      %dma_wait3A_1040 = arith.constant 0 : i32
      %dma_wait3A_1041 = tpu.memref_slice %arg5[%dma_wait3A_1025, %dma_wait3A_1039, %dma_wait3A_1040] : memref<8x16x768xf32, #tpu.memory_space<vmem>> -> memref<1x16x768xf32, #tpu.memory_space<vmem>>
      %dma_wait3A_1042 = tpu.memref_squeeze %dma_wait3A_1041 : memref<1x16x768xf32, #tpu.memory_space<vmem>> -> memref<16x768xf32, #tpu.memory_space<vmem>>
      tpu.wait_dma2 semaphore(%arg7 : memref<!tpu.dma_semaphore, #tpu.memory_space<semaphore_mem>>) src(%dma_wait3A_1042 : memref<16x768xf32, #tpu.memory_space<vmem>>) dst(%dma_wait3A_1038 : memref<16x768xf32, #tpu.memory_space<hbm>>)
      %add3A_1043 = arith.constant 2 : i32
      %add3A_1044 = arith.addi %add3A_913, %add3A_1043 : i32
      %slice3A_1045 = vector.extract_strided_slice %get3A_916 {offsets = [2], sizes = [1], strides = [1]} : vector<16xi32> to vector<1xi32>
      %squeeze3A_1046 = vector.extract %slice3A_1045[0] : i32 from vector<1xi32>
      %add3A_1047 = arith.addi %mul3A_32, %add3A_1044 : i32
      %dma_start3A_1048 = arith.constant 0 : i32
      %dma_start3A_1049 = arith.constant 0 : i32
      %dma_start3A_1050 = tpu.memref_slice %arg5[%squeeze3A_1046, %dma_start3A_1048, %dma_start3A_1049] : memref<8x16x768xf32, #tpu.memory_space<vmem>> -> memref<1x8x768xf32, #tpu.memory_space<vmem>>
      %dma_start3A_1051 = tpu.memref_squeeze %dma_start3A_1050 : memref<1x8x768xf32, #tpu.memory_space<vmem>> -> memref<8x768xf32, #tpu.memory_space<vmem>>
      %dma_start3A_1052 = arith.constant 0 : i32
      %dma_start3A_1053 = tpu.memref_slice %arg4[%add3A_1047, %mul3A_34, %dma_start3A_1052] : memref<4096x32x768xf32, #tpu.memory_space<hbm>> -> memref<1x8x768xf32, #tpu.memory_space<hbm>>
      %dma_start3A_1054 = tpu.memref_squeeze %dma_start3A_1053 : memref<1x8x768xf32, #tpu.memory_space<hbm>> -> memref<8x768xf32, #tpu.memory_space<hbm>>
      %dma_start3A_1055 = arith.constant 0 : i32
      %dma_start3A_1056 = tpu.memref_slice %arg4[%add3A_1047, %mul3A_34, %dma_start3A_1055] : memref<4096x32x768xf32, #tpu.memory_space<hbm>> -> memref<1x8x768xf32, #tpu.memory_space<hbm>>
      %dma_start3A_1057 = tpu.memref_squeeze %dma_start3A_1056 : memref<1x8x768xf32, #tpu.memory_space<hbm>> -> memref<8x768xf32, #tpu.memory_space<hbm>>
      %dma_start3A_1058 = arith.constant 0 : i32
      %dma_start3A_1059 = arith.constant 0 : i32
      %dma_start3A_1060 = tpu.memref_slice %arg5[%squeeze3A_1046, %dma_start3A_1058, %dma_start3A_1059] : memref<8x16x768xf32, #tpu.memory_space<vmem>> -> memref<1x8x768xf32, #tpu.memory_space<vmem>>
      %dma_start3A_1061 = tpu.memref_squeeze %dma_start3A_1060 : memref<1x8x768xf32, #tpu.memory_space<vmem>> -> memref<8x768xf32, #tpu.memory_space<vmem>>
      tpu.enqueue_dma source(%dma_start3A_1061 : memref<8x768xf32, #tpu.memory_space<vmem>>) target(%dma_start3A_1057 : memref<8x768xf32, #tpu.memory_space<hbm>>) target_semaphore(%arg7 : memref<!tpu.dma_semaphore, #tpu.memory_space<semaphore_mem>>)
      %add3A_1062 = arith.addi %mul3A_32, %add3A_1044 : i32
      %add3A_1063 = arith.constant 8 : i32
      %add3A_1064 = arith.addi %mul3A_34, %add3A_1063 : i32
      %dma_start3A_1065 = arith.constant 8 : i32
      %dma_start3A_1066 = arith.constant 0 : i32
      %dma_start3A_1067 = tpu.memref_slice %arg5[%squeeze3A_1046, %dma_start3A_1065, %dma_start3A_1066] : memref<8x16x768xf32, #tpu.memory_space<vmem>> -> memref<1x8x768xf32, #tpu.memory_space<vmem>>
      %dma_start3A_1068 = tpu.memref_squeeze %dma_start3A_1067 : memref<1x8x768xf32, #tpu.memory_space<vmem>> -> memref<8x768xf32, #tpu.memory_space<vmem>>
      %dma_start3A_1069 = arith.constant 0 : i32
      %dma_start3A_1070 = tpu.memref_slice %arg4[%add3A_1062, %add3A_1064, %dma_start3A_1069] : memref<4096x32x768xf32, #tpu.memory_space<hbm>> -> memref<1x8x768xf32, #tpu.memory_space<hbm>>
      %dma_start3A_1071 = tpu.memref_squeeze %dma_start3A_1070 : memref<1x8x768xf32, #tpu.memory_space<hbm>> -> memref<8x768xf32, #tpu.memory_space<hbm>>
      %dma_start3A_1072 = arith.constant 0 : i32
      %dma_start3A_1073 = tpu.memref_slice %arg4[%add3A_1062, %add3A_1064, %dma_start3A_1072] : memref<4096x32x768xf32, #tpu.memory_space<hbm>> -> memref<1x8x768xf32, #tpu.memory_space<hbm>>
      %dma_start3A_1074 = tpu.memref_squeeze %dma_start3A_1073 : memref<1x8x768xf32, #tpu.memory_space<hbm>> -> memref<8x768xf32, #tpu.memory_space<hbm>>
      %dma_start3A_1075 = arith.constant 8 : i32
      %dma_start3A_1076 = arith.constant 0 : i32
      %dma_start3A_1077 = tpu.memref_slice %arg5[%squeeze3A_1046, %dma_start3A_1075, %dma_start3A_1076] : memref<8x16x768xf32, #tpu.memory_space<vmem>> -> memref<1x8x768xf32, #tpu.memory_space<vmem>>
      %dma_start3A_1078 = tpu.memref_squeeze %dma_start3A_1077 : memref<1x8x768xf32, #tpu.memory_space<vmem>> -> memref<8x768xf32, #tpu.memory_space<vmem>>
      tpu.enqueue_dma source(%dma_start3A_1078 : memref<8x768xf32, #tpu.memory_space<vmem>>) target(%dma_start3A_1074 : memref<8x768xf32, #tpu.memory_space<hbm>>) target_semaphore(%arg7 : memref<!tpu.dma_semaphore, #tpu.memory_space<semaphore_mem>>)
      %dma_wait3A_1079 = arith.constant 0 : i32
      %dma_wait3A_1080 = arith.constant 0 : i32
      %dma_wait3A_1081 = arith.constant 0 : i32
      %dma_wait3A_1082 = arith.constant 0 : i32
      %dma_wait3A_1083 = tpu.memref_slice %arg5[%dma_wait3A_1079, %dma_wait3A_1081, %dma_wait3A_1082] : memref<8x16x768xf32, #tpu.memory_space<vmem>> -> memref<1x16x768xf32, #tpu.memory_space<vmem>>
      %dma_wait3A_1084 = tpu.memref_squeeze %dma_wait3A_1083 : memref<1x16x768xf32, #tpu.memory_space<vmem>> -> memref<16x768xf32, #tpu.memory_space<vmem>>
      %dma_wait3A_1085 = arith.constant 0 : i32
      %dma_wait3A_1086 = arith.constant 0 : i32
      %dma_wait3A_1087 = tpu.memref_slice %arg4[%dma_wait3A_1080, %dma_wait3A_1085, %dma_wait3A_1086] : memref<4096x32x768xf32, #tpu.memory_space<hbm>> -> memref<1x16x768xf32, #tpu.memory_space<hbm>>
      %dma_wait3A_1088 = tpu.memref_squeeze %dma_wait3A_1087 : memref<1x16x768xf32, #tpu.memory_space<hbm>> -> memref<16x768xf32, #tpu.memory_space<hbm>>
      %dma_wait3A_1089 = arith.constant 0 : i32
      %dma_wait3A_1090 = arith.constant 0 : i32
      %dma_wait3A_1091 = tpu.memref_slice %arg4[%dma_wait3A_1080, %dma_wait3A_1089, %dma_wait3A_1090] : memref<4096x32x768xf32, #tpu.memory_space<hbm>> -> memref<1x16x768xf32, #tpu.memory_space<hbm>>
      %dma_wait3A_1092 = tpu.memref_squeeze %dma_wait3A_1091 : memref<1x16x768xf32, #tpu.memory_space<hbm>> -> memref<16x768xf32, #tpu.memory_space<hbm>>
      %dma_wait3A_1093 = arith.constant 0 : i32
      %dma_wait3A_1094 = arith.constant 0 : i32
      %dma_wait3A_1095 = tpu.memref_slice %arg5[%dma_wait3A_1079, %dma_wait3A_1093, %dma_wait3A_1094] : memref<8x16x768xf32, #tpu.memory_space<vmem>> -> memref<1x16x768xf32, #tpu.memory_space<vmem>>
      %dma_wait3A_1096 = tpu.memref_squeeze %dma_wait3A_1095 : memref<1x16x768xf32, #tpu.memory_space<vmem>> -> memref<16x768xf32, #tpu.memory_space<vmem>>
      tpu.wait_dma2 semaphore(%arg7 : memref<!tpu.dma_semaphore, #tpu.memory_space<semaphore_mem>>) src(%dma_wait3A_1096 : memref<16x768xf32, #tpu.memory_space<vmem>>) dst(%dma_wait3A_1092 : memref<16x768xf32, #tpu.memory_space<hbm>>)
      %add3A_1097 = arith.constant 3 : i32
      %add3A_1098 = arith.addi %add3A_913, %add3A_1097 : i32
      %slice3A_1099 = vector.extract_strided_slice %get3A_916 {offsets = [3], sizes = [1], strides = [1]} : vector<16xi32> to vector<1xi32>
      %squeeze3A_1100 = vector.extract %slice3A_1099[0] : i32 from vector<1xi32>
      %add3A_1101 = arith.addi %mul3A_32, %add3A_1098 : i32
      %dma_start3A_1102 = arith.constant 0 : i32
      %dma_start3A_1103 = arith.constant 0 : i32
      %dma_start3A_1104 = tpu.memref_slice %arg5[%squeeze3A_1100, %dma_start3A_1102, %dma_start3A_1103] : memref<8x16x768xf32, #tpu.memory_space<vmem>> -> memref<1x8x768xf32, #tpu.memory_space<vmem>>
      %dma_start3A_1105 = tpu.memref_squeeze %dma_start3A_1104 : memref<1x8x768xf32, #tpu.memory_space<vmem>> -> memref<8x768xf32, #tpu.memory_space<vmem>>
      %dma_start3A_1106 = arith.constant 0 : i32
      %dma_start3A_1107 = tpu.memref_slice %arg4[%add3A_1101, %mul3A_34, %dma_start3A_1106] : memref<4096x32x768xf32, #tpu.memory_space<hbm>> -> memref<1x8x768xf32, #tpu.memory_space<hbm>>
      %dma_start3A_1108 = tpu.memref_squeeze %dma_start3A_1107 : memref<1x8x768xf32, #tpu.memory_space<hbm>> -> memref<8x768xf32, #tpu.memory_space<hbm>>
      %dma_start3A_1109 = arith.constant 0 : i32
      %dma_start3A_1110 = tpu.memref_slice %arg4[%add3A_1101, %mul3A_34, %dma_start3A_1109] : memref<4096x32x768xf32, #tpu.memory_space<hbm>> -> memref<1x8x768xf32, #tpu.memory_space<hbm>>
      %dma_start3A_1111 = tpu.memref_squeeze %dma_start3A_1110 : memref<1x8x768xf32, #tpu.memory_space<hbm>> -> memref<8x768xf32, #tpu.memory_space<hbm>>
      %dma_start3A_1112 = arith.constant 0 : i32
      %dma_start3A_1113 = arith.constant 0 : i32
      %dma_start3A_1114 = tpu.memref_slice %arg5[%squeeze3A_1100, %dma_start3A_1112, %dma_start3A_1113] : memref<8x16x768xf32, #tpu.memory_space<vmem>> -> memref<1x8x768xf32, #tpu.memory_space<vmem>>
      %dma_start3A_1115 = tpu.memref_squeeze %dma_start3A_1114 : memref<1x8x768xf32, #tpu.memory_space<vmem>> -> memref<8x768xf32, #tpu.memory_space<vmem>>
      tpu.enqueue_dma source(%dma_start3A_1115 : memref<8x768xf32, #tpu.memory_space<vmem>>) target(%dma_start3A_1111 : memref<8x768xf32, #tpu.memory_space<hbm>>) target_semaphore(%arg7 : memref<!tpu.dma_semaphore, #tpu.memory_space<semaphore_mem>>)
      %add3A_1116 = arith.addi %mul3A_32, %add3A_1098 : i32
      %add3A_1117 = arith.constant 8 : i32
      %add3A_1118 = arith.addi %mul3A_34, %add3A_1117 : i32
      %dma_start3A_1119 = arith.constant 8 : i32
      %dma_start3A_1120 = arith.constant 0 : i32
      %dma_start3A_1121 = tpu.memref_slice %arg5[%squeeze3A_1100, %dma_start3A_1119, %dma_start3A_1120] : memref<8x16x768xf32, #tpu.memory_space<vmem>> -> memref<1x8x768xf32, #tpu.memory_space<vmem>>
      %dma_start3A_1122 = tpu.memref_squeeze %dma_start3A_1121 : memref<1x8x768xf32, #tpu.memory_space<vmem>> -> memref<8x768xf32, #tpu.memory_space<vmem>>
      %dma_start3A_1123 = arith.constant 0 : i32
      %dma_start3A_1124 = tpu.memref_slice %arg4[%add3A_1116, %add3A_1118, %dma_start3A_1123] : memref<4096x32x768xf32, #tpu.memory_space<hbm>> -> memref<1x8x768xf32, #tpu.memory_space<hbm>>
      %dma_start3A_1125 = tpu.memref_squeeze %dma_start3A_1124 : memref<1x8x768xf32, #tpu.memory_space<hbm>> -> memref<8x768xf32, #tpu.memory_space<hbm>>
      %dma_start3A_1126 = arith.constant 0 : i32
      %dma_start3A_1127 = tpu.memref_slice %arg4[%add3A_1116, %add3A_1118, %dma_start3A_1126] : memref<4096x32x768xf32, #tpu.memory_space<hbm>> -> memref<1x8x768xf32, #tpu.memory_space<hbm>>
      %dma_start3A_1128 = tpu.memref_squeeze %dma_start3A_1127 : memref<1x8x768xf32, #tpu.memory_space<hbm>> -> memref<8x768xf32, #tpu.memory_space<hbm>>
      %dma_start3A_1129 = arith.constant 8 : i32
      %dma_start3A_1130 = arith.constant 0 : i32
      %dma_start3A_1131 = tpu.memref_slice %arg5[%squeeze3A_1100, %dma_start3A_1129, %dma_start3A_1130] : memref<8x16x768xf32, #tpu.memory_space<vmem>> -> memref<1x8x768xf32, #tpu.memory_space<vmem>>
      %dma_start3A_1132 = tpu.memref_squeeze %dma_start3A_1131 : memref<1x8x768xf32, #tpu.memory_space<vmem>> -> memref<8x768xf32, #tpu.memory_space<vmem>>
      tpu.enqueue_dma source(%dma_start3A_1132 : memref<8x768xf32, #tpu.memory_space<vmem>>) target(%dma_start3A_1128 : memref<8x768xf32, #tpu.memory_space<hbm>>) target_semaphore(%arg7 : memref<!tpu.dma_semaphore, #tpu.memory_space<semaphore_mem>>)
      %dma_wait3A_1133 = arith.constant 0 : i32
      %dma_wait3A_1134 = arith.constant 0 : i32
      %dma_wait3A_1135 = arith.constant 0 : i32
      %dma_wait3A_1136 = arith.constant 0 : i32
      %dma_wait3A_1137 = tpu.memref_slice %arg5[%dma_wait3A_1133, %dma_wait3A_1135, %dma_wait3A_1136] : memref<8x16x768xf32, #tpu.memory_space<vmem>> -> memref<1x16x768xf32, #tpu.memory_space<vmem>>
      %dma_wait3A_1138 = tpu.memref_squeeze %dma_wait3A_1137 : memref<1x16x768xf32, #tpu.memory_space<vmem>> -> memref<16x768xf32, #tpu.memory_space<vmem>>
      %dma_wait3A_1139 = arith.constant 0 : i32
      %dma_wait3A_1140 = arith.constant 0 : i32
      %dma_wait3A_1141 = tpu.memref_slice %arg4[%dma_wait3A_1134, %dma_wait3A_1139, %dma_wait3A_1140] : memref<4096x32x768xf32, #tpu.memory_space<hbm>> -> memref<1x16x768xf32, #tpu.memory_space<hbm>>
      %dma_wait3A_1142 = tpu.memref_squeeze %dma_wait3A_1141 : memref<1x16x768xf32, #tpu.memory_space<hbm>> -> memref<16x768xf32, #tpu.memory_space<hbm>>
      %dma_wait3A_1143 = arith.constant 0 : i32
      %dma_wait3A_1144 = arith.constant 0 : i32
      %dma_wait3A_1145 = tpu.memref_slice %arg4[%dma_wait3A_1134, %dma_wait3A_1143, %dma_wait3A_1144] : memref<4096x32x768xf32, #tpu.memory_space<hbm>> -> memref<1x16x768xf32, #tpu.memory_space<hbm>>
      %dma_wait3A_1146 = tpu.memref_squeeze %dma_wait3A_1145 : memref<1x16x768xf32, #tpu.memory_space<hbm>> -> memref<16x768xf32, #tpu.memory_space<hbm>>
      %dma_wait3A_1147 = arith.constant 0 : i32
      %dma_wait3A_1148 = arith.constant 0 : i32
      %dma_wait3A_1149 = tpu.memref_slice %arg5[%dma_wait3A_1133, %dma_wait3A_1147, %dma_wait3A_1148] : memref<8x16x768xf32, #tpu.memory_space<vmem>> -> memref<1x16x768xf32, #tpu.memory_space<vmem>>
      %dma_wait3A_1150 = tpu.memref_squeeze %dma_wait3A_1149 : memref<1x16x768xf32, #tpu.memory_space<vmem>> -> memref<16x768xf32, #tpu.memory_space<vmem>>
      tpu.wait_dma2 semaphore(%arg7 : memref<!tpu.dma_semaphore, #tpu.memory_space<semaphore_mem>>) src(%dma_wait3A_1150 : memref<16x768xf32, #tpu.memory_space<vmem>>) dst(%dma_wait3A_1146 : memref<16x768xf32, #tpu.memory_space<hbm>>)
      %add3A_1151 = arith.constant 4 : i32
      %add3A_1152 = arith.addi %add3A_913, %add3A_1151 : i32
      %slice3A_1153 = vector.extract_strided_slice %get3A_916 {offsets = [4], sizes = [1], strides = [1]} : vector<16xi32> to vector<1xi32>
      %squeeze3A_1154 = vector.extract %slice3A_1153[0] : i32 from vector<1xi32>
      %add3A_1155 = arith.addi %mul3A_32, %add3A_1152 : i32
      %dma_start3A_1156 = arith.constant 0 : i32
      %dma_start3A_1157 = arith.constant 0 : i32
      %dma_start3A_1158 = tpu.memref_slice %arg5[%squeeze3A_1154, %dma_start3A_1156, %dma_start3A_1157] : memref<8x16x768xf32, #tpu.memory_space<vmem>> -> memref<1x8x768xf32, #tpu.memory_space<vmem>>
      %dma_start3A_1159 = tpu.memref_squeeze %dma_start3A_1158 : memref<1x8x768xf32, #tpu.memory_space<vmem>> -> memref<8x768xf32, #tpu.memory_space<vmem>>
      %dma_start3A_1160 = arith.constant 0 : i32
      %dma_start3A_1161 = tpu.memref_slice %arg4[%add3A_1155, %mul3A_34, %dma_start3A_1160] : memref<4096x32x768xf32, #tpu.memory_space<hbm>> -> memref<1x8x768xf32, #tpu.memory_space<hbm>>
      %dma_start3A_1162 = tpu.memref_squeeze %dma_start3A_1161 : memref<1x8x768xf32, #tpu.memory_space<hbm>> -> memref<8x768xf32, #tpu.memory_space<hbm>>
      %dma_start3A_1163 = arith.constant 0 : i32
      %dma_start3A_1164 = tpu.memref_slice %arg4[%add3A_1155, %mul3A_34, %dma_start3A_1163] : memref<4096x32x768xf32, #tpu.memory_space<hbm>> -> memref<1x8x768xf32, #tpu.memory_space<hbm>>
      %dma_start3A_1165 = tpu.memref_squeeze %dma_start3A_1164 : memref<1x8x768xf32, #tpu.memory_space<hbm>> -> memref<8x768xf32, #tpu.memory_space<hbm>>
      %dma_start3A_1166 = arith.constant 0 : i32
      %dma_start3A_1167 = arith.constant 0 : i32
      %dma_start3A_1168 = tpu.memref_slice %arg5[%squeeze3A_1154, %dma_start3A_1166, %dma_start3A_1167] : memref<8x16x768xf32, #tpu.memory_space<vmem>> -> memref<1x8x768xf32, #tpu.memory_space<vmem>>
      %dma_start3A_1169 = tpu.memref_squeeze %dma_start3A_1168 : memref<1x8x768xf32, #tpu.memory_space<vmem>> -> memref<8x768xf32, #tpu.memory_space<vmem>>
      tpu.enqueue_dma source(%dma_start3A_1169 : memref<8x768xf32, #tpu.memory_space<vmem>>) target(%dma_start3A_1165 : memref<8x768xf32, #tpu.memory_space<hbm>>) target_semaphore(%arg7 : memref<!tpu.dma_semaphore, #tpu.memory_space<semaphore_mem>>)
      %add3A_1170 = arith.addi %mul3A_32, %add3A_1152 : i32
      %add3A_1171 = arith.constant 8 : i32
      %add3A_1172 = arith.addi %mul3A_34, %add3A_1171 : i32
      %dma_start3A_1173 = arith.constant 8 : i32
      %dma_start3A_1174 = arith.constant 0 : i32
      %dma_start3A_1175 = tpu.memref_slice %arg5[%squeeze3A_1154, %dma_start3A_1173, %dma_start3A_1174] : memref<8x16x768xf32, #tpu.memory_space<vmem>> -> memref<1x8x768xf32, #tpu.memory_space<vmem>>
      %dma_start3A_1176 = tpu.memref_squeeze %dma_start3A_1175 : memref<1x8x768xf32, #tpu.memory_space<vmem>> -> memref<8x768xf32, #tpu.memory_space<vmem>>
      %dma_start3A_1177 = arith.constant 0 : i32
      %dma_start3A_1178 = tpu.memref_slice %arg4[%add3A_1170, %add3A_1172, %dma_start3A_1177] : memref<4096x32x768xf32, #tpu.memory_space<hbm>> -> memref<1x8x768xf32, #tpu.memory_space<hbm>>
      %dma_start3A_1179 = tpu.memref_squeeze %dma_start3A_1178 : memref<1x8x768xf32, #tpu.memory_space<hbm>> -> memref<8x768xf32, #tpu.memory_space<hbm>>
      %dma_start3A_1180 = arith.constant 0 : i32
      %dma_start3A_1181 = tpu.memref_slice %arg4[%add3A_1170, %add3A_1172, %dma_start3A_1180] : memref<4096x32x768xf32, #tpu.memory_space<hbm>> -> memref<1x8x768xf32, #tpu.memory_space<hbm>>
      %dma_start3A_1182 = tpu.memref_squeeze %dma_start3A_1181 : memref<1x8x768xf32, #tpu.memory_space<hbm>> -> memref<8x768xf32, #tpu.memory_space<hbm>>
      %dma_start3A_1183 = arith.constant 8 : i32
      %dma_start3A_1184 = arith.constant 0 : i32
      %dma_start3A_1185 = tpu.memref_slice %arg5[%squeeze3A_1154, %dma_start3A_1183, %dma_start3A_1184] : memref<8x16x768xf32, #tpu.memory_space<vmem>> -> memref<1x8x768xf32, #tpu.memory_space<vmem>>
      %dma_start3A_1186 = tpu.memref_squeeze %dma_start3A_1185 : memref<1x8x768xf32, #tpu.memory_space<vmem>> -> memref<8x768xf32, #tpu.memory_space<vmem>>
      tpu.enqueue_dma source(%dma_start3A_1186 : memref<8x768xf32, #tpu.memory_space<vmem>>) target(%dma_start3A_1182 : memref<8x768xf32, #tpu.memory_space<hbm>>) target_semaphore(%arg7 : memref<!tpu.dma_semaphore, #tpu.memory_space<semaphore_mem>>)
      %dma_wait3A_1187 = arith.constant 0 : i32
      %dma_wait3A_1188 = arith.constant 0 : i32
      %dma_wait3A_1189 = arith.constant 0 : i32
      %dma_wait3A_1190 = arith.constant 0 : i32
      %dma_wait3A_1191 = tpu.memref_slice %arg5[%dma_wait3A_1187, %dma_wait3A_1189, %dma_wait3A_1190] : memref<8x16x768xf32, #tpu.memory_space<vmem>> -> memref<1x16x768xf32, #tpu.memory_space<vmem>>
      %dma_wait3A_1192 = tpu.memref_squeeze %dma_wait3A_1191 : memref<1x16x768xf32, #tpu.memory_space<vmem>> -> memref<16x768xf32, #tpu.memory_space<vmem>>
      %dma_wait3A_1193 = arith.constant 0 : i32
      %dma_wait3A_1194 = arith.constant 0 : i32
      %dma_wait3A_1195 = tpu.memref_slice %arg4[%dma_wait3A_1188, %dma_wait3A_1193, %dma_wait3A_1194] : memref<4096x32x768xf32, #tpu.memory_space<hbm>> -> memref<1x16x768xf32, #tpu.memory_space<hbm>>
      %dma_wait3A_1196 = tpu.memref_squeeze %dma_wait3A_1195 : memref<1x16x768xf32, #tpu.memory_space<hbm>> -> memref<16x768xf32, #tpu.memory_space<hbm>>
      %dma_wait3A_1197 = arith.constant 0 : i32
      %dma_wait3A_1198 = arith.constant 0 : i32
      %dma_wait3A_1199 = tpu.memref_slice %arg4[%dma_wait3A_1188, %dma_wait3A_1197, %dma_wait3A_1198] : memref<4096x32x768xf32, #tpu.memory_space<hbm>> -> memref<1x16x768xf32, #tpu.memory_space<hbm>>
      %dma_wait3A_1200 = tpu.memref_squeeze %dma_wait3A_1199 : memref<1x16x768xf32, #tpu.memory_space<hbm>> -> memref<16x768xf32, #tpu.memory_space<hbm>>
      %dma_wait3A_1201 = arith.constant 0 : i32
      %dma_wait3A_1202 = arith.constant 0 : i32
      %dma_wait3A_1203 = tpu.memref_slice %arg5[%dma_wait3A_1187, %dma_wait3A_1201, %dma_wait3A_1202] : memref<8x16x768xf32, #tpu.memory_space<vmem>> -> memref<1x16x768xf32, #tpu.memory_space<vmem>>
      %dma_wait3A_1204 = tpu.memref_squeeze %dma_wait3A_1203 : memref<1x16x768xf32, #tpu.memory_space<vmem>> -> memref<16x768xf32, #tpu.memory_space<vmem>>
      tpu.wait_dma2 semaphore(%arg7 : memref<!tpu.dma_semaphore, #tpu.memory_space<semaphore_mem>>) src(%dma_wait3A_1204 : memref<16x768xf32, #tpu.memory_space<vmem>>) dst(%dma_wait3A_1200 : memref<16x768xf32, #tpu.memory_space<hbm>>)
      %add3A_1205 = arith.constant 5 : i32
      %add3A_1206 = arith.addi %add3A_913, %add3A_1205 : i32
      %slice3A_1207 = vector.extract_strided_slice %get3A_916 {offsets = [5], sizes = [1], strides = [1]} : vector<16xi32> to vector<1xi32>
      %squeeze3A_1208 = vector.extract %slice3A_1207[0] : i32 from vector<1xi32>
      %add3A_1209 = arith.addi %mul3A_32, %add3A_1206 : i32
      %dma_start3A_1210 = arith.constant 0 : i32
      %dma_start3A_1211 = arith.constant 0 : i32
      %dma_start3A_1212 = tpu.memref_slice %arg5[%squeeze3A_1208, %dma_start3A_1210, %dma_start3A_1211] : memref<8x16x768xf32, #tpu.memory_space<vmem>> -> memref<1x8x768xf32, #tpu.memory_space<vmem>>
      %dma_start3A_1213 = tpu.memref_squeeze %dma_start3A_1212 : memref<1x8x768xf32, #tpu.memory_space<vmem>> -> memref<8x768xf32, #tpu.memory_space<vmem>>
      %dma_start3A_1214 = arith.constant 0 : i32
      %dma_start3A_1215 = tpu.memref_slice %arg4[%add3A_1209, %mul3A_34, %dma_start3A_1214] : memref<4096x32x768xf32, #tpu.memory_space<hbm>> -> memref<1x8x768xf32, #tpu.memory_space<hbm>>
      %dma_start3A_1216 = tpu.memref_squeeze %dma_start3A_1215 : memref<1x8x768xf32, #tpu.memory_space<hbm>> -> memref<8x768xf32, #tpu.memory_space<hbm>>
      %dma_start3A_1217 = arith.constant 0 : i32
      %dma_start3A_1218 = tpu.memref_slice %arg4[%add3A_1209, %mul3A_34, %dma_start3A_1217] : memref<4096x32x768xf32, #tpu.memory_space<hbm>> -> memref<1x8x768xf32, #tpu.memory_space<hbm>>
      %dma_start3A_1219 = tpu.memref_squeeze %dma_start3A_1218 : memref<1x8x768xf32, #tpu.memory_space<hbm>> -> memref<8x768xf32, #tpu.memory_space<hbm>>
      %dma_start3A_1220 = arith.constant 0 : i32
      %dma_start3A_1221 = arith.constant 0 : i32
      %dma_start3A_1222 = tpu.memref_slice %arg5[%squeeze3A_1208, %dma_start3A_1220, %dma_start3A_1221] : memref<8x16x768xf32, #tpu.memory_space<vmem>> -> memref<1x8x768xf32, #tpu.memory_space<vmem>>
      %dma_start3A_1223 = tpu.memref_squeeze %dma_start3A_1222 : memref<1x8x768xf32, #tpu.memory_space<vmem>> -> memref<8x768xf32, #tpu.memory_space<vmem>>
      tpu.enqueue_dma source(%dma_start3A_1223 : memref<8x768xf32, #tpu.memory_space<vmem>>) target(%dma_start3A_1219 : memref<8x768xf32, #tpu.memory_space<hbm>>) target_semaphore(%arg7 : memref<!tpu.dma_semaphore, #tpu.memory_space<semaphore_mem>>)
      %add3A_1224 = arith.addi %mul3A_32, %add3A_1206 : i32
      %add3A_1225 = arith.constant 8 : i32
      %add3A_1226 = arith.addi %mul3A_34, %add3A_1225 : i32
      %dma_start3A_1227 = arith.constant 8 : i32
      %dma_start3A_1228 = arith.constant 0 : i32
      %dma_start3A_1229 = tpu.memref_slice %arg5[%squeeze3A_1208, %dma_start3A_1227, %dma_start3A_1228] : memref<8x16x768xf32, #tpu.memory_space<vmem>> -> memref<1x8x768xf32, #tpu.memory_space<vmem>>
      %dma_start3A_1230 = tpu.memref_squeeze %dma_start3A_1229 : memref<1x8x768xf32, #tpu.memory_space<vmem>> -> memref<8x768xf32, #tpu.memory_space<vmem>>
      %dma_start3A_1231 = arith.constant 0 : i32
      %dma_start3A_1232 = tpu.memref_slice %arg4[%add3A_1224, %add3A_1226, %dma_start3A_1231] : memref<4096x32x768xf32, #tpu.memory_space<hbm>> -> memref<1x8x768xf32, #tpu.memory_space<hbm>>
      %dma_start3A_1233 = tpu.memref_squeeze %dma_start3A_1232 : memref<1x8x768xf32, #tpu.memory_space<hbm>> -> memref<8x768xf32, #tpu.memory_space<hbm>>
      %dma_start3A_1234 = arith.constant 0 : i32
      %dma_start3A_1235 = tpu.memref_slice %arg4[%add3A_1224, %add3A_1226, %dma_start3A_1234] : memref<4096x32x768xf32, #tpu.memory_space<hbm>> -> memref<1x8x768xf32, #tpu.memory_space<hbm>>
      %dma_start3A_1236 = tpu.memref_squeeze %dma_start3A_1235 : memref<1x8x768xf32, #tpu.memory_space<hbm>> -> memref<8x768xf32, #tpu.memory_space<hbm>>
      %dma_start3A_1237 = arith.constant 8 : i32
      %dma_start3A_1238 = arith.constant 0 : i32
      %dma_start3A_1239 = tpu.memref_slice %arg5[%squeeze3A_1208, %dma_start3A_1237, %dma_start3A_1238] : memref<8x16x768xf32, #tpu.memory_space<vmem>> -> memref<1x8x768xf32, #tpu.memory_space<vmem>>
      %dma_start3A_1240 = tpu.memref_squeeze %dma_start3A_1239 : memref<1x8x768xf32, #tpu.memory_space<vmem>> -> memref<8x768xf32, #tpu.memory_space<vmem>>
      tpu.enqueue_dma source(%dma_start3A_1240 : memref<8x768xf32, #tpu.memory_space<vmem>>) target(%dma_start3A_1236 : memref<8x768xf32, #tpu.memory_space<hbm>>) target_semaphore(%arg7 : memref<!tpu.dma_semaphore, #tpu.memory_space<semaphore_mem>>)
      %dma_wait3A_1241 = arith.constant 0 : i32
      %dma_wait3A_1242 = arith.constant 0 : i32
      %dma_wait3A_1243 = arith.constant 0 : i32
      %dma_wait3A_1244 = arith.constant 0 : i32
      %dma_wait3A_1245 = tpu.memref_slice %arg5[%dma_wait3A_1241, %dma_wait3A_1243, %dma_wait3A_1244] : memref<8x16x768xf32, #tpu.memory_space<vmem>> -> memref<1x16x768xf32, #tpu.memory_space<vmem>>
      %dma_wait3A_1246 = tpu.memref_squeeze %dma_wait3A_1245 : memref<1x16x768xf32, #tpu.memory_space<vmem>> -> memref<16x768xf32, #tpu.memory_space<vmem>>
      %dma_wait3A_1247 = arith.constant 0 : i32
      %dma_wait3A_1248 = arith.constant 0 : i32
      %dma_wait3A_1249 = tpu.memref_slice %arg4[%dma_wait3A_1242, %dma_wait3A_1247, %dma_wait3A_1248] : memref<4096x32x768xf32, #tpu.memory_space<hbm>> -> memref<1x16x768xf32, #tpu.memory_space<hbm>>
      %dma_wait3A_1250 = tpu.memref_squeeze %dma_wait3A_1249 : memref<1x16x768xf32, #tpu.memory_space<hbm>> -> memref<16x768xf32, #tpu.memory_space<hbm>>
      %dma_wait3A_1251 = arith.constant 0 : i32
      %dma_wait3A_1252 = arith.constant 0 : i32
      %dma_wait3A_1253 = tpu.memref_slice %arg4[%dma_wait3A_1242, %dma_wait3A_1251, %dma_wait3A_1252] : memref<4096x32x768xf32, #tpu.memory_space<hbm>> -> memref<1x16x768xf32, #tpu.memory_space<hbm>>
      %dma_wait3A_1254 = tpu.memref_squeeze %dma_wait3A_1253 : memref<1x16x768xf32, #tpu.memory_space<hbm>> -> memref<16x768xf32, #tpu.memory_space<hbm>>
      %dma_wait3A_1255 = arith.constant 0 : i32
      %dma_wait3A_1256 = arith.constant 0 : i32
      %dma_wait3A_1257 = tpu.memref_slice %arg5[%dma_wait3A_1241, %dma_wait3A_1255, %dma_wait3A_1256] : memref<8x16x768xf32, #tpu.memory_space<vmem>> -> memref<1x16x768xf32, #tpu.memory_space<vmem>>
      %dma_wait3A_1258 = tpu.memref_squeeze %dma_wait3A_1257 : memref<1x16x768xf32, #tpu.memory_space<vmem>> -> memref<16x768xf32, #tpu.memory_space<vmem>>
      tpu.wait_dma2 semaphore(%arg7 : memref<!tpu.dma_semaphore, #tpu.memory_space<semaphore_mem>>) src(%dma_wait3A_1258 : memref<16x768xf32, #tpu.memory_space<vmem>>) dst(%dma_wait3A_1254 : memref<16x768xf32, #tpu.memory_space<hbm>>)
      %add3A_1259 = arith.constant 6 : i32
      %add3A_1260 = arith.addi %add3A_913, %add3A_1259 : i32
      %slice3A_1261 = vector.extract_strided_slice %get3A_916 {offsets = [6], sizes = [1], strides = [1]} : vector<16xi32> to vector<1xi32>
      %squeeze3A_1262 = vector.extract %slice3A_1261[0] : i32 from vector<1xi32>
      %add3A_1263 = arith.addi %mul3A_32, %add3A_1260 : i32
      %dma_start3A_1264 = arith.constant 0 : i32
      %dma_start3A_1265 = arith.constant 0 : i32
      %dma_start3A_1266 = tpu.memref_slice %arg5[%squeeze3A_1262, %dma_start3A_1264, %dma_start3A_1265] : memref<8x16x768xf32, #tpu.memory_space<vmem>> -> memref<1x8x768xf32, #tpu.memory_space<vmem>>
      %dma_start3A_1267 = tpu.memref_squeeze %dma_start3A_1266 : memref<1x8x768xf32, #tpu.memory_space<vmem>> -> memref<8x768xf32, #tpu.memory_space<vmem>>
      %dma_start3A_1268 = arith.constant 0 : i32
      %dma_start3A_1269 = tpu.memref_slice %arg4[%add3A_1263, %mul3A_34, %dma_start3A_1268] : memref<4096x32x768xf32, #tpu.memory_space<hbm>> -> memref<1x8x768xf32, #tpu.memory_space<hbm>>
      %dma_start3A_1270 = tpu.memref_squeeze %dma_start3A_1269 : memref<1x8x768xf32, #tpu.memory_space<hbm>> -> memref<8x768xf32, #tpu.memory_space<hbm>>
      %dma_start3A_1271 = arith.constant 0 : i32
      %dma_start3A_1272 = tpu.memref_slice %arg4[%add3A_1263, %mul3A_34, %dma_start3A_1271] : memref<4096x32x768xf32, #tpu.memory_space<hbm>> -> memref<1x8x768xf32, #tpu.memory_space<hbm>>
      %dma_start3A_1273 = tpu.memref_squeeze %dma_start3A_1272 : memref<1x8x768xf32, #tpu.memory_space<hbm>> -> memref<8x768xf32, #tpu.memory_space<hbm>>
      %dma_start3A_1274 = arith.constant 0 : i32
      %dma_start3A_1275 = arith.constant 0 : i32
      %dma_start3A_1276 = tpu.memref_slice %arg5[%squeeze3A_1262, %dma_start3A_1274, %dma_start3A_1275] : memref<8x16x768xf32, #tpu.memory_space<vmem>> -> memref<1x8x768xf32, #tpu.memory_space<vmem>>
      %dma_start3A_1277 = tpu.memref_squeeze %dma_start3A_1276 : memref<1x8x768xf32, #tpu.memory_space<vmem>> -> memref<8x768xf32, #tpu.memory_space<vmem>>
      tpu.enqueue_dma source(%dma_start3A_1277 : memref<8x768xf32, #tpu.memory_space<vmem>>) target(%dma_start3A_1273 : memref<8x768xf32, #tpu.memory_space<hbm>>) target_semaphore(%arg7 : memref<!tpu.dma_semaphore, #tpu.memory_space<semaphore_mem>>)
      %add3A_1278 = arith.addi %mul3A_32, %add3A_1260 : i32
      %add3A_1279 = arith.constant 8 : i32
      %add3A_1280 = arith.addi %mul3A_34, %add3A_1279 : i32
      %dma_start3A_1281 = arith.constant 8 : i32
      %dma_start3A_1282 = arith.constant 0 : i32
      %dma_start3A_1283 = tpu.memref_slice %arg5[%squeeze3A_1262, %dma_start3A_1281, %dma_start3A_1282] : memref<8x16x768xf32, #tpu.memory_space<vmem>> -> memref<1x8x768xf32, #tpu.memory_space<vmem>>
      %dma_start3A_1284 = tpu.memref_squeeze %dma_start3A_1283 : memref<1x8x768xf32, #tpu.memory_space<vmem>> -> memref<8x768xf32, #tpu.memory_space<vmem>>
      %dma_start3A_1285 = arith.constant 0 : i32
      %dma_start3A_1286 = tpu.memref_slice %arg4[%add3A_1278, %add3A_1280, %dma_start3A_1285] : memref<4096x32x768xf32, #tpu.memory_space<hbm>> -> memref<1x8x768xf32, #tpu.memory_space<hbm>>
      %dma_start3A_1287 = tpu.memref_squeeze %dma_start3A_1286 : memref<1x8x768xf32, #tpu.memory_space<hbm>> -> memref<8x768xf32, #tpu.memory_space<hbm>>
      %dma_start3A_1288 = arith.constant 0 : i32
      %dma_start3A_1289 = tpu.memref_slice %arg4[%add3A_1278, %add3A_1280, %dma_start3A_1288] : memref<4096x32x768xf32, #tpu.memory_space<hbm>> -> memref<1x8x768xf32, #tpu.memory_space<hbm>>
      %dma_start3A_1290 = tpu.memref_squeeze %dma_start3A_1289 : memref<1x8x768xf32, #tpu.memory_space<hbm>> -> memref<8x768xf32, #tpu.memory_space<hbm>>
      %dma_start3A_1291 = arith.constant 8 : i32
      %dma_start3A_1292 = arith.constant 0 : i32
      %dma_start3A_1293 = tpu.memref_slice %arg5[%squeeze3A_1262, %dma_start3A_1291, %dma_start3A_1292] : memref<8x16x768xf32, #tpu.memory_space<vmem>> -> memref<1x8x768xf32, #tpu.memory_space<vmem>>
      %dma_start3A_1294 = tpu.memref_squeeze %dma_start3A_1293 : memref<1x8x768xf32, #tpu.memory_space<vmem>> -> memref<8x768xf32, #tpu.memory_space<vmem>>
      tpu.enqueue_dma source(%dma_start3A_1294 : memref<8x768xf32, #tpu.memory_space<vmem>>) target(%dma_start3A_1290 : memref<8x768xf32, #tpu.memory_space<hbm>>) target_semaphore(%arg7 : memref<!tpu.dma_semaphore, #tpu.memory_space<semaphore_mem>>)
      %dma_wait3A_1295 = arith.constant 0 : i32
      %dma_wait3A_1296 = arith.constant 0 : i32
      %dma_wait3A_1297 = arith.constant 0 : i32
      %dma_wait3A_1298 = arith.constant 0 : i32
      %dma_wait3A_1299 = tpu.memref_slice %arg5[%dma_wait3A_1295, %dma_wait3A_1297, %dma_wait3A_1298] : memref<8x16x768xf32, #tpu.memory_space<vmem>> -> memref<1x16x768xf32, #tpu.memory_space<vmem>>
      %dma_wait3A_1300 = tpu.memref_squeeze %dma_wait3A_1299 : memref<1x16x768xf32, #tpu.memory_space<vmem>> -> memref<16x768xf32, #tpu.memory_space<vmem>>
      %dma_wait3A_1301 = arith.constant 0 : i32
      %dma_wait3A_1302 = arith.constant 0 : i32
      %dma_wait3A_1303 = tpu.memref_slice %arg4[%dma_wait3A_1296, %dma_wait3A_1301, %dma_wait3A_1302] : memref<4096x32x768xf32, #tpu.memory_space<hbm>> -> memref<1x16x768xf32, #tpu.memory_space<hbm>>
      %dma_wait3A_1304 = tpu.memref_squeeze %dma_wait3A_1303 : memref<1x16x768xf32, #tpu.memory_space<hbm>> -> memref<16x768xf32, #tpu.memory_space<hbm>>
      %dma_wait3A_1305 = arith.constant 0 : i32
      %dma_wait3A_1306 = arith.constant 0 : i32
      %dma_wait3A_1307 = tpu.memref_slice %arg4[%dma_wait3A_1296, %dma_wait3A_1305, %dma_wait3A_1306] : memref<4096x32x768xf32, #tpu.memory_space<hbm>> -> memref<1x16x768xf32, #tpu.memory_space<hbm>>
      %dma_wait3A_1308 = tpu.memref_squeeze %dma_wait3A_1307 : memref<1x16x768xf32, #tpu.memory_space<hbm>> -> memref<16x768xf32, #tpu.memory_space<hbm>>
      %dma_wait3A_1309 = arith.constant 0 : i32
      %dma_wait3A_1310 = arith.constant 0 : i32
      %dma_wait3A_1311 = tpu.memref_slice %arg5[%dma_wait3A_1295, %dma_wait3A_1309, %dma_wait3A_1310] : memref<8x16x768xf32, #tpu.memory_space<vmem>> -> memref<1x16x768xf32, #tpu.memory_space<vmem>>
      %dma_wait3A_1312 = tpu.memref_squeeze %dma_wait3A_1311 : memref<1x16x768xf32, #tpu.memory_space<vmem>> -> memref<16x768xf32, #tpu.memory_space<vmem>>
      tpu.wait_dma2 semaphore(%arg7 : memref<!tpu.dma_semaphore, #tpu.memory_space<semaphore_mem>>) src(%dma_wait3A_1312 : memref<16x768xf32, #tpu.memory_space<vmem>>) dst(%dma_wait3A_1308 : memref<16x768xf32, #tpu.memory_space<hbm>>)
      %add3A_1313 = arith.constant 7 : i32
      %add3A_1314 = arith.addi %add3A_913, %add3A_1313 : i32
      %slice3A_1315 = vector.extract_strided_slice %get3A_916 {offsets = [7], sizes = [1], strides = [1]} : vector<16xi32> to vector<1xi32>
      %squeeze3A_1316 = vector.extract %slice3A_1315[0] : i32 from vector<1xi32>
      %add3A_1317 = arith.addi %mul3A_32, %add3A_1314 : i32
      %dma_start3A_1318 = arith.constant 0 : i32
      %dma_start3A_1319 = arith.constant 0 : i32
      %dma_start3A_1320 = tpu.memref_slice %arg5[%squeeze3A_1316, %dma_start3A_1318, %dma_start3A_1319] : memref<8x16x768xf32, #tpu.memory_space<vmem>> -> memref<1x8x768xf32, #tpu.memory_space<vmem>>
      %dma_start3A_1321 = tpu.memref_squeeze %dma_start3A_1320 : memref<1x8x768xf32, #tpu.memory_space<vmem>> -> memref<8x768xf32, #tpu.memory_space<vmem>>
      %dma_start3A_1322 = arith.constant 0 : i32
      %dma_start3A_1323 = tpu.memref_slice %arg4[%add3A_1317, %mul3A_34, %dma_start3A_1322] : memref<4096x32x768xf32, #tpu.memory_space<hbm>> -> memref<1x8x768xf32, #tpu.memory_space<hbm>>
      %dma_start3A_1324 = tpu.memref_squeeze %dma_start3A_1323 : memref<1x8x768xf32, #tpu.memory_space<hbm>> -> memref<8x768xf32, #tpu.memory_space<hbm>>
      %dma_start3A_1325 = arith.constant 0 : i32
      %dma_start3A_1326 = tpu.memref_slice %arg4[%add3A_1317, %mul3A_34, %dma_start3A_1325] : memref<4096x32x768xf32, #tpu.memory_space<hbm>> -> memref<1x8x768xf32, #tpu.memory_space<hbm>>
      %dma_start3A_1327 = tpu.memref_squeeze %dma_start3A_1326 : memref<1x8x768xf32, #tpu.memory_space<hbm>> -> memref<8x768xf32, #tpu.memory_space<hbm>>
      %dma_start3A_1328 = arith.constant 0 : i32
      %dma_start3A_1329 = arith.constant 0 : i32
      %dma_start3A_1330 = tpu.memref_slice %arg5[%squeeze3A_1316, %dma_start3A_1328, %dma_start3A_1329] : memref<8x16x768xf32, #tpu.memory_space<vmem>> -> memref<1x8x768xf32, #tpu.memory_space<vmem>>
      %dma_start3A_1331 = tpu.memref_squeeze %dma_start3A_1330 : memref<1x8x768xf32, #tpu.memory_space<vmem>> -> memref<8x768xf32, #tpu.memory_space<vmem>>
      tpu.enqueue_dma source(%dma_start3A_1331 : memref<8x768xf32, #tpu.memory_space<vmem>>) target(%dma_start3A_1327 : memref<8x768xf32, #tpu.memory_space<hbm>>) target_semaphore(%arg7 : memref<!tpu.dma_semaphore, #tpu.memory_space<semaphore_mem>>)
      %add3A_1332 = arith.addi %mul3A_32, %add3A_1314 : i32
      %add3A_1333 = arith.constant 8 : i32
      %add3A_1334 = arith.addi %mul3A_34, %add3A_1333 : i32
      %dma_start3A_1335 = arith.constant 8 : i32
      %dma_start3A_1336 = arith.constant 0 : i32
      %dma_start3A_1337 = tpu.memref_slice %arg5[%squeeze3A_1316, %dma_start3A_1335, %dma_start3A_1336] : memref<8x16x768xf32, #tpu.memory_space<vmem>> -> memref<1x8x768xf32, #tpu.memory_space<vmem>>
      %dma_start3A_1338 = tpu.memref_squeeze %dma_start3A_1337 : memref<1x8x768xf32, #tpu.memory_space<vmem>> -> memref<8x768xf32, #tpu.memory_space<vmem>>
      %dma_start3A_1339 = arith.constant 0 : i32
      %dma_start3A_1340 = tpu.memref_slice %arg4[%add3A_1332, %add3A_1334, %dma_start3A_1339] : memref<4096x32x768xf32, #tpu.memory_space<hbm>> -> memref<1x8x768xf32, #tpu.memory_space<hbm>>
      %dma_start3A_1341 = tpu.memref_squeeze %dma_start3A_1340 : memref<1x8x768xf32, #tpu.memory_space<hbm>> -> memref<8x768xf32, #tpu.memory_space<hbm>>
      %dma_start3A_1342 = arith.constant 0 : i32
      %dma_start3A_1343 = tpu.memref_slice %arg4[%add3A_1332, %add3A_1334, %dma_start3A_1342] : memref<4096x32x768xf32, #tpu.memory_space<hbm>> -> memref<1x8x768xf32, #tpu.memory_space<hbm>>
      %dma_start3A_1344 = tpu.memref_squeeze %dma_start3A_1343 : memref<1x8x768xf32, #tpu.memory_space<hbm>> -> memref<8x768xf32, #tpu.memory_space<hbm>>
      %dma_start3A_1345 = arith.constant 8 : i32
      %dma_start3A_1346 = arith.constant 0 : i32
      %dma_start3A_1347 = tpu.memref_slice %arg5[%squeeze3A_1316, %dma_start3A_1345, %dma_start3A_1346] : memref<8x16x768xf32, #tpu.memory_space<vmem>> -> memref<1x8x768xf32, #tpu.memory_space<vmem>>
      %dma_start3A_1348 = tpu.memref_squeeze %dma_start3A_1347 : memref<1x8x768xf32, #tpu.memory_space<vmem>> -> memref<8x768xf32, #tpu.memory_space<vmem>>
      tpu.enqueue_dma source(%dma_start3A_1348 : memref<8x768xf32, #tpu.memory_space<vmem>>) target(%dma_start3A_1344 : memref<8x768xf32, #tpu.memory_space<hbm>>) target_semaphore(%arg7 : memref<!tpu.dma_semaphore, #tpu.memory_space<semaphore_mem>>)
      %dma_wait3A_1349 = arith.constant 0 : i32
      %dma_wait3A_1350 = arith.constant 0 : i32
      %dma_wait3A_1351 = arith.constant 0 : i32
      %dma_wait3A_1352 = arith.constant 0 : i32
      %dma_wait3A_1353 = tpu.memref_slice %arg5[%dma_wait3A_1349, %dma_wait3A_1351, %dma_wait3A_1352] : memref<8x16x768xf32, #tpu.memory_space<vmem>> -> memref<1x16x768xf32, #tpu.memory_space<vmem>>
      %dma_wait3A_1354 = tpu.memref_squeeze %dma_wait3A_1353 : memref<1x16x768xf32, #tpu.memory_space<vmem>> -> memref<16x768xf32, #tpu.memory_space<vmem>>
      %dma_wait3A_1355 = arith.constant 0 : i32
      %dma_wait3A_1356 = arith.constant 0 : i32
      %dma_wait3A_1357 = tpu.memref_slice %arg4[%dma_wait3A_1350, %dma_wait3A_1355, %dma_wait3A_1356] : memref<4096x32x768xf32, #tpu.memory_space<hbm>> -> memref<1x16x768xf32, #tpu.memory_space<hbm>>
      %dma_wait3A_1358 = tpu.memref_squeeze %dma_wait3A_1357 : memref<1x16x768xf32, #tpu.memory_space<hbm>> -> memref<16x768xf32, #tpu.memory_space<hbm>>
      %dma_wait3A_1359 = arith.constant 0 : i32
      %dma_wait3A_1360 = arith.constant 0 : i32
      %dma_wait3A_1361 = tpu.memref_slice %arg4[%dma_wait3A_1350, %dma_wait3A_1359, %dma_wait3A_1360] : memref<4096x32x768xf32, #tpu.memory_space<hbm>> -> memref<1x16x768xf32, #tpu.memory_space<hbm>>
      %dma_wait3A_1362 = tpu.memref_squeeze %dma_wait3A_1361 : memref<1x16x768xf32, #tpu.memory_space<hbm>> -> memref<16x768xf32, #tpu.memory_space<hbm>>
      %dma_wait3A_1363 = arith.constant 0 : i32
      %dma_wait3A_1364 = arith.constant 0 : i32
      %dma_wait3A_1365 = tpu.memref_slice %arg5[%dma_wait3A_1349, %dma_wait3A_1363, %dma_wait3A_1364] : memref<8x16x768xf32, #tpu.memory_space<vmem>> -> memref<1x16x768xf32, #tpu.memory_space<vmem>>
      %dma_wait3A_1366 = tpu.memref_squeeze %dma_wait3A_1365 : memref<1x16x768xf32, #tpu.memory_space<vmem>> -> memref<16x768xf32, #tpu.memory_space<vmem>>
      tpu.wait_dma2 semaphore(%arg7 : memref<!tpu.dma_semaphore, #tpu.memory_space<semaphore_mem>>) src(%dma_wait3A_1366 : memref<16x768xf32, #tpu.memory_space<vmem>>) dst(%dma_wait3A_1362 : memref<16x768xf32, #tpu.memory_space<hbm>>)
      %add3A_1367 = arith.constant 8 : i32
      %add3A_1368 = arith.addi %add3A_913, %add3A_1367 : i32
      %slice3A_1369 = vector.extract_strided_slice %get3A_916 {offsets = [8], sizes = [1], strides = [1]} : vector<16xi32> to vector<1xi32>
      %squeeze3A_1370 = vector.extract %slice3A_1369[0] : i32 from vector<1xi32>
      %add3A_1371 = arith.addi %mul3A_32, %add3A_1368 : i32
      %dma_start3A_1372 = arith.constant 0 : i32
      %dma_start3A_1373 = arith.constant 0 : i32
      %dma_start3A_1374 = tpu.memref_slice %arg5[%squeeze3A_1370, %dma_start3A_1372, %dma_start3A_1373] : memref<8x16x768xf32, #tpu.memory_space<vmem>> -> memref<1x8x768xf32, #tpu.memory_space<vmem>>
      %dma_start3A_1375 = tpu.memref_squeeze %dma_start3A_1374 : memref<1x8x768xf32, #tpu.memory_space<vmem>> -> memref<8x768xf32, #tpu.memory_space<vmem>>
      %dma_start3A_1376 = arith.constant 0 : i32
      %dma_start3A_1377 = tpu.memref_slice %arg4[%add3A_1371, %mul3A_34, %dma_start3A_1376] : memref<4096x32x768xf32, #tpu.memory_space<hbm>> -> memref<1x8x768xf32, #tpu.memory_space<hbm>>
      %dma_start3A_1378 = tpu.memref_squeeze %dma_start3A_1377 : memref<1x8x768xf32, #tpu.memory_space<hbm>> -> memref<8x768xf32, #tpu.memory_space<hbm>>
      %dma_start3A_1379 = arith.constant 0 : i32
      %dma_start3A_1380 = tpu.memref_slice %arg4[%add3A_1371, %mul3A_34, %dma_start3A_1379] : memref<4096x32x768xf32, #tpu.memory_space<hbm>> -> memref<1x8x768xf32, #tpu.memory_space<hbm>>
      %dma_start3A_1381 = tpu.memref_squeeze %dma_start3A_1380 : memref<1x8x768xf32, #tpu.memory_space<hbm>> -> memref<8x768xf32, #tpu.memory_space<hbm>>
      %dma_start3A_1382 = arith.constant 0 : i32
      %dma_start3A_1383 = arith.constant 0 : i32
      %dma_start3A_1384 = tpu.memref_slice %arg5[%squeeze3A_1370, %dma_start3A_1382, %dma_start3A_1383] : memref<8x16x768xf32, #tpu.memory_space<vmem>> -> memref<1x8x768xf32, #tpu.memory_space<vmem>>
      %dma_start3A_1385 = tpu.memref_squeeze %dma_start3A_1384 : memref<1x8x768xf32, #tpu.memory_space<vmem>> -> memref<8x768xf32, #tpu.memory_space<vmem>>
      tpu.enqueue_dma source(%dma_start3A_1385 : memref<8x768xf32, #tpu.memory_space<vmem>>) target(%dma_start3A_1381 : memref<8x768xf32, #tpu.memory_space<hbm>>) target_semaphore(%arg7 : memref<!tpu.dma_semaphore, #tpu.memory_space<semaphore_mem>>)
      %add3A_1386 = arith.addi %mul3A_32, %add3A_1368 : i32
      %add3A_1387 = arith.constant 8 : i32
      %add3A_1388 = arith.addi %mul3A_34, %add3A_1387 : i32
      %dma_start3A_1389 = arith.constant 8 : i32
      %dma_start3A_1390 = arith.constant 0 : i32
      %dma_start3A_1391 = tpu.memref_slice %arg5[%squeeze3A_1370, %dma_start3A_1389, %dma_start3A_1390] : memref<8x16x768xf32, #tpu.memory_space<vmem>> -> memref<1x8x768xf32, #tpu.memory_space<vmem>>
      %dma_start3A_1392 = tpu.memref_squeeze %dma_start3A_1391 : memref<1x8x768xf32, #tpu.memory_space<vmem>> -> memref<8x768xf32, #tpu.memory_space<vmem>>
      %dma_start3A_1393 = arith.constant 0 : i32
      %dma_start3A_1394 = tpu.memref_slice %arg4[%add3A_1386, %add3A_1388, %dma_start3A_1393] : memref<4096x32x768xf32, #tpu.memory_space<hbm>> -> memref<1x8x768xf32, #tpu.memory_space<hbm>>
      %dma_start3A_1395 = tpu.memref_squeeze %dma_start3A_1394 : memref<1x8x768xf32, #tpu.memory_space<hbm>> -> memref<8x768xf32, #tpu.memory_space<hbm>>
      %dma_start3A_1396 = arith.constant 0 : i32
      %dma_start3A_1397 = tpu.memref_slice %arg4[%add3A_1386, %add3A_1388, %dma_start3A_1396] : memref<4096x32x768xf32, #tpu.memory_space<hbm>> -> memref<1x8x768xf32, #tpu.memory_space<hbm>>
      %dma_start3A_1398 = tpu.memref_squeeze %dma_start3A_1397 : memref<1x8x768xf32, #tpu.memory_space<hbm>> -> memref<8x768xf32, #tpu.memory_space<hbm>>
      %dma_start3A_1399 = arith.constant 8 : i32
      %dma_start3A_1400 = arith.constant 0 : i32
      %dma_start3A_1401 = tpu.memref_slice %arg5[%squeeze3A_1370, %dma_start3A_1399, %dma_start3A_1400] : memref<8x16x768xf32, #tpu.memory_space<vmem>> -> memref<1x8x768xf32, #tpu.memory_space<vmem>>
      %dma_start3A_1402 = tpu.memref_squeeze %dma_start3A_1401 : memref<1x8x768xf32, #tpu.memory_space<vmem>> -> memref<8x768xf32, #tpu.memory_space<vmem>>
      tpu.enqueue_dma source(%dma_start3A_1402 : memref<8x768xf32, #tpu.memory_space<vmem>>) target(%dma_start3A_1398 : memref<8x768xf32, #tpu.memory_space<hbm>>) target_semaphore(%arg7 : memref<!tpu.dma_semaphore, #tpu.memory_space<semaphore_mem>>)
      %dma_wait3A_1403 = arith.constant 0 : i32
      %dma_wait3A_1404 = arith.constant 0 : i32
      %dma_wait3A_1405 = arith.constant 0 : i32
      %dma_wait3A_1406 = arith.constant 0 : i32
      %dma_wait3A_1407 = tpu.memref_slice %arg5[%dma_wait3A_1403, %dma_wait3A_1405, %dma_wait3A_1406] : memref<8x16x768xf32, #tpu.memory_space<vmem>> -> memref<1x16x768xf32, #tpu.memory_space<vmem>>
      %dma_wait3A_1408 = tpu.memref_squeeze %dma_wait3A_1407 : memref<1x16x768xf32, #tpu.memory_space<vmem>> -> memref<16x768xf32, #tpu.memory_space<vmem>>
      %dma_wait3A_1409 = arith.constant 0 : i32
      %dma_wait3A_1410 = arith.constant 0 : i32
      %dma_wait3A_1411 = tpu.memref_slice %arg4[%dma_wait3A_1404, %dma_wait3A_1409, %dma_wait3A_1410] : memref<4096x32x768xf32, #tpu.memory_space<hbm>> -> memref<1x16x768xf32, #tpu.memory_space<hbm>>
      %dma_wait3A_1412 = tpu.memref_squeeze %dma_wait3A_1411 : memref<1x16x768xf32, #tpu.memory_space<hbm>> -> memref<16x768xf32, #tpu.memory_space<hbm>>
      %dma_wait3A_1413 = arith.constant 0 : i32
      %dma_wait3A_1414 = arith.constant 0 : i32
      %dma_wait3A_1415 = tpu.memref_slice %arg4[%dma_wait3A_1404, %dma_wait3A_1413, %dma_wait3A_1414] : memref<4096x32x768xf32, #tpu.memory_space<hbm>> -> memref<1x16x768xf32, #tpu.memory_space<hbm>>
      %dma_wait3A_1416 = tpu.memref_squeeze %dma_wait3A_1415 : memref<1x16x768xf32, #tpu.memory_space<hbm>> -> memref<16x768xf32, #tpu.memory_space<hbm>>
      %dma_wait3A_1417 = arith.constant 0 : i32
      %dma_wait3A_1418 = arith.constant 0 : i32
      %dma_wait3A_1419 = tpu.memref_slice %arg5[%dma_wait3A_1403, %dma_wait3A_1417, %dma_wait3A_1418] : memref<8x16x768xf32, #tpu.memory_space<vmem>> -> memref<1x16x768xf32, #tpu.memory_space<vmem>>
      %dma_wait3A_1420 = tpu.memref_squeeze %dma_wait3A_1419 : memref<1x16x768xf32, #tpu.memory_space<vmem>> -> memref<16x768xf32, #tpu.memory_space<vmem>>
      tpu.wait_dma2 semaphore(%arg7 : memref<!tpu.dma_semaphore, #tpu.memory_space<semaphore_mem>>) src(%dma_wait3A_1420 : memref<16x768xf32, #tpu.memory_space<vmem>>) dst(%dma_wait3A_1416 : memref<16x768xf32, #tpu.memory_space<hbm>>)
      %add3A_1421 = arith.constant 9 : i32
      %add3A_1422 = arith.addi %add3A_913, %add3A_1421 : i32
      %slice3A_1423 = vector.extract_strided_slice %get3A_916 {offsets = [9], sizes = [1], strides = [1]} : vector<16xi32> to vector<1xi32>
      %squeeze3A_1424 = vector.extract %slice3A_1423[0] : i32 from vector<1xi32>
      %add3A_1425 = arith.addi %mul3A_32, %add3A_1422 : i32
      %dma_start3A_1426 = arith.constant 0 : i32
      %dma_start3A_1427 = arith.constant 0 : i32
      %dma_start3A_1428 = tpu.memref_slice %arg5[%squeeze3A_1424, %dma_start3A_1426, %dma_start3A_1427] : memref<8x16x768xf32, #tpu.memory_space<vmem>> -> memref<1x8x768xf32, #tpu.memory_space<vmem>>
      %dma_start3A_1429 = tpu.memref_squeeze %dma_start3A_1428 : memref<1x8x768xf32, #tpu.memory_space<vmem>> -> memref<8x768xf32, #tpu.memory_space<vmem>>
      %dma_start3A_1430 = arith.constant 0 : i32
      %dma_start3A_1431 = tpu.memref_slice %arg4[%add3A_1425, %mul3A_34, %dma_start3A_1430] : memref<4096x32x768xf32, #tpu.memory_space<hbm>> -> memref<1x8x768xf32, #tpu.memory_space<hbm>>
      %dma_start3A_1432 = tpu.memref_squeeze %dma_start3A_1431 : memref<1x8x768xf32, #tpu.memory_space<hbm>> -> memref<8x768xf32, #tpu.memory_space<hbm>>
      %dma_start3A_1433 = arith.constant 0 : i32
      %dma_start3A_1434 = tpu.memref_slice %arg4[%add3A_1425, %mul3A_34, %dma_start3A_1433] : memref<4096x32x768xf32, #tpu.memory_space<hbm>> -> memref<1x8x768xf32, #tpu.memory_space<hbm>>
      %dma_start3A_1435 = tpu.memref_squeeze %dma_start3A_1434 : memref<1x8x768xf32, #tpu.memory_space<hbm>> -> memref<8x768xf32, #tpu.memory_space<hbm>>
      %dma_start3A_1436 = arith.constant 0 : i32
      %dma_start3A_1437 = arith.constant 0 : i32
      %dma_start3A_1438 = tpu.memref_slice %arg5[%squeeze3A_1424, %dma_start3A_1436, %dma_start3A_1437] : memref<8x16x768xf32, #tpu.memory_space<vmem>> -> memref<1x8x768xf32, #tpu.memory_space<vmem>>
      %dma_start3A_1439 = tpu.memref_squeeze %dma_start3A_1438 : memref<1x8x768xf32, #tpu.memory_space<vmem>> -> memref<8x768xf32, #tpu.memory_space<vmem>>
      tpu.enqueue_dma source(%dma_start3A_1439 : memref<8x768xf32, #tpu.memory_space<vmem>>) target(%dma_start3A_1435 : memref<8x768xf32, #tpu.memory_space<hbm>>) target_semaphore(%arg7 : memref<!tpu.dma_semaphore, #tpu.memory_space<semaphore_mem>>)
      %add3A_1440 = arith.addi %mul3A_32, %add3A_1422 : i32
      %add3A_1441 = arith.constant 8 : i32
      %add3A_1442 = arith.addi %mul3A_34, %add3A_1441 : i32
      %dma_start3A_1443 = arith.constant 8 : i32
      %dma_start3A_1444 = arith.constant 0 : i32
      %dma_start3A_1445 = tpu.memref_slice %arg5[%squeeze3A_1424, %dma_start3A_1443, %dma_start3A_1444] : memref<8x16x768xf32, #tpu.memory_space<vmem>> -> memref<1x8x768xf32, #tpu.memory_space<vmem>>
      %dma_start3A_1446 = tpu.memref_squeeze %dma_start3A_1445 : memref<1x8x768xf32, #tpu.memory_space<vmem>> -> memref<8x768xf32, #tpu.memory_space<vmem>>
      %dma_start3A_1447 = arith.constant 0 : i32
      %dma_start3A_1448 = tpu.memref_slice %arg4[%add3A_1440, %add3A_1442, %dma_start3A_1447] : memref<4096x32x768xf32, #tpu.memory_space<hbm>> -> memref<1x8x768xf32, #tpu.memory_space<hbm>>
      %dma_start3A_1449 = tpu.memref_squeeze %dma_start3A_1448 : memref<1x8x768xf32, #tpu.memory_space<hbm>> -> memref<8x768xf32, #tpu.memory_space<hbm>>
      %dma_start3A_1450 = arith.constant 0 : i32
      %dma_start3A_1451 = tpu.memref_slice %arg4[%add3A_1440, %add3A_1442, %dma_start3A_1450] : memref<4096x32x768xf32, #tpu.memory_space<hbm>> -> memref<1x8x768xf32, #tpu.memory_space<hbm>>
      %dma_start3A_1452 = tpu.memref_squeeze %dma_start3A_1451 : memref<1x8x768xf32, #tpu.memory_space<hbm>> -> memref<8x768xf32, #tpu.memory_space<hbm>>
      %dma_start3A_1453 = arith.constant 8 : i32
      %dma_start3A_1454 = arith.constant 0 : i32
      %dma_start3A_1455 = tpu.memref_slice %arg5[%squeeze3A_1424, %dma_start3A_1453, %dma_start3A_1454] : memref<8x16x768xf32, #tpu.memory_space<vmem>> -> memref<1x8x768xf32, #tpu.memory_space<vmem>>
      %dma_start3A_1456 = tpu.memref_squeeze %dma_start3A_1455 : memref<1x8x768xf32, #tpu.memory_space<vmem>> -> memref<8x768xf32, #tpu.memory_space<vmem>>
      tpu.enqueue_dma source(%dma_start3A_1456 : memref<8x768xf32, #tpu.memory_space<vmem>>) target(%dma_start3A_1452 : memref<8x768xf32, #tpu.memory_space<hbm>>) target_semaphore(%arg7 : memref<!tpu.dma_semaphore, #tpu.memory_space<semaphore_mem>>)
      %dma_wait3A_1457 = arith.constant 0 : i32
      %dma_wait3A_1458 = arith.constant 0 : i32
      %dma_wait3A_1459 = arith.constant 0 : i32
      %dma_wait3A_1460 = arith.constant 0 : i32
      %dma_wait3A_1461 = tpu.memref_slice %arg5[%dma_wait3A_1457, %dma_wait3A_1459, %dma_wait3A_1460] : memref<8x16x768xf32, #tpu.memory_space<vmem>> -> memref<1x16x768xf32, #tpu.memory_space<vmem>>
      %dma_wait3A_1462 = tpu.memref_squeeze %dma_wait3A_1461 : memref<1x16x768xf32, #tpu.memory_space<vmem>> -> memref<16x768xf32, #tpu.memory_space<vmem>>
      %dma_wait3A_1463 = arith.constant 0 : i32
      %dma_wait3A_1464 = arith.constant 0 : i32
      %dma_wait3A_1465 = tpu.memref_slice %arg4[%dma_wait3A_1458, %dma_wait3A_1463, %dma_wait3A_1464] : memref<4096x32x768xf32, #tpu.memory_space<hbm>> -> memref<1x16x768xf32, #tpu.memory_space<hbm>>
      %dma_wait3A_1466 = tpu.memref_squeeze %dma_wait3A_1465 : memref<1x16x768xf32, #tpu.memory_space<hbm>> -> memref<16x768xf32, #tpu.memory_space<hbm>>
      %dma_wait3A_1467 = arith.constant 0 : i32
      %dma_wait3A_1468 = arith.constant 0 : i32
      %dma_wait3A_1469 = tpu.memref_slice %arg4[%dma_wait3A_1458, %dma_wait3A_1467, %dma_wait3A_1468] : memref<4096x32x768xf32, #tpu.memory_space<hbm>> -> memref<1x16x768xf32, #tpu.memory_space<hbm>>
      %dma_wait3A_1470 = tpu.memref_squeeze %dma_wait3A_1469 : memref<1x16x768xf32, #tpu.memory_space<hbm>> -> memref<16x768xf32, #tpu.memory_space<hbm>>
      %dma_wait3A_1471 = arith.constant 0 : i32
      %dma_wait3A_1472 = arith.constant 0 : i32
      %dma_wait3A_1473 = tpu.memref_slice %arg5[%dma_wait3A_1457, %dma_wait3A_1471, %dma_wait3A_1472] : memref<8x16x768xf32, #tpu.memory_space<vmem>> -> memref<1x16x768xf32, #tpu.memory_space<vmem>>
      %dma_wait3A_1474 = tpu.memref_squeeze %dma_wait3A_1473 : memref<1x16x768xf32, #tpu.memory_space<vmem>> -> memref<16x768xf32, #tpu.memory_space<vmem>>
      tpu.wait_dma2 semaphore(%arg7 : memref<!tpu.dma_semaphore, #tpu.memory_space<semaphore_mem>>) src(%dma_wait3A_1474 : memref<16x768xf32, #tpu.memory_space<vmem>>) dst(%dma_wait3A_1470 : memref<16x768xf32, #tpu.memory_space<hbm>>)
      %add3A_1475 = arith.constant 10 : i32
      %add3A_1476 = arith.addi %add3A_913, %add3A_1475 : i32
      %slice3A_1477 = vector.extract_strided_slice %get3A_916 {offsets = [10], sizes = [1], strides = [1]} : vector<16xi32> to vector<1xi32>
      %squeeze3A_1478 = vector.extract %slice3A_1477[0] : i32 from vector<1xi32>
      %add3A_1479 = arith.addi %mul3A_32, %add3A_1476 : i32
      %dma_start3A_1480 = arith.constant 0 : i32
      %dma_start3A_1481 = arith.constant 0 : i32
      %dma_start3A_1482 = tpu.memref_slice %arg5[%squeeze3A_1478, %dma_start3A_1480, %dma_start3A_1481] : memref<8x16x768xf32, #tpu.memory_space<vmem>> -> memref<1x8x768xf32, #tpu.memory_space<vmem>>
      %dma_start3A_1483 = tpu.memref_squeeze %dma_start3A_1482 : memref<1x8x768xf32, #tpu.memory_space<vmem>> -> memref<8x768xf32, #tpu.memory_space<vmem>>
      %dma_start3A_1484 = arith.constant 0 : i32
      %dma_start3A_1485 = tpu.memref_slice %arg4[%add3A_1479, %mul3A_34, %dma_start3A_1484] : memref<4096x32x768xf32, #tpu.memory_space<hbm>> -> memref<1x8x768xf32, #tpu.memory_space<hbm>>
      %dma_start3A_1486 = tpu.memref_squeeze %dma_start3A_1485 : memref<1x8x768xf32, #tpu.memory_space<hbm>> -> memref<8x768xf32, #tpu.memory_space<hbm>>
      %dma_start3A_1487 = arith.constant 0 : i32
      %dma_start3A_1488 = tpu.memref_slice %arg4[%add3A_1479, %mul3A_34, %dma_start3A_1487] : memref<4096x32x768xf32, #tpu.memory_space<hbm>> -> memref<1x8x768xf32, #tpu.memory_space<hbm>>
      %dma_start3A_1489 = tpu.memref_squeeze %dma_start3A_1488 : memref<1x8x768xf32, #tpu.memory_space<hbm>> -> memref<8x768xf32, #tpu.memory_space<hbm>>
      %dma_start3A_1490 = arith.constant 0 : i32
      %dma_start3A_1491 = arith.constant 0 : i32
      %dma_start3A_1492 = tpu.memref_slice %arg5[%squeeze3A_1478, %dma_start3A_1490, %dma_start3A_1491] : memref<8x16x768xf32, #tpu.memory_space<vmem>> -> memref<1x8x768xf32, #tpu.memory_space<vmem>>
      %dma_start3A_1493 = tpu.memref_squeeze %dma_start3A_1492 : memref<1x8x768xf32, #tpu.memory_space<vmem>> -> memref<8x768xf32, #tpu.memory_space<vmem>>
      tpu.enqueue_dma source(%dma_start3A_1493 : memref<8x768xf32, #tpu.memory_space<vmem>>) target(%dma_start3A_1489 : memref<8x768xf32, #tpu.memory_space<hbm>>) target_semaphore(%arg7 : memref<!tpu.dma_semaphore, #tpu.memory_space<semaphore_mem>>)
      %add3A_1494 = arith.addi %mul3A_32, %add3A_1476 : i32
      %add3A_1495 = arith.constant 8 : i32
      %add3A_1496 = arith.addi %mul3A_34, %add3A_1495 : i32
      %dma_start3A_1497 = arith.constant 8 : i32
      %dma_start3A_1498 = arith.constant 0 : i32
      %dma_start3A_1499 = tpu.memref_slice %arg5[%squeeze3A_1478, %dma_start3A_1497, %dma_start3A_1498] : memref<8x16x768xf32, #tpu.memory_space<vmem>> -> memref<1x8x768xf32, #tpu.memory_space<vmem>>
      %dma_start3A_1500 = tpu.memref_squeeze %dma_start3A_1499 : memref<1x8x768xf32, #tpu.memory_space<vmem>> -> memref<8x768xf32, #tpu.memory_space<vmem>>
      %dma_start3A_1501 = arith.constant 0 : i32
      %dma_start3A_1502 = tpu.memref_slice %arg4[%add3A_1494, %add3A_1496, %dma_start3A_1501] : memref<4096x32x768xf32, #tpu.memory_space<hbm>> -> memref<1x8x768xf32, #tpu.memory_space<hbm>>
      %dma_start3A_1503 = tpu.memref_squeeze %dma_start3A_1502 : memref<1x8x768xf32, #tpu.memory_space<hbm>> -> memref<8x768xf32, #tpu.memory_space<hbm>>
      %dma_start3A_1504 = arith.constant 0 : i32
      %dma_start3A_1505 = tpu.memref_slice %arg4[%add3A_1494, %add3A_1496, %dma_start3A_1504] : memref<4096x32x768xf32, #tpu.memory_space<hbm>> -> memref<1x8x768xf32, #tpu.memory_space<hbm>>
      %dma_start3A_1506 = tpu.memref_squeeze %dma_start3A_1505 : memref<1x8x768xf32, #tpu.memory_space<hbm>> -> memref<8x768xf32, #tpu.memory_space<hbm>>
      %dma_start3A_1507 = arith.constant 8 : i32
      %dma_start3A_1508 = arith.constant 0 : i32
      %dma_start3A_1509 = tpu.memref_slice %arg5[%squeeze3A_1478, %dma_start3A_1507, %dma_start3A_1508] : memref<8x16x768xf32, #tpu.memory_space<vmem>> -> memref<1x8x768xf32, #tpu.memory_space<vmem>>
      %dma_start3A_1510 = tpu.memref_squeeze %dma_start3A_1509 : memref<1x8x768xf32, #tpu.memory_space<vmem>> -> memref<8x768xf32, #tpu.memory_space<vmem>>
      tpu.enqueue_dma source(%dma_start3A_1510 : memref<8x768xf32, #tpu.memory_space<vmem>>) target(%dma_start3A_1506 : memref<8x768xf32, #tpu.memory_space<hbm>>) target_semaphore(%arg7 : memref<!tpu.dma_semaphore, #tpu.memory_space<semaphore_mem>>)
      %dma_wait3A_1511 = arith.constant 0 : i32
      %dma_wait3A_1512 = arith.constant 0 : i32
      %dma_wait3A_1513 = arith.constant 0 : i32
      %dma_wait3A_1514 = arith.constant 0 : i32
      %dma_wait3A_1515 = tpu.memref_slice %arg5[%dma_wait3A_1511, %dma_wait3A_1513, %dma_wait3A_1514] : memref<8x16x768xf32, #tpu.memory_space<vmem>> -> memref<1x16x768xf32, #tpu.memory_space<vmem>>
      %dma_wait3A_1516 = tpu.memref_squeeze %dma_wait3A_1515 : memref<1x16x768xf32, #tpu.memory_space<vmem>> -> memref<16x768xf32, #tpu.memory_space<vmem>>
      %dma_wait3A_1517 = arith.constant 0 : i32
      %dma_wait3A_1518 = arith.constant 0 : i32
      %dma_wait3A_1519 = tpu.memref_slice %arg4[%dma_wait3A_1512, %dma_wait3A_1517, %dma_wait3A_1518] : memref<4096x32x768xf32, #tpu.memory_space<hbm>> -> memref<1x16x768xf32, #tpu.memory_space<hbm>>
      %dma_wait3A_1520 = tpu.memref_squeeze %dma_wait3A_1519 : memref<1x16x768xf32, #tpu.memory_space<hbm>> -> memref<16x768xf32, #tpu.memory_space<hbm>>
      %dma_wait3A_1521 = arith.constant 0 : i32
      %dma_wait3A_1522 = arith.constant 0 : i32
      %dma_wait3A_1523 = tpu.memref_slice %arg4[%dma_wait3A_1512, %dma_wait3A_1521, %dma_wait3A_1522] : memref<4096x32x768xf32, #tpu.memory_space<hbm>> -> memref<1x16x768xf32, #tpu.memory_space<hbm>>
      %dma_wait3A_1524 = tpu.memref_squeeze %dma_wait3A_1523 : memref<1x16x768xf32, #tpu.memory_space<hbm>> -> memref<16x768xf32, #tpu.memory_space<hbm>>
      %dma_wait3A_1525 = arith.constant 0 : i32
      %dma_wait3A_1526 = arith.constant 0 : i32
      %dma_wait3A_1527 = tpu.memref_slice %arg5[%dma_wait3A_1511, %dma_wait3A_1525, %dma_wait3A_1526] : memref<8x16x768xf32, #tpu.memory_space<vmem>> -> memref<1x16x768xf32, #tpu.memory_space<vmem>>
      %dma_wait3A_1528 = tpu.memref_squeeze %dma_wait3A_1527 : memref<1x16x768xf32, #tpu.memory_space<vmem>> -> memref<16x768xf32, #tpu.memory_space<vmem>>
      tpu.wait_dma2 semaphore(%arg7 : memref<!tpu.dma_semaphore, #tpu.memory_space<semaphore_mem>>) src(%dma_wait3A_1528 : memref<16x768xf32, #tpu.memory_space<vmem>>) dst(%dma_wait3A_1524 : memref<16x768xf32, #tpu.memory_space<hbm>>)
      %add3A_1529 = arith.constant 11 : i32
      %add3A_1530 = arith.addi %add3A_913, %add3A_1529 : i32
      %slice3A_1531 = vector.extract_strided_slice %get3A_916 {offsets = [11], sizes = [1], strides = [1]} : vector<16xi32> to vector<1xi32>
      %squeeze3A_1532 = vector.extract %slice3A_1531[0] : i32 from vector<1xi32>
      %add3A_1533 = arith.addi %mul3A_32, %add3A_1530 : i32
      %dma_start3A_1534 = arith.constant 0 : i32
      %dma_start3A_1535 = arith.constant 0 : i32
      %dma_start3A_1536 = tpu.memref_slice %arg5[%squeeze3A_1532, %dma_start3A_1534, %dma_start3A_1535] : memref<8x16x768xf32, #tpu.memory_space<vmem>> -> memref<1x8x768xf32, #tpu.memory_space<vmem>>
      %dma_start3A_1537 = tpu.memref_squeeze %dma_start3A_1536 : memref<1x8x768xf32, #tpu.memory_space<vmem>> -> memref<8x768xf32, #tpu.memory_space<vmem>>
      %dma_start3A_1538 = arith.constant 0 : i32
      %dma_start3A_1539 = tpu.memref_slice %arg4[%add3A_1533, %mul3A_34, %dma_start3A_1538] : memref<4096x32x768xf32, #tpu.memory_space<hbm>> -> memref<1x8x768xf32, #tpu.memory_space<hbm>>
      %dma_start3A_1540 = tpu.memref_squeeze %dma_start3A_1539 : memref<1x8x768xf32, #tpu.memory_space<hbm>> -> memref<8x768xf32, #tpu.memory_space<hbm>>
      %dma_start3A_1541 = arith.constant 0 : i32
      %dma_start3A_1542 = tpu.memref_slice %arg4[%add3A_1533, %mul3A_34, %dma_start3A_1541] : memref<4096x32x768xf32, #tpu.memory_space<hbm>> -> memref<1x8x768xf32, #tpu.memory_space<hbm>>
      %dma_start3A_1543 = tpu.memref_squeeze %dma_start3A_1542 : memref<1x8x768xf32, #tpu.memory_space<hbm>> -> memref<8x768xf32, #tpu.memory_space<hbm>>
      %dma_start3A_1544 = arith.constant 0 : i32
      %dma_start3A_1545 = arith.constant 0 : i32
      %dma_start3A_1546 = tpu.memref_slice %arg5[%squeeze3A_1532, %dma_start3A_1544, %dma_start3A_1545] : memref<8x16x768xf32, #tpu.memory_space<vmem>> -> memref<1x8x768xf32, #tpu.memory_space<vmem>>
      %dma_start3A_1547 = tpu.memref_squeeze %dma_start3A_1546 : memref<1x8x768xf32, #tpu.memory_space<vmem>> -> memref<8x768xf32, #tpu.memory_space<vmem>>
      tpu.enqueue_dma source(%dma_start3A_1547 : memref<8x768xf32, #tpu.memory_space<vmem>>) target(%dma_start3A_1543 : memref<8x768xf32, #tpu.memory_space<hbm>>) target_semaphore(%arg7 : memref<!tpu.dma_semaphore, #tpu.memory_space<semaphore_mem>>)
      %add3A_1548 = arith.addi %mul3A_32, %add3A_1530 : i32
      %add3A_1549 = arith.constant 8 : i32
      %add3A_1550 = arith.addi %mul3A_34, %add3A_1549 : i32
      %dma_start3A_1551 = arith.constant 8 : i32
      %dma_start3A_1552 = arith.constant 0 : i32
      %dma_start3A_1553 = tpu.memref_slice %arg5[%squeeze3A_1532, %dma_start3A_1551, %dma_start3A_1552] : memref<8x16x768xf32, #tpu.memory_space<vmem>> -> memref<1x8x768xf32, #tpu.memory_space<vmem>>
      %dma_start3A_1554 = tpu.memref_squeeze %dma_start3A_1553 : memref<1x8x768xf32, #tpu.memory_space<vmem>> -> memref<8x768xf32, #tpu.memory_space<vmem>>
      %dma_start3A_1555 = arith.constant 0 : i32
      %dma_start3A_1556 = tpu.memref_slice %arg4[%add3A_1548, %add3A_1550, %dma_start3A_1555] : memref<4096x32x768xf32, #tpu.memory_space<hbm>> -> memref<1x8x768xf32, #tpu.memory_space<hbm>>
      %dma_start3A_1557 = tpu.memref_squeeze %dma_start3A_1556 : memref<1x8x768xf32, #tpu.memory_space<hbm>> -> memref<8x768xf32, #tpu.memory_space<hbm>>
      %dma_start3A_1558 = arith.constant 0 : i32
      %dma_start3A_1559 = tpu.memref_slice %arg4[%add3A_1548, %add3A_1550, %dma_start3A_1558] : memref<4096x32x768xf32, #tpu.memory_space<hbm>> -> memref<1x8x768xf32, #tpu.memory_space<hbm>>
      %dma_start3A_1560 = tpu.memref_squeeze %dma_start3A_1559 : memref<1x8x768xf32, #tpu.memory_space<hbm>> -> memref<8x768xf32, #tpu.memory_space<hbm>>
      %dma_start3A_1561 = arith.constant 8 : i32
      %dma_start3A_1562 = arith.constant 0 : i32
      %dma_start3A_1563 = tpu.memref_slice %arg5[%squeeze3A_1532, %dma_start3A_1561, %dma_start3A_1562] : memref<8x16x768xf32, #tpu.memory_space<vmem>> -> memref<1x8x768xf32, #tpu.memory_space<vmem>>
      %dma_start3A_1564 = tpu.memref_squeeze %dma_start3A_1563 : memref<1x8x768xf32, #tpu.memory_space<vmem>> -> memref<8x768xf32, #tpu.memory_space<vmem>>
      tpu.enqueue_dma source(%dma_start3A_1564 : memref<8x768xf32, #tpu.memory_space<vmem>>) target(%dma_start3A_1560 : memref<8x768xf32, #tpu.memory_space<hbm>>) target_semaphore(%arg7 : memref<!tpu.dma_semaphore, #tpu.memory_space<semaphore_mem>>)
      %dma_wait3A_1565 = arith.constant 0 : i32
      %dma_wait3A_1566 = arith.constant 0 : i32
      %dma_wait3A_1567 = arith.constant 0 : i32
      %dma_wait3A_1568 = arith.constant 0 : i32
      %dma_wait3A_1569 = tpu.memref_slice %arg5[%dma_wait3A_1565, %dma_wait3A_1567, %dma_wait3A_1568] : memref<8x16x768xf32, #tpu.memory_space<vmem>> -> memref<1x16x768xf32, #tpu.memory_space<vmem>>
      %dma_wait3A_1570 = tpu.memref_squeeze %dma_wait3A_1569 : memref<1x16x768xf32, #tpu.memory_space<vmem>> -> memref<16x768xf32, #tpu.memory_space<vmem>>
      %dma_wait3A_1571 = arith.constant 0 : i32
      %dma_wait3A_1572 = arith.constant 0 : i32
      %dma_wait3A_1573 = tpu.memref_slice %arg4[%dma_wait3A_1566, %dma_wait3A_1571, %dma_wait3A_1572] : memref<4096x32x768xf32, #tpu.memory_space<hbm>> -> memref<1x16x768xf32, #tpu.memory_space<hbm>>
      %dma_wait3A_1574 = tpu.memref_squeeze %dma_wait3A_1573 : memref<1x16x768xf32, #tpu.memory_space<hbm>> -> memref<16x768xf32, #tpu.memory_space<hbm>>
      %dma_wait3A_1575 = arith.constant 0 : i32
      %dma_wait3A_1576 = arith.constant 0 : i32
      %dma_wait3A_1577 = tpu.memref_slice %arg4[%dma_wait3A_1566, %dma_wait3A_1575, %dma_wait3A_1576] : memref<4096x32x768xf32, #tpu.memory_space<hbm>> -> memref<1x16x768xf32, #tpu.memory_space<hbm>>
      %dma_wait3A_1578 = tpu.memref_squeeze %dma_wait3A_1577 : memref<1x16x768xf32, #tpu.memory_space<hbm>> -> memref<16x768xf32, #tpu.memory_space<hbm>>
      %dma_wait3A_1579 = arith.constant 0 : i32
      %dma_wait3A_1580 = arith.constant 0 : i32
      %dma_wait3A_1581 = tpu.memref_slice %arg5[%dma_wait3A_1565, %dma_wait3A_1579, %dma_wait3A_1580] : memref<8x16x768xf32, #tpu.memory_space<vmem>> -> memref<1x16x768xf32, #tpu.memory_space<vmem>>
      %dma_wait3A_1582 = tpu.memref_squeeze %dma_wait3A_1581 : memref<1x16x768xf32, #tpu.memory_space<vmem>> -> memref<16x768xf32, #tpu.memory_space<vmem>>
      tpu.wait_dma2 semaphore(%arg7 : memref<!tpu.dma_semaphore, #tpu.memory_space<semaphore_mem>>) src(%dma_wait3A_1582 : memref<16x768xf32, #tpu.memory_space<vmem>>) dst(%dma_wait3A_1578 : memref<16x768xf32, #tpu.memory_space<hbm>>)
      %add3A_1583 = arith.constant 12 : i32
      %add3A_1584 = arith.addi %add3A_913, %add3A_1583 : i32
      %slice3A_1585 = vector.extract_strided_slice %get3A_916 {offsets = [12], sizes = [1], strides = [1]} : vector<16xi32> to vector<1xi32>
      %squeeze3A_1586 = vector.extract %slice3A_1585[0] : i32 from vector<1xi32>
      %add3A_1587 = arith.addi %mul3A_32, %add3A_1584 : i32
      %dma_start3A_1588 = arith.constant 0 : i32
      %dma_start3A_1589 = arith.constant 0 : i32
      %dma_start3A_1590 = tpu.memref_slice %arg5[%squeeze3A_1586, %dma_start3A_1588, %dma_start3A_1589] : memref<8x16x768xf32, #tpu.memory_space<vmem>> -> memref<1x8x768xf32, #tpu.memory_space<vmem>>
      %dma_start3A_1591 = tpu.memref_squeeze %dma_start3A_1590 : memref<1x8x768xf32, #tpu.memory_space<vmem>> -> memref<8x768xf32, #tpu.memory_space<vmem>>
      %dma_start3A_1592 = arith.constant 0 : i32
      %dma_start3A_1593 = tpu.memref_slice %arg4[%add3A_1587, %mul3A_34, %dma_start3A_1592] : memref<4096x32x768xf32, #tpu.memory_space<hbm>> -> memref<1x8x768xf32, #tpu.memory_space<hbm>>
      %dma_start3A_1594 = tpu.memref_squeeze %dma_start3A_1593 : memref<1x8x768xf32, #tpu.memory_space<hbm>> -> memref<8x768xf32, #tpu.memory_space<hbm>>
      %dma_start3A_1595 = arith.constant 0 : i32
      %dma_start3A_1596 = tpu.memref_slice %arg4[%add3A_1587, %mul3A_34, %dma_start3A_1595] : memref<4096x32x768xf32, #tpu.memory_space<hbm>> -> memref<1x8x768xf32, #tpu.memory_space<hbm>>
      %dma_start3A_1597 = tpu.memref_squeeze %dma_start3A_1596 : memref<1x8x768xf32, #tpu.memory_space<hbm>> -> memref<8x768xf32, #tpu.memory_space<hbm>>
      %dma_start3A_1598 = arith.constant 0 : i32
      %dma_start3A_1599 = arith.constant 0 : i32
      %dma_start3A_1600 = tpu.memref_slice %arg5[%squeeze3A_1586, %dma_start3A_1598, %dma_start3A_1599] : memref<8x16x768xf32, #tpu.memory_space<vmem>> -> memref<1x8x768xf32, #tpu.memory_space<vmem>>
      %dma_start3A_1601 = tpu.memref_squeeze %dma_start3A_1600 : memref<1x8x768xf32, #tpu.memory_space<vmem>> -> memref<8x768xf32, #tpu.memory_space<vmem>>
      tpu.enqueue_dma source(%dma_start3A_1601 : memref<8x768xf32, #tpu.memory_space<vmem>>) target(%dma_start3A_1597 : memref<8x768xf32, #tpu.memory_space<hbm>>) target_semaphore(%arg7 : memref<!tpu.dma_semaphore, #tpu.memory_space<semaphore_mem>>)
      %add3A_1602 = arith.addi %mul3A_32, %add3A_1584 : i32
      %add3A_1603 = arith.constant 8 : i32
      %add3A_1604 = arith.addi %mul3A_34, %add3A_1603 : i32
      %dma_start3A_1605 = arith.constant 8 : i32
      %dma_start3A_1606 = arith.constant 0 : i32
      %dma_start3A_1607 = tpu.memref_slice %arg5[%squeeze3A_1586, %dma_start3A_1605, %dma_start3A_1606] : memref<8x16x768xf32, #tpu.memory_space<vmem>> -> memref<1x8x768xf32, #tpu.memory_space<vmem>>
      %dma_start3A_1608 = tpu.memref_squeeze %dma_start3A_1607 : memref<1x8x768xf32, #tpu.memory_space<vmem>> -> memref<8x768xf32, #tpu.memory_space<vmem>>
      %dma_start3A_1609 = arith.constant 0 : i32
      %dma_start3A_1610 = tpu.memref_slice %arg4[%add3A_1602, %add3A_1604, %dma_start3A_1609] : memref<4096x32x768xf32, #tpu.memory_space<hbm>> -> memref<1x8x768xf32, #tpu.memory_space<hbm>>
      %dma_start3A_1611 = tpu.memref_squeeze %dma_start3A_1610 : memref<1x8x768xf32, #tpu.memory_space<hbm>> -> memref<8x768xf32, #tpu.memory_space<hbm>>
      %dma_start3A_1612 = arith.constant 0 : i32
      %dma_start3A_1613 = tpu.memref_slice %arg4[%add3A_1602, %add3A_1604, %dma_start3A_1612] : memref<4096x32x768xf32, #tpu.memory_space<hbm>> -> memref<1x8x768xf32, #tpu.memory_space<hbm>>
      %dma_start3A_1614 = tpu.memref_squeeze %dma_start3A_1613 : memref<1x8x768xf32, #tpu.memory_space<hbm>> -> memref<8x768xf32, #tpu.memory_space<hbm>>
      %dma_start3A_1615 = arith.constant 8 : i32
      %dma_start3A_1616 = arith.constant 0 : i32
      %dma_start3A_1617 = tpu.memref_slice %arg5[%squeeze3A_1586, %dma_start3A_1615, %dma_start3A_1616] : memref<8x16x768xf32, #tpu.memory_space<vmem>> -> memref<1x8x768xf32, #tpu.memory_space<vmem>>
      %dma_start3A_1618 = tpu.memref_squeeze %dma_start3A_1617 : memref<1x8x768xf32, #tpu.memory_space<vmem>> -> memref<8x768xf32, #tpu.memory_space<vmem>>
      tpu.enqueue_dma source(%dma_start3A_1618 : memref<8x768xf32, #tpu.memory_space<vmem>>) target(%dma_start3A_1614 : memref<8x768xf32, #tpu.memory_space<hbm>>) target_semaphore(%arg7 : memref<!tpu.dma_semaphore, #tpu.memory_space<semaphore_mem>>)
      %dma_wait3A_1619 = arith.constant 0 : i32
      %dma_wait3A_1620 = arith.constant 0 : i32
      %dma_wait3A_1621 = arith.constant 0 : i32
      %dma_wait3A_1622 = arith.constant 0 : i32
      %dma_wait3A_1623 = tpu.memref_slice %arg5[%dma_wait3A_1619, %dma_wait3A_1621, %dma_wait3A_1622] : memref<8x16x768xf32, #tpu.memory_space<vmem>> -> memref<1x16x768xf32, #tpu.memory_space<vmem>>
      %dma_wait3A_1624 = tpu.memref_squeeze %dma_wait3A_1623 : memref<1x16x768xf32, #tpu.memory_space<vmem>> -> memref<16x768xf32, #tpu.memory_space<vmem>>
      %dma_wait3A_1625 = arith.constant 0 : i32
      %dma_wait3A_1626 = arith.constant 0 : i32
      %dma_wait3A_1627 = tpu.memref_slice %arg4[%dma_wait3A_1620, %dma_wait3A_1625, %dma_wait3A_1626] : memref<4096x32x768xf32, #tpu.memory_space<hbm>> -> memref<1x16x768xf32, #tpu.memory_space<hbm>>
      %dma_wait3A_1628 = tpu.memref_squeeze %dma_wait3A_1627 : memref<1x16x768xf32, #tpu.memory_space<hbm>> -> memref<16x768xf32, #tpu.memory_space<hbm>>
      %dma_wait3A_1629 = arith.constant 0 : i32
      %dma_wait3A_1630 = arith.constant 0 : i32
      %dma_wait3A_1631 = tpu.memref_slice %arg4[%dma_wait3A_1620, %dma_wait3A_1629, %dma_wait3A_1630] : memref<4096x32x768xf32, #tpu.memory_space<hbm>> -> memref<1x16x768xf32, #tpu.memory_space<hbm>>
      %dma_wait3A_1632 = tpu.memref_squeeze %dma_wait3A_1631 : memref<1x16x768xf32, #tpu.memory_space<hbm>> -> memref<16x768xf32, #tpu.memory_space<hbm>>
      %dma_wait3A_1633 = arith.constant 0 : i32
      %dma_wait3A_1634 = arith.constant 0 : i32
      %dma_wait3A_1635 = tpu.memref_slice %arg5[%dma_wait3A_1619, %dma_wait3A_1633, %dma_wait3A_1634] : memref<8x16x768xf32, #tpu.memory_space<vmem>> -> memref<1x16x768xf32, #tpu.memory_space<vmem>>
      %dma_wait3A_1636 = tpu.memref_squeeze %dma_wait3A_1635 : memref<1x16x768xf32, #tpu.memory_space<vmem>> -> memref<16x768xf32, #tpu.memory_space<vmem>>
      tpu.wait_dma2 semaphore(%arg7 : memref<!tpu.dma_semaphore, #tpu.memory_space<semaphore_mem>>) src(%dma_wait3A_1636 : memref<16x768xf32, #tpu.memory_space<vmem>>) dst(%dma_wait3A_1632 : memref<16x768xf32, #tpu.memory_space<hbm>>)
      %add3A_1637 = arith.constant 13 : i32
      %add3A_1638 = arith.addi %add3A_913, %add3A_1637 : i32
      %slice3A_1639 = vector.extract_strided_slice %get3A_916 {offsets = [13], sizes = [1], strides = [1]} : vector<16xi32> to vector<1xi32>
      %squeeze3A_1640 = vector.extract %slice3A_1639[0] : i32 from vector<1xi32>
      %add3A_1641 = arith.addi %mul3A_32, %add3A_1638 : i32
      %dma_start3A_1642 = arith.constant 0 : i32
      %dma_start3A_1643 = arith.constant 0 : i32
      %dma_start3A_1644 = tpu.memref_slice %arg5[%squeeze3A_1640, %dma_start3A_1642, %dma_start3A_1643] : memref<8x16x768xf32, #tpu.memory_space<vmem>> -> memref<1x8x768xf32, #tpu.memory_space<vmem>>
      %dma_start3A_1645 = tpu.memref_squeeze %dma_start3A_1644 : memref<1x8x768xf32, #tpu.memory_space<vmem>> -> memref<8x768xf32, #tpu.memory_space<vmem>>
      %dma_start3A_1646 = arith.constant 0 : i32
      %dma_start3A_1647 = tpu.memref_slice %arg4[%add3A_1641, %mul3A_34, %dma_start3A_1646] : memref<4096x32x768xf32, #tpu.memory_space<hbm>> -> memref<1x8x768xf32, #tpu.memory_space<hbm>>
      %dma_start3A_1648 = tpu.memref_squeeze %dma_start3A_1647 : memref<1x8x768xf32, #tpu.memory_space<hbm>> -> memref<8x768xf32, #tpu.memory_space<hbm>>
      %dma_start3A_1649 = arith.constant 0 : i32
      %dma_start3A_1650 = tpu.memref_slice %arg4[%add3A_1641, %mul3A_34, %dma_start3A_1649] : memref<4096x32x768xf32, #tpu.memory_space<hbm>> -> memref<1x8x768xf32, #tpu.memory_space<hbm>>
      %dma_start3A_1651 = tpu.memref_squeeze %dma_start3A_1650 : memref<1x8x768xf32, #tpu.memory_space<hbm>> -> memref<8x768xf32, #tpu.memory_space<hbm>>
      %dma_start3A_1652 = arith.constant 0 : i32
      %dma_start3A_1653 = arith.constant 0 : i32
      %dma_start3A_1654 = tpu.memref_slice %arg5[%squeeze3A_1640, %dma_start3A_1652, %dma_start3A_1653] : memref<8x16x768xf32, #tpu.memory_space<vmem>> -> memref<1x8x768xf32, #tpu.memory_space<vmem>>
      %dma_start3A_1655 = tpu.memref_squeeze %dma_start3A_1654 : memref<1x8x768xf32, #tpu.memory_space<vmem>> -> memref<8x768xf32, #tpu.memory_space<vmem>>
      tpu.enqueue_dma source(%dma_start3A_1655 : memref<8x768xf32, #tpu.memory_space<vmem>>) target(%dma_start3A_1651 : memref<8x768xf32, #tpu.memory_space<hbm>>) target_semaphore(%arg7 : memref<!tpu.dma_semaphore, #tpu.memory_space<semaphore_mem>>)
      %add3A_1656 = arith.addi %mul3A_32, %add3A_1638 : i32
      %add3A_1657 = arith.constant 8 : i32
      %add3A_1658 = arith.addi %mul3A_34, %add3A_1657 : i32
      %dma_start3A_1659 = arith.constant 8 : i32
      %dma_start3A_1660 = arith.constant 0 : i32
      %dma_start3A_1661 = tpu.memref_slice %arg5[%squeeze3A_1640, %dma_start3A_1659, %dma_start3A_1660] : memref<8x16x768xf32, #tpu.memory_space<vmem>> -> memref<1x8x768xf32, #tpu.memory_space<vmem>>
      %dma_start3A_1662 = tpu.memref_squeeze %dma_start3A_1661 : memref<1x8x768xf32, #tpu.memory_space<vmem>> -> memref<8x768xf32, #tpu.memory_space<vmem>>
      %dma_start3A_1663 = arith.constant 0 : i32
      %dma_start3A_1664 = tpu.memref_slice %arg4[%add3A_1656, %add3A_1658, %dma_start3A_1663] : memref<4096x32x768xf32, #tpu.memory_space<hbm>> -> memref<1x8x768xf32, #tpu.memory_space<hbm>>
      %dma_start3A_1665 = tpu.memref_squeeze %dma_start3A_1664 : memref<1x8x768xf32, #tpu.memory_space<hbm>> -> memref<8x768xf32, #tpu.memory_space<hbm>>
      %dma_start3A_1666 = arith.constant 0 : i32
      %dma_start3A_1667 = tpu.memref_slice %arg4[%add3A_1656, %add3A_1658, %dma_start3A_1666] : memref<4096x32x768xf32, #tpu.memory_space<hbm>> -> memref<1x8x768xf32, #tpu.memory_space<hbm>>
      %dma_start3A_1668 = tpu.memref_squeeze %dma_start3A_1667 : memref<1x8x768xf32, #tpu.memory_space<hbm>> -> memref<8x768xf32, #tpu.memory_space<hbm>>
      %dma_start3A_1669 = arith.constant 8 : i32
      %dma_start3A_1670 = arith.constant 0 : i32
      %dma_start3A_1671 = tpu.memref_slice %arg5[%squeeze3A_1640, %dma_start3A_1669, %dma_start3A_1670] : memref<8x16x768xf32, #tpu.memory_space<vmem>> -> memref<1x8x768xf32, #tpu.memory_space<vmem>>
      %dma_start3A_1672 = tpu.memref_squeeze %dma_start3A_1671 : memref<1x8x768xf32, #tpu.memory_space<vmem>> -> memref<8x768xf32, #tpu.memory_space<vmem>>
      tpu.enqueue_dma source(%dma_start3A_1672 : memref<8x768xf32, #tpu.memory_space<vmem>>) target(%dma_start3A_1668 : memref<8x768xf32, #tpu.memory_space<hbm>>) target_semaphore(%arg7 : memref<!tpu.dma_semaphore, #tpu.memory_space<semaphore_mem>>)
      %dma_wait3A_1673 = arith.constant 0 : i32
      %dma_wait3A_1674 = arith.constant 0 : i32
      %dma_wait3A_1675 = arith.constant 0 : i32
      %dma_wait3A_1676 = arith.constant 0 : i32
      %dma_wait3A_1677 = tpu.memref_slice %arg5[%dma_wait3A_1673, %dma_wait3A_1675, %dma_wait3A_1676] : memref<8x16x768xf32, #tpu.memory_space<vmem>> -> memref<1x16x768xf32, #tpu.memory_space<vmem>>
      %dma_wait3A_1678 = tpu.memref_squeeze %dma_wait3A_1677 : memref<1x16x768xf32, #tpu.memory_space<vmem>> -> memref<16x768xf32, #tpu.memory_space<vmem>>
      %dma_wait3A_1679 = arith.constant 0 : i32
      %dma_wait3A_1680 = arith.constant 0 : i32
      %dma_wait3A_1681 = tpu.memref_slice %arg4[%dma_wait3A_1674, %dma_wait3A_1679, %dma_wait3A_1680] : memref<4096x32x768xf32, #tpu.memory_space<hbm>> -> memref<1x16x768xf32, #tpu.memory_space<hbm>>
      %dma_wait3A_1682 = tpu.memref_squeeze %dma_wait3A_1681 : memref<1x16x768xf32, #tpu.memory_space<hbm>> -> memref<16x768xf32, #tpu.memory_space<hbm>>
      %dma_wait3A_1683 = arith.constant 0 : i32
      %dma_wait3A_1684 = arith.constant 0 : i32
      %dma_wait3A_1685 = tpu.memref_slice %arg4[%dma_wait3A_1674, %dma_wait3A_1683, %dma_wait3A_1684] : memref<4096x32x768xf32, #tpu.memory_space<hbm>> -> memref<1x16x768xf32, #tpu.memory_space<hbm>>
      %dma_wait3A_1686 = tpu.memref_squeeze %dma_wait3A_1685 : memref<1x16x768xf32, #tpu.memory_space<hbm>> -> memref<16x768xf32, #tpu.memory_space<hbm>>
      %dma_wait3A_1687 = arith.constant 0 : i32
      %dma_wait3A_1688 = arith.constant 0 : i32
      %dma_wait3A_1689 = tpu.memref_slice %arg5[%dma_wait3A_1673, %dma_wait3A_1687, %dma_wait3A_1688] : memref<8x16x768xf32, #tpu.memory_space<vmem>> -> memref<1x16x768xf32, #tpu.memory_space<vmem>>
      %dma_wait3A_1690 = tpu.memref_squeeze %dma_wait3A_1689 : memref<1x16x768xf32, #tpu.memory_space<vmem>> -> memref<16x768xf32, #tpu.memory_space<vmem>>
      tpu.wait_dma2 semaphore(%arg7 : memref<!tpu.dma_semaphore, #tpu.memory_space<semaphore_mem>>) src(%dma_wait3A_1690 : memref<16x768xf32, #tpu.memory_space<vmem>>) dst(%dma_wait3A_1686 : memref<16x768xf32, #tpu.memory_space<hbm>>)
      %add3A_1691 = arith.constant 14 : i32
      %add3A_1692 = arith.addi %add3A_913, %add3A_1691 : i32
      %slice3A_1693 = vector.extract_strided_slice %get3A_916 {offsets = [14], sizes = [1], strides = [1]} : vector<16xi32> to vector<1xi32>
      %squeeze3A_1694 = vector.extract %slice3A_1693[0] : i32 from vector<1xi32>
      %add3A_1695 = arith.addi %mul3A_32, %add3A_1692 : i32
      %dma_start3A_1696 = arith.constant 0 : i32
      %dma_start3A_1697 = arith.constant 0 : i32
      %dma_start3A_1698 = tpu.memref_slice %arg5[%squeeze3A_1694, %dma_start3A_1696, %dma_start3A_1697] : memref<8x16x768xf32, #tpu.memory_space<vmem>> -> memref<1x8x768xf32, #tpu.memory_space<vmem>>
      %dma_start3A_1699 = tpu.memref_squeeze %dma_start3A_1698 : memref<1x8x768xf32, #tpu.memory_space<vmem>> -> memref<8x768xf32, #tpu.memory_space<vmem>>
      %dma_start3A_1700 = arith.constant 0 : i32
      %dma_start3A_1701 = tpu.memref_slice %arg4[%add3A_1695, %mul3A_34, %dma_start3A_1700] : memref<4096x32x768xf32, #tpu.memory_space<hbm>> -> memref<1x8x768xf32, #tpu.memory_space<hbm>>
      %dma_start3A_1702 = tpu.memref_squeeze %dma_start3A_1701 : memref<1x8x768xf32, #tpu.memory_space<hbm>> -> memref<8x768xf32, #tpu.memory_space<hbm>>
      %dma_start3A_1703 = arith.constant 0 : i32
      %dma_start3A_1704 = tpu.memref_slice %arg4[%add3A_1695, %mul3A_34, %dma_start3A_1703] : memref<4096x32x768xf32, #tpu.memory_space<hbm>> -> memref<1x8x768xf32, #tpu.memory_space<hbm>>
      %dma_start3A_1705 = tpu.memref_squeeze %dma_start3A_1704 : memref<1x8x768xf32, #tpu.memory_space<hbm>> -> memref<8x768xf32, #tpu.memory_space<hbm>>
      %dma_start3A_1706 = arith.constant 0 : i32
      %dma_start3A_1707 = arith.constant 0 : i32
      %dma_start3A_1708 = tpu.memref_slice %arg5[%squeeze3A_1694, %dma_start3A_1706, %dma_start3A_1707] : memref<8x16x768xf32, #tpu.memory_space<vmem>> -> memref<1x8x768xf32, #tpu.memory_space<vmem>>
      %dma_start3A_1709 = tpu.memref_squeeze %dma_start3A_1708 : memref<1x8x768xf32, #tpu.memory_space<vmem>> -> memref<8x768xf32, #tpu.memory_space<vmem>>
      tpu.enqueue_dma source(%dma_start3A_1709 : memref<8x768xf32, #tpu.memory_space<vmem>>) target(%dma_start3A_1705 : memref<8x768xf32, #tpu.memory_space<hbm>>) target_semaphore(%arg7 : memref<!tpu.dma_semaphore, #tpu.memory_space<semaphore_mem>>)
      %add3A_1710 = arith.addi %mul3A_32, %add3A_1692 : i32
      %add3A_1711 = arith.constant 8 : i32
      %add3A_1712 = arith.addi %mul3A_34, %add3A_1711 : i32
      %dma_start3A_1713 = arith.constant 8 : i32
      %dma_start3A_1714 = arith.constant 0 : i32
      %dma_start3A_1715 = tpu.memref_slice %arg5[%squeeze3A_1694, %dma_start3A_1713, %dma_start3A_1714] : memref<8x16x768xf32, #tpu.memory_space<vmem>> -> memref<1x8x768xf32, #tpu.memory_space<vmem>>
      %dma_start3A_1716 = tpu.memref_squeeze %dma_start3A_1715 : memref<1x8x768xf32, #tpu.memory_space<vmem>> -> memref<8x768xf32, #tpu.memory_space<vmem>>
      %dma_start3A_1717 = arith.constant 0 : i32
      %dma_start3A_1718 = tpu.memref_slice %arg4[%add3A_1710, %add3A_1712, %dma_start3A_1717] : memref<4096x32x768xf32, #tpu.memory_space<hbm>> -> memref<1x8x768xf32, #tpu.memory_space<hbm>>
      %dma_start3A_1719 = tpu.memref_squeeze %dma_start3A_1718 : memref<1x8x768xf32, #tpu.memory_space<hbm>> -> memref<8x768xf32, #tpu.memory_space<hbm>>
      %dma_start3A_1720 = arith.constant 0 : i32
      %dma_start3A_1721 = tpu.memref_slice %arg4[%add3A_1710, %add3A_1712, %dma_start3A_1720] : memref<4096x32x768xf32, #tpu.memory_space<hbm>> -> memref<1x8x768xf32, #tpu.memory_space<hbm>>
      %dma_start3A_1722 = tpu.memref_squeeze %dma_start3A_1721 : memref<1x8x768xf32, #tpu.memory_space<hbm>> -> memref<8x768xf32, #tpu.memory_space<hbm>>
      %dma_start3A_1723 = arith.constant 8 : i32
      %dma_start3A_1724 = arith.constant 0 : i32
      %dma_start3A_1725 = tpu.memref_slice %arg5[%squeeze3A_1694, %dma_start3A_1723, %dma_start3A_1724] : memref<8x16x768xf32, #tpu.memory_space<vmem>> -> memref<1x8x768xf32, #tpu.memory_space<vmem>>
      %dma_start3A_1726 = tpu.memref_squeeze %dma_start3A_1725 : memref<1x8x768xf32, #tpu.memory_space<vmem>> -> memref<8x768xf32, #tpu.memory_space<vmem>>
      tpu.enqueue_dma source(%dma_start3A_1726 : memref<8x768xf32, #tpu.memory_space<vmem>>) target(%dma_start3A_1722 : memref<8x768xf32, #tpu.memory_space<hbm>>) target_semaphore(%arg7 : memref<!tpu.dma_semaphore, #tpu.memory_space<semaphore_mem>>)
      %dma_wait3A_1727 = arith.constant 0 : i32
      %dma_wait3A_1728 = arith.constant 0 : i32
      %dma_wait3A_1729 = arith.constant 0 : i32
      %dma_wait3A_1730 = arith.constant 0 : i32
      %dma_wait3A_1731 = tpu.memref_slice %arg5[%dma_wait3A_1727, %dma_wait3A_1729, %dma_wait3A_1730] : memref<8x16x768xf32, #tpu.memory_space<vmem>> -> memref<1x16x768xf32, #tpu.memory_space<vmem>>
      %dma_wait3A_1732 = tpu.memref_squeeze %dma_wait3A_1731 : memref<1x16x768xf32, #tpu.memory_space<vmem>> -> memref<16x768xf32, #tpu.memory_space<vmem>>
      %dma_wait3A_1733 = arith.constant 0 : i32
      %dma_wait3A_1734 = arith.constant 0 : i32
      %dma_wait3A_1735 = tpu.memref_slice %arg4[%dma_wait3A_1728, %dma_wait3A_1733, %dma_wait3A_1734] : memref<4096x32x768xf32, #tpu.memory_space<hbm>> -> memref<1x16x768xf32, #tpu.memory_space<hbm>>
      %dma_wait3A_1736 = tpu.memref_squeeze %dma_wait3A_1735 : memref<1x16x768xf32, #tpu.memory_space<hbm>> -> memref<16x768xf32, #tpu.memory_space<hbm>>
      %dma_wait3A_1737 = arith.constant 0 : i32
      %dma_wait3A_1738 = arith.constant 0 : i32
      %dma_wait3A_1739 = tpu.memref_slice %arg4[%dma_wait3A_1728, %dma_wait3A_1737, %dma_wait3A_1738] : memref<4096x32x768xf32, #tpu.memory_space<hbm>> -> memref<1x16x768xf32, #tpu.memory_space<hbm>>
      %dma_wait3A_1740 = tpu.memref_squeeze %dma_wait3A_1739 : memref<1x16x768xf32, #tpu.memory_space<hbm>> -> memref<16x768xf32, #tpu.memory_space<hbm>>
      %dma_wait3A_1741 = arith.constant 0 : i32
      %dma_wait3A_1742 = arith.constant 0 : i32
      %dma_wait3A_1743 = tpu.memref_slice %arg5[%dma_wait3A_1727, %dma_wait3A_1741, %dma_wait3A_1742] : memref<8x16x768xf32, #tpu.memory_space<vmem>> -> memref<1x16x768xf32, #tpu.memory_space<vmem>>
      %dma_wait3A_1744 = tpu.memref_squeeze %dma_wait3A_1743 : memref<1x16x768xf32, #tpu.memory_space<vmem>> -> memref<16x768xf32, #tpu.memory_space<vmem>>
      tpu.wait_dma2 semaphore(%arg7 : memref<!tpu.dma_semaphore, #tpu.memory_space<semaphore_mem>>) src(%dma_wait3A_1744 : memref<16x768xf32, #tpu.memory_space<vmem>>) dst(%dma_wait3A_1740 : memref<16x768xf32, #tpu.memory_space<hbm>>)
      %add3A_1745 = arith.constant 15 : i32
      %add3A_1746 = arith.addi %add3A_913, %add3A_1745 : i32
      %slice3A_1747 = vector.extract_strided_slice %get3A_916 {offsets = [15], sizes = [1], strides = [1]} : vector<16xi32> to vector<1xi32>
      %squeeze3A_1748 = vector.extract %slice3A_1747[0] : i32 from vector<1xi32>
      %add3A_1749 = arith.addi %mul3A_32, %add3A_1746 : i32
      %dma_start3A_1750 = arith.constant 0 : i32
      %dma_start3A_1751 = arith.constant 0 : i32
      %dma_start3A_1752 = tpu.memref_slice %arg5[%squeeze3A_1748, %dma_start3A_1750, %dma_start3A_1751] : memref<8x16x768xf32, #tpu.memory_space<vmem>> -> memref<1x8x768xf32, #tpu.memory_space<vmem>>
      %dma_start3A_1753 = tpu.memref_squeeze %dma_start3A_1752 : memref<1x8x768xf32, #tpu.memory_space<vmem>> -> memref<8x768xf32, #tpu.memory_space<vmem>>
      %dma_start3A_1754 = arith.constant 0 : i32
      %dma_start3A_1755 = tpu.memref_slice %arg4[%add3A_1749, %mul3A_34, %dma_start3A_1754] : memref<4096x32x768xf32, #tpu.memory_space<hbm>> -> memref<1x8x768xf32, #tpu.memory_space<hbm>>
      %dma_start3A_1756 = tpu.memref_squeeze %dma_start3A_1755 : memref<1x8x768xf32, #tpu.memory_space<hbm>> -> memref<8x768xf32, #tpu.memory_space<hbm>>
      %dma_start3A_1757 = arith.constant 0 : i32
      %dma_start3A_1758 = tpu.memref_slice %arg4[%add3A_1749, %mul3A_34, %dma_start3A_1757] : memref<4096x32x768xf32, #tpu.memory_space<hbm>> -> memref<1x8x768xf32, #tpu.memory_space<hbm>>
      %dma_start3A_1759 = tpu.memref_squeeze %dma_start3A_1758 : memref<1x8x768xf32, #tpu.memory_space<hbm>> -> memref<8x768xf32, #tpu.memory_space<hbm>>
      %dma_start3A_1760 = arith.constant 0 : i32
      %dma_start3A_1761 = arith.constant 0 : i32
      %dma_start3A_1762 = tpu.memref_slice %arg5[%squeeze3A_1748, %dma_start3A_1760, %dma_start3A_1761] : memref<8x16x768xf32, #tpu.memory_space<vmem>> -> memref<1x8x768xf32, #tpu.memory_space<vmem>>
      %dma_start3A_1763 = tpu.memref_squeeze %dma_start3A_1762 : memref<1x8x768xf32, #tpu.memory_space<vmem>> -> memref<8x768xf32, #tpu.memory_space<vmem>>
      tpu.enqueue_dma source(%dma_start3A_1763 : memref<8x768xf32, #tpu.memory_space<vmem>>) target(%dma_start3A_1759 : memref<8x768xf32, #tpu.memory_space<hbm>>) target_semaphore(%arg7 : memref<!tpu.dma_semaphore, #tpu.memory_space<semaphore_mem>>)
      %add3A_1764 = arith.addi %mul3A_32, %add3A_1746 : i32
      %add3A_1765 = arith.constant 8 : i32
      %add3A_1766 = arith.addi %mul3A_34, %add3A_1765 : i32
      %dma_start3A_1767 = arith.constant 8 : i32
      %dma_start3A_1768 = arith.constant 0 : i32
      %dma_start3A_1769 = tpu.memref_slice %arg5[%squeeze3A_1748, %dma_start3A_1767, %dma_start3A_1768] : memref<8x16x768xf32, #tpu.memory_space<vmem>> -> memref<1x8x768xf32, #tpu.memory_space<vmem>>
      %dma_start3A_1770 = tpu.memref_squeeze %dma_start3A_1769 : memref<1x8x768xf32, #tpu.memory_space<vmem>> -> memref<8x768xf32, #tpu.memory_space<vmem>>
      %dma_start3A_1771 = arith.constant 0 : i32
      %dma_start3A_1772 = tpu.memref_slice %arg4[%add3A_1764, %add3A_1766, %dma_start3A_1771] : memref<4096x32x768xf32, #tpu.memory_space<hbm>> -> memref<1x8x768xf32, #tpu.memory_space<hbm>>
      %dma_start3A_1773 = tpu.memref_squeeze %dma_start3A_1772 : memref<1x8x768xf32, #tpu.memory_space<hbm>> -> memref<8x768xf32, #tpu.memory_space<hbm>>
      %dma_start3A_1774 = arith.constant 0 : i32
      %dma_start3A_1775 = tpu.memref_slice %arg4[%add3A_1764, %add3A_1766, %dma_start3A_1774] : memref<4096x32x768xf32, #tpu.memory_space<hbm>> -> memref<1x8x768xf32, #tpu.memory_space<hbm>>
      %dma_start3A_1776 = tpu.memref_squeeze %dma_start3A_1775 : memref<1x8x768xf32, #tpu.memory_space<hbm>> -> memref<8x768xf32, #tpu.memory_space<hbm>>
      %dma_start3A_1777 = arith.constant 8 : i32
      %dma_start3A_1778 = arith.constant 0 : i32
      %dma_start3A_1779 = tpu.memref_slice %arg5[%squeeze3A_1748, %dma_start3A_1777, %dma_start3A_1778] : memref<8x16x768xf32, #tpu.memory_space<vmem>> -> memref<1x8x768xf32, #tpu.memory_space<vmem>>
      %dma_start3A_1780 = tpu.memref_squeeze %dma_start3A_1779 : memref<1x8x768xf32, #tpu.memory_space<vmem>> -> memref<8x768xf32, #tpu.memory_space<vmem>>
      tpu.enqueue_dma source(%dma_start3A_1780 : memref<8x768xf32, #tpu.memory_space<vmem>>) target(%dma_start3A_1776 : memref<8x768xf32, #tpu.memory_space<hbm>>) target_semaphore(%arg7 : memref<!tpu.dma_semaphore, #tpu.memory_space<semaphore_mem>>)
    }
    %scan3A_621 = arith.constant 15 : i32
    %dma_wait3A = arith.constant 0 : i32
    %dma_wait3A_622 = arith.constant 0 : i32
    %dma_wait3A_623 = arith.constant 0 : i32
    %dma_wait3A_624 = arith.constant 0 : i32
    %dma_wait3A_625 = tpu.memref_slice %arg5[%dma_wait3A, %dma_wait3A_623, %dma_wait3A_624] : memref<8x16x768xf32, #tpu.memory_space<vmem>> -> memref<1x16x768xf32, #tpu.memory_space<vmem>>
    %dma_wait3A_626 = tpu.memref_squeeze %dma_wait3A_625 : memref<1x16x768xf32, #tpu.memory_space<vmem>> -> memref<16x768xf32, #tpu.memory_space<vmem>>
    %dma_wait3A_627 = arith.constant 0 : i32
    %dma_wait3A_628 = arith.constant 0 : i32
    %dma_wait3A_629 = tpu.memref_slice %arg4[%dma_wait3A_622, %dma_wait3A_627, %dma_wait3A_628] : memref<4096x32x768xf32, #tpu.memory_space<hbm>> -> memref<1x16x768xf32, #tpu.memory_space<hbm>>
    %dma_wait3A_630 = tpu.memref_squeeze %dma_wait3A_629 : memref<1x16x768xf32, #tpu.memory_space<hbm>> -> memref<16x768xf32, #tpu.memory_space<hbm>>
    %dma_wait3A_631 = arith.constant 0 : i32
    %dma_wait3A_632 = arith.constant 0 : i32
    %dma_wait3A_633 = tpu.memref_slice %arg4[%dma_wait3A_622, %dma_wait3A_631, %dma_wait3A_632] : memref<4096x32x768xf32, #tpu.memory_space<hbm>> -> memref<1x16x768xf32, #tpu.memory_space<hbm>>
    %dma_wait3A_634 = tpu.memref_squeeze %dma_wait3A_633 : memref<1x16x768xf32, #tpu.memory_space<hbm>> -> memref<16x768xf32, #tpu.memory_space<hbm>>
    %dma_wait3A_635 = arith.constant 0 : i32
    %dma_wait3A_636 = arith.constant 0 : i32
    %dma_wait3A_637 = tpu.memref_slice %arg5[%dma_wait3A, %dma_wait3A_635, %dma_wait3A_636] : memref<8x16x768xf32, #tpu.memory_space<vmem>> -> memref<1x16x768xf32, #tpu.memory_space<vmem>>
    %dma_wait3A_638 = tpu.memref_squeeze %dma_wait3A_637 : memref<1x16x768xf32, #tpu.memory_space<vmem>> -> memref<16x768xf32, #tpu.memory_space<vmem>>
    tpu.wait_dma2 semaphore(%arg7 : memref<!tpu.dma_semaphore, #tpu.memory_space<semaphore_mem>>) src(%dma_wait3A_638 : memref<16x768xf32, #tpu.memory_space<vmem>>) dst(%dma_wait3A_634 : memref<16x768xf32, #tpu.memory_space<hbm>>)
    %dma_wait3A_639 = arith.constant 0 : i32
    %dma_wait3A_640 = arith.constant 0 : i32
    %dma_wait3A_641 = arith.constant 0 : i32
    %dma_wait3A_642 = arith.constant 0 : i32
    %dma_wait3A_643 = tpu.memref_slice %arg5[%dma_wait3A_639, %dma_wait3A_641, %dma_wait3A_642] : memref<8x16x768xf32, #tpu.memory_space<vmem>> -> memref<1x16x768xf32, #tpu.memory_space<vmem>>
    %dma_wait3A_644 = tpu.memref_squeeze %dma_wait3A_643 : memref<1x16x768xf32, #tpu.memory_space<vmem>> -> memref<16x768xf32, #tpu.memory_space<vmem>>
    %dma_wait3A_645 = arith.constant 0 : i32
    %dma_wait3A_646 = arith.constant 0 : i32
    %dma_wait3A_647 = tpu.memref_slice %arg4[%dma_wait3A_640, %dma_wait3A_645, %dma_wait3A_646] : memref<4096x32x768xf32, #tpu.memory_space<hbm>> -> memref<1x16x768xf32, #tpu.memory_space<hbm>>
    %dma_wait3A_648 = tpu.memref_squeeze %dma_wait3A_647 : memref<1x16x768xf32, #tpu.memory_space<hbm>> -> memref<16x768xf32, #tpu.memory_space<hbm>>
    %dma_wait3A_649 = arith.constant 0 : i32
    %dma_wait3A_650 = arith.constant 0 : i32
    %dma_wait3A_651 = tpu.memref_slice %arg4[%dma_wait3A_640, %dma_wait3A_649, %dma_wait3A_650] : memref<4096x32x768xf32, #tpu.memory_space<hbm>> -> memref<1x16x768xf32, #tpu.memory_space<hbm>>
    %dma_wait3A_652 = tpu.memref_squeeze %dma_wait3A_651 : memref<1x16x768xf32, #tpu.memory_space<hbm>> -> memref<16x768xf32, #tpu.memory_space<hbm>>
    %dma_wait3A_653 = arith.constant 0 : i32
    %dma_wait3A_654 = arith.constant 0 : i32
    %dma_wait3A_655 = tpu.memref_slice %arg5[%dma_wait3A_639, %dma_wait3A_653, %dma_wait3A_654] : memref<8x16x768xf32, #tpu.memory_space<vmem>> -> memref<1x16x768xf32, #tpu.memory_space<vmem>>
    %dma_wait3A_656 = tpu.memref_squeeze %dma_wait3A_655 : memref<1x16x768xf32, #tpu.memory_space<vmem>> -> memref<16x768xf32, #tpu.memory_space<vmem>>
    tpu.wait_dma2 semaphore(%arg7 : memref<!tpu.dma_semaphore, #tpu.memory_space<semaphore_mem>>) src(%dma_wait3A_656 : memref<16x768xf32, #tpu.memory_space<vmem>>) dst(%dma_wait3A_652 : memref<16x768xf32, #tpu.memory_space<hbm>>)
    %dma_wait3A_657 = arith.constant 0 : i32
    %dma_wait3A_658 = arith.constant 0 : i32
    %dma_wait3A_659 = arith.constant 0 : i32
    %dma_wait3A_660 = arith.constant 0 : i32
    %dma_wait3A_661 = tpu.memref_slice %arg5[%dma_wait3A_657, %dma_wait3A_659, %dma_wait3A_660] : memref<8x16x768xf32, #tpu.memory_space<vmem>> -> memref<1x16x768xf32, #tpu.memory_space<vmem>>
    %dma_wait3A_662 = tpu.memref_squeeze %dma_wait3A_661 : memref<1x16x768xf32, #tpu.memory_space<vmem>> -> memref<16x768xf32, #tpu.memory_space<vmem>>
    %dma_wait3A_663 = arith.constant 0 : i32
    %dma_wait3A_664 = arith.constant 0 : i32
    %dma_wait3A_665 = tpu.memref_slice %arg4[%dma_wait3A_658, %dma_wait3A_663, %dma_wait3A_664] : memref<4096x32x768xf32, #tpu.memory_space<hbm>> -> memref<1x16x768xf32, #tpu.memory_space<hbm>>
    %dma_wait3A_666 = tpu.memref_squeeze %dma_wait3A_665 : memref<1x16x768xf32, #tpu.memory_space<hbm>> -> memref<16x768xf32, #tpu.memory_space<hbm>>
    %dma_wait3A_667 = arith.constant 0 : i32
    %dma_wait3A_668 = arith.constant 0 : i32
    %dma_wait3A_669 = tpu.memref_slice %arg4[%dma_wait3A_658, %dma_wait3A_667, %dma_wait3A_668] : memref<4096x32x768xf32, #tpu.memory_space<hbm>> -> memref<1x16x768xf32, #tpu.memory_space<hbm>>
    %dma_wait3A_670 = tpu.memref_squeeze %dma_wait3A_669 : memref<1x16x768xf32, #tpu.memory_space<hbm>> -> memref<16x768xf32, #tpu.memory_space<hbm>>
    %dma_wait3A_671 = arith.constant 0 : i32
    %dma_wait3A_672 = arith.constant 0 : i32
    %dma_wait3A_673 = tpu.memref_slice %arg5[%dma_wait3A_657, %dma_wait3A_671, %dma_wait3A_672] : memref<8x16x768xf32, #tpu.memory_space<vmem>> -> memref<1x16x768xf32, #tpu.memory_space<vmem>>
    %dma_wait3A_674 = tpu.memref_squeeze %dma_wait3A_673 : memref<1x16x768xf32, #tpu.memory_space<vmem>> -> memref<16x768xf32, #tpu.memory_space<vmem>>
    tpu.wait_dma2 semaphore(%arg7 : memref<!tpu.dma_semaphore, #tpu.memory_space<semaphore_mem>>) src(%dma_wait3A_674 : memref<16x768xf32, #tpu.memory_space<vmem>>) dst(%dma_wait3A_670 : memref<16x768xf32, #tpu.memory_space<hbm>>)
    %dma_wait3A_675 = arith.constant 0 : i32
    %dma_wait3A_676 = arith.constant 0 : i32
    %dma_wait3A_677 = arith.constant 0 : i32
    %dma_wait3A_678 = arith.constant 0 : i32
    %dma_wait3A_679 = tpu.memref_slice %arg5[%dma_wait3A_675, %dma_wait3A_677, %dma_wait3A_678] : memref<8x16x768xf32, #tpu.memory_space<vmem>> -> memref<1x16x768xf32, #tpu.memory_space<vmem>>
    %dma_wait3A_680 = tpu.memref_squeeze %dma_wait3A_679 : memref<1x16x768xf32, #tpu.memory_space<vmem>> -> memref<16x768xf32, #tpu.memory_space<vmem>>
    %dma_wait3A_681 = arith.constant 0 : i32
    %dma_wait3A_682 = arith.constant 0 : i32
    %dma_wait3A_683 = tpu.memref_slice %arg4[%dma_wait3A_676, %dma_wait3A_681, %dma_wait3A_682] : memref<4096x32x768xf32, #tpu.memory_space<hbm>> -> memref<1x16x768xf32, #tpu.memory_space<hbm>>
    %dma_wait3A_684 = tpu.memref_squeeze %dma_wait3A_683 : memref<1x16x768xf32, #tpu.memory_space<hbm>> -> memref<16x768xf32, #tpu.memory_space<hbm>>
    %dma_wait3A_685 = arith.constant 0 : i32
    %dma_wait3A_686 = arith.constant 0 : i32
    %dma_wait3A_687 = tpu.memref_slice %arg4[%dma_wait3A_676, %dma_wait3A_685, %dma_wait3A_686] : memref<4096x32x768xf32, #tpu.memory_space<hbm>> -> memref<1x16x768xf32, #tpu.memory_space<hbm>>
    %dma_wait3A_688 = tpu.memref_squeeze %dma_wait3A_687 : memref<1x16x768xf32, #tpu.memory_space<hbm>> -> memref<16x768xf32, #tpu.memory_space<hbm>>
    %dma_wait3A_689 = arith.constant 0 : i32
    %dma_wait3A_690 = arith.constant 0 : i32
    %dma_wait3A_691 = tpu.memref_slice %arg5[%dma_wait3A_675, %dma_wait3A_689, %dma_wait3A_690] : memref<8x16x768xf32, #tpu.memory_space<vmem>> -> memref<1x16x768xf32, #tpu.memory_space<vmem>>
    %dma_wait3A_692 = tpu.memref_squeeze %dma_wait3A_691 : memref<1x16x768xf32, #tpu.memory_space<vmem>> -> memref<16x768xf32, #tpu.memory_space<vmem>>
    tpu.wait_dma2 semaphore(%arg7 : memref<!tpu.dma_semaphore, #tpu.memory_space<semaphore_mem>>) src(%dma_wait3A_692 : memref<16x768xf32, #tpu.memory_space<vmem>>) dst(%dma_wait3A_688 : memref<16x768xf32, #tpu.memory_space<hbm>>)
    %dma_wait3A_693 = arith.constant 0 : i32
    %dma_wait3A_694 = arith.constant 0 : i32
    %dma_wait3A_695 = arith.constant 0 : i32
    %dma_wait3A_696 = arith.constant 0 : i32
    %dma_wait3A_697 = tpu.memref_slice %arg5[%dma_wait3A_693, %dma_wait3A_695, %dma_wait3A_696] : memref<8x16x768xf32, #tpu.memory_space<vmem>> -> memref<1x16x768xf32, #tpu.memory_space<vmem>>
    %dma_wait3A_698 = tpu.memref_squeeze %dma_wait3A_697 : memref<1x16x768xf32, #tpu.memory_space<vmem>> -> memref<16x768xf32, #tpu.memory_space<vmem>>
    %dma_wait3A_699 = arith.constant 0 : i32
    %dma_wait3A_700 = arith.constant 0 : i32
    %dma_wait3A_701 = tpu.memref_slice %arg4[%dma_wait3A_694, %dma_wait3A_699, %dma_wait3A_700] : memref<4096x32x768xf32, #tpu.memory_space<hbm>> -> memref<1x16x768xf32, #tpu.memory_space<hbm>>
    %dma_wait3A_702 = tpu.memref_squeeze %dma_wait3A_701 : memref<1x16x768xf32, #tpu.memory_space<hbm>> -> memref<16x768xf32, #tpu.memory_space<hbm>>
    %dma_wait3A_703 = arith.constant 0 : i32
    %dma_wait3A_704 = arith.constant 0 : i32
    %dma_wait3A_705 = tpu.memref_slice %arg4[%dma_wait3A_694, %dma_wait3A_703, %dma_wait3A_704] : memref<4096x32x768xf32, #tpu.memory_space<hbm>> -> memref<1x16x768xf32, #tpu.memory_space<hbm>>
    %dma_wait3A_706 = tpu.memref_squeeze %dma_wait3A_705 : memref<1x16x768xf32, #tpu.memory_space<hbm>> -> memref<16x768xf32, #tpu.memory_space<hbm>>
    %dma_wait3A_707 = arith.constant 0 : i32
    %dma_wait3A_708 = arith.constant 0 : i32
    %dma_wait3A_709 = tpu.memref_slice %arg5[%dma_wait3A_693, %dma_wait3A_707, %dma_wait3A_708] : memref<8x16x768xf32, #tpu.memory_space<vmem>> -> memref<1x16x768xf32, #tpu.memory_space<vmem>>
    %dma_wait3A_710 = tpu.memref_squeeze %dma_wait3A_709 : memref<1x16x768xf32, #tpu.memory_space<vmem>> -> memref<16x768xf32, #tpu.memory_space<vmem>>
    tpu.wait_dma2 semaphore(%arg7 : memref<!tpu.dma_semaphore, #tpu.memory_space<semaphore_mem>>) src(%dma_wait3A_710 : memref<16x768xf32, #tpu.memory_space<vmem>>) dst(%dma_wait3A_706 : memref<16x768xf32, #tpu.memory_space<hbm>>)
    %dma_wait3A_711 = arith.constant 0 : i32
    %dma_wait3A_712 = arith.constant 0 : i32
    %dma_wait3A_713 = arith.constant 0 : i32
    %dma_wait3A_714 = arith.constant 0 : i32
    %dma_wait3A_715 = tpu.memref_slice %arg5[%dma_wait3A_711, %dma_wait3A_713, %dma_wait3A_714] : memref<8x16x768xf32, #tpu.memory_space<vmem>> -> memref<1x16x768xf32, #tpu.memory_space<vmem>>
    %dma_wait3A_716 = tpu.memref_squeeze %dma_wait3A_715 : memref<1x16x768xf32, #tpu.memory_space<vmem>> -> memref<16x768xf32, #tpu.memory_space<vmem>>
    %dma_wait3A_717 = arith.constant 0 : i32
    %dma_wait3A_718 = arith.constant 0 : i32
    %dma_wait3A_719 = tpu.memref_slice %arg4[%dma_wait3A_712, %dma_wait3A_717, %dma_wait3A_718] : memref<4096x32x768xf32, #tpu.memory_space<hbm>> -> memref<1x16x768xf32, #tpu.memory_space<hbm>>
    %dma_wait3A_720 = tpu.memref_squeeze %dma_wait3A_719 : memref<1x16x768xf32, #tpu.memory_space<hbm>> -> memref<16x768xf32, #tpu.memory_space<hbm>>
    %dma_wait3A_721 = arith.constant 0 : i32
    %dma_wait3A_722 = arith.constant 0 : i32
    %dma_wait3A_723 = tpu.memref_slice %arg4[%dma_wait3A_712, %dma_wait3A_721, %dma_wait3A_722] : memref<4096x32x768xf32, #tpu.memory_space<hbm>> -> memref<1x16x768xf32, #tpu.memory_space<hbm>>
    %dma_wait3A_724 = tpu.memref_squeeze %dma_wait3A_723 : memref<1x16x768xf32, #tpu.memory_space<hbm>> -> memref<16x768xf32, #tpu.memory_space<hbm>>
    %dma_wait3A_725 = arith.constant 0 : i32
    %dma_wait3A_726 = arith.constant 0 : i32
    %dma_wait3A_727 = tpu.memref_slice %arg5[%dma_wait3A_711, %dma_wait3A_725, %dma_wait3A_726] : memref<8x16x768xf32, #tpu.memory_space<vmem>> -> memref<1x16x768xf32, #tpu.memory_space<vmem>>
    %dma_wait3A_728 = tpu.memref_squeeze %dma_wait3A_727 : memref<1x16x768xf32, #tpu.memory_space<vmem>> -> memref<16x768xf32, #tpu.memory_space<vmem>>
    tpu.wait_dma2 semaphore(%arg7 : memref<!tpu.dma_semaphore, #tpu.memory_space<semaphore_mem>>) src(%dma_wait3A_728 : memref<16x768xf32, #tpu.memory_space<vmem>>) dst(%dma_wait3A_724 : memref<16x768xf32, #tpu.memory_space<hbm>>)
    %dma_wait3A_729 = arith.constant 0 : i32
    %dma_wait3A_730 = arith.constant 0 : i32
    %dma_wait3A_731 = arith.constant 0 : i32
    %dma_wait3A_732 = arith.constant 0 : i32
    %dma_wait3A_733 = tpu.memref_slice %arg5[%dma_wait3A_729, %dma_wait3A_731, %dma_wait3A_732] : memref<8x16x768xf32, #tpu.memory_space<vmem>> -> memref<1x16x768xf32, #tpu.memory_space<vmem>>
    %dma_wait3A_734 = tpu.memref_squeeze %dma_wait3A_733 : memref<1x16x768xf32, #tpu.memory_space<vmem>> -> memref<16x768xf32, #tpu.memory_space<vmem>>
    %dma_wait3A_735 = arith.constant 0 : i32
    %dma_wait3A_736 = arith.constant 0 : i32
    %dma_wait3A_737 = tpu.memref_slice %arg4[%dma_wait3A_730, %dma_wait3A_735, %dma_wait3A_736] : memref<4096x32x768xf32, #tpu.memory_space<hbm>> -> memref<1x16x768xf32, #tpu.memory_space<hbm>>
    %dma_wait3A_738 = tpu.memref_squeeze %dma_wait3A_737 : memref<1x16x768xf32, #tpu.memory_space<hbm>> -> memref<16x768xf32, #tpu.memory_space<hbm>>
    %dma_wait3A_739 = arith.constant 0 : i32
    %dma_wait3A_740 = arith.constant 0 : i32
    %dma_wait3A_741 = tpu.memref_slice %arg4[%dma_wait3A_730, %dma_wait3A_739, %dma_wait3A_740] : memref<4096x32x768xf32, #tpu.memory_space<hbm>> -> memref<1x16x768xf32, #tpu.memory_space<hbm>>
    %dma_wait3A_742 = tpu.memref_squeeze %dma_wait3A_741 : memref<1x16x768xf32, #tpu.memory_space<hbm>> -> memref<16x768xf32, #tpu.memory_space<hbm>>
    %dma_wait3A_743 = arith.constant 0 : i32
    %dma_wait3A_744 = arith.constant 0 : i32
    %dma_wait3A_745 = tpu.memref_slice %arg5[%dma_wait3A_729, %dma_wait3A_743, %dma_wait3A_744] : memref<8x16x768xf32, #tpu.memory_space<vmem>> -> memref<1x16x768xf32, #tpu.memory_space<vmem>>
    %dma_wait3A_746 = tpu.memref_squeeze %dma_wait3A_745 : memref<1x16x768xf32, #tpu.memory_space<vmem>> -> memref<16x768xf32, #tpu.memory_space<vmem>>
    tpu.wait_dma2 semaphore(%arg7 : memref<!tpu.dma_semaphore, #tpu.memory_space<semaphore_mem>>) src(%dma_wait3A_746 : memref<16x768xf32, #tpu.memory_space<vmem>>) dst(%dma_wait3A_742 : memref<16x768xf32, #tpu.memory_space<hbm>>)
    %dma_wait3A_747 = arith.constant 0 : i32
    %dma_wait3A_748 = arith.constant 0 : i32
    %dma_wait3A_749 = arith.constant 0 : i32
    %dma_wait3A_750 = arith.constant 0 : i32
    %dma_wait3A_751 = tpu.memref_slice %arg5[%dma_wait3A_747, %dma_wait3A_749, %dma_wait3A_750] : memref<8x16x768xf32, #tpu.memory_space<vmem>> -> memref<1x16x768xf32, #tpu.memory_space<vmem>>
    %dma_wait3A_752 = tpu.memref_squeeze %dma_wait3A_751 : memref<1x16x768xf32, #tpu.memory_space<vmem>> -> memref<16x768xf32, #tpu.memory_space<vmem>>
    %dma_wait3A_753 = arith.constant 0 : i32
    %dma_wait3A_754 = arith.constant 0 : i32
    %dma_wait3A_755 = tpu.memref_slice %arg4[%dma_wait3A_748, %dma_wait3A_753, %dma_wait3A_754] : memref<4096x32x768xf32, #tpu.memory_space<hbm>> -> memref<1x16x768xf32, #tpu.memory_space<hbm>>
    %dma_wait3A_756 = tpu.memref_squeeze %dma_wait3A_755 : memref<1x16x768xf32, #tpu.memory_space<hbm>> -> memref<16x768xf32, #tpu.memory_space<hbm>>
    %dma_wait3A_757 = arith.constant 0 : i32
    %dma_wait3A_758 = arith.constant 0 : i32
    %dma_wait3A_759 = tpu.memref_slice %arg4[%dma_wait3A_748, %dma_wait3A_757, %dma_wait3A_758] : memref<4096x32x768xf32, #tpu.memory_space<hbm>> -> memref<1x16x768xf32, #tpu.memory_space<hbm>>
    %dma_wait3A_760 = tpu.memref_squeeze %dma_wait3A_759 : memref<1x16x768xf32, #tpu.memory_space<hbm>> -> memref<16x768xf32, #tpu.memory_space<hbm>>
    %dma_wait3A_761 = arith.constant 0 : i32
    %dma_wait3A_762 = arith.constant 0 : i32
    %dma_wait3A_763 = tpu.memref_slice %arg5[%dma_wait3A_747, %dma_wait3A_761, %dma_wait3A_762] : memref<8x16x768xf32, #tpu.memory_space<vmem>> -> memref<1x16x768xf32, #tpu.memory_space<vmem>>
    %dma_wait3A_764 = tpu.memref_squeeze %dma_wait3A_763 : memref<1x16x768xf32, #tpu.memory_space<vmem>> -> memref<16x768xf32, #tpu.memory_space<vmem>>
    tpu.wait_dma2 semaphore(%arg7 : memref<!tpu.dma_semaphore, #tpu.memory_space<semaphore_mem>>) src(%dma_wait3A_764 : memref<16x768xf32, #tpu.memory_space<vmem>>) dst(%dma_wait3A_760 : memref<16x768xf32, #tpu.memory_space<hbm>>)
    %dma_wait3A_765 = arith.constant 0 : i32
    %dma_wait3A_766 = arith.constant 0 : i32
    %dma_wait3A_767 = arith.constant 0 : i32
    %dma_wait3A_768 = arith.constant 0 : i32
    %dma_wait3A_769 = tpu.memref_slice %arg5[%dma_wait3A_765, %dma_wait3A_767, %dma_wait3A_768] : memref<8x16x768xf32, #tpu.memory_space<vmem>> -> memref<1x16x768xf32, #tpu.memory_space<vmem>>
    %dma_wait3A_770 = tpu.memref_squeeze %dma_wait3A_769 : memref<1x16x768xf32, #tpu.memory_space<vmem>> -> memref<16x768xf32, #tpu.memory_space<vmem>>
    %dma_wait3A_771 = arith.constant 0 : i32
    %dma_wait3A_772 = arith.constant 0 : i32
    %dma_wait3A_773 = tpu.memref_slice %arg4[%dma_wait3A_766, %dma_wait3A_771, %dma_wait3A_772] : memref<4096x32x768xf32, #tpu.memory_space<hbm>> -> memref<1x16x768xf32, #tpu.memory_space<hbm>>
    %dma_wait3A_774 = tpu.memref_squeeze %dma_wait3A_773 : memref<1x16x768xf32, #tpu.memory_space<hbm>> -> memref<16x768xf32, #tpu.memory_space<hbm>>
    %dma_wait3A_775 = arith.constant 0 : i32
    %dma_wait3A_776 = arith.constant 0 : i32
    %dma_wait3A_777 = tpu.memref_slice %arg4[%dma_wait3A_766, %dma_wait3A_775, %dma_wait3A_776] : memref<4096x32x768xf32, #tpu.memory_space<hbm>> -> memref<1x16x768xf32, #tpu.memory_space<hbm>>
    %dma_wait3A_778 = tpu.memref_squeeze %dma_wait3A_777 : memref<1x16x768xf32, #tpu.memory_space<hbm>> -> memref<16x768xf32, #tpu.memory_space<hbm>>
    %dma_wait3A_779 = arith.constant 0 : i32
    %dma_wait3A_780 = arith.constant 0 : i32
    %dma_wait3A_781 = tpu.memref_slice %arg5[%dma_wait3A_765, %dma_wait3A_779, %dma_wait3A_780] : memref<8x16x768xf32, #tpu.memory_space<vmem>> -> memref<1x16x768xf32, #tpu.memory_space<vmem>>
    %dma_wait3A_782 = tpu.memref_squeeze %dma_wait3A_781 : memref<1x16x768xf32, #tpu.memory_space<vmem>> -> memref<16x768xf32, #tpu.memory_space<vmem>>
    tpu.wait_dma2 semaphore(%arg7 : memref<!tpu.dma_semaphore, #tpu.memory_space<semaphore_mem>>) src(%dma_wait3A_782 : memref<16x768xf32, #tpu.memory_space<vmem>>) dst(%dma_wait3A_778 : memref<16x768xf32, #tpu.memory_space<hbm>>)
    %dma_wait3A_783 = arith.constant 0 : i32
    %dma_wait3A_784 = arith.constant 0 : i32
    %dma_wait3A_785 = arith.constant 0 : i32
    %dma_wait3A_786 = arith.constant 0 : i32
    %dma_wait3A_787 = tpu.memref_slice %arg5[%dma_wait3A_783, %dma_wait3A_785, %dma_wait3A_786] : memref<8x16x768xf32, #tpu.memory_space<vmem>> -> memref<1x16x768xf32, #tpu.memory_space<vmem>>
    %dma_wait3A_788 = tpu.memref_squeeze %dma_wait3A_787 : memref<1x16x768xf32, #tpu.memory_space<vmem>> -> memref<16x768xf32, #tpu.memory_space<vmem>>
    %dma_wait3A_789 = arith.constant 0 : i32
    %dma_wait3A_790 = arith.constant 0 : i32
    %dma_wait3A_791 = tpu.memref_slice %arg4[%dma_wait3A_784, %dma_wait3A_789, %dma_wait3A_790] : memref<4096x32x768xf32, #tpu.memory_space<hbm>> -> memref<1x16x768xf32, #tpu.memory_space<hbm>>
    %dma_wait3A_792 = tpu.memref_squeeze %dma_wait3A_791 : memref<1x16x768xf32, #tpu.memory_space<hbm>> -> memref<16x768xf32, #tpu.memory_space<hbm>>
    %dma_wait3A_793 = arith.constant 0 : i32
    %dma_wait3A_794 = arith.constant 0 : i32
    %dma_wait3A_795 = tpu.memref_slice %arg4[%dma_wait3A_784, %dma_wait3A_793, %dma_wait3A_794] : memref<4096x32x768xf32, #tpu.memory_space<hbm>> -> memref<1x16x768xf32, #tpu.memory_space<hbm>>
    %dma_wait3A_796 = tpu.memref_squeeze %dma_wait3A_795 : memref<1x16x768xf32, #tpu.memory_space<hbm>> -> memref<16x768xf32, #tpu.memory_space<hbm>>
    %dma_wait3A_797 = arith.constant 0 : i32
    %dma_wait3A_798 = arith.constant 0 : i32
    %dma_wait3A_799 = tpu.memref_slice %arg5[%dma_wait3A_783, %dma_wait3A_797, %dma_wait3A_798] : memref<8x16x768xf32, #tpu.memory_space<vmem>> -> memref<1x16x768xf32, #tpu.memory_space<vmem>>
    %dma_wait3A_800 = tpu.memref_squeeze %dma_wait3A_799 : memref<1x16x768xf32, #tpu.memory_space<vmem>> -> memref<16x768xf32, #tpu.memory_space<vmem>>
    tpu.wait_dma2 semaphore(%arg7 : memref<!tpu.dma_semaphore, #tpu.memory_space<semaphore_mem>>) src(%dma_wait3A_800 : memref<16x768xf32, #tpu.memory_space<vmem>>) dst(%dma_wait3A_796 : memref<16x768xf32, #tpu.memory_space<hbm>>)
    %dma_wait3A_801 = arith.constant 0 : i32
    %dma_wait3A_802 = arith.constant 0 : i32
    %dma_wait3A_803 = arith.constant 0 : i32
    %dma_wait3A_804 = arith.constant 0 : i32
    %dma_wait3A_805 = tpu.memref_slice %arg5[%dma_wait3A_801, %dma_wait3A_803, %dma_wait3A_804] : memref<8x16x768xf32, #tpu.memory_space<vmem>> -> memref<1x16x768xf32, #tpu.memory_space<vmem>>
    %dma_wait3A_806 = tpu.memref_squeeze %dma_wait3A_805 : memref<1x16x768xf32, #tpu.memory_space<vmem>> -> memref<16x768xf32, #tpu.memory_space<vmem>>
    %dma_wait3A_807 = arith.constant 0 : i32
    %dma_wait3A_808 = arith.constant 0 : i32
    %dma_wait3A_809 = tpu.memref_slice %arg4[%dma_wait3A_802, %dma_wait3A_807, %dma_wait3A_808] : memref<4096x32x768xf32, #tpu.memory_space<hbm>> -> memref<1x16x768xf32, #tpu.memory_space<hbm>>
    %dma_wait3A_810 = tpu.memref_squeeze %dma_wait3A_809 : memref<1x16x768xf32, #tpu.memory_space<hbm>> -> memref<16x768xf32, #tpu.memory_space<hbm>>
    %dma_wait3A_811 = arith.constant 0 : i32
    %dma_wait3A_812 = arith.constant 0 : i32
    %dma_wait3A_813 = tpu.memref_slice %arg4[%dma_wait3A_802, %dma_wait3A_811, %dma_wait3A_812] : memref<4096x32x768xf32, #tpu.memory_space<hbm>> -> memref<1x16x768xf32, #tpu.memory_space<hbm>>
    %dma_wait3A_814 = tpu.memref_squeeze %dma_wait3A_813 : memref<1x16x768xf32, #tpu.memory_space<hbm>> -> memref<16x768xf32, #tpu.memory_space<hbm>>
    %dma_wait3A_815 = arith.constant 0 : i32
    %dma_wait3A_816 = arith.constant 0 : i32
    %dma_wait3A_817 = tpu.memref_slice %arg5[%dma_wait3A_801, %dma_wait3A_815, %dma_wait3A_816] : memref<8x16x768xf32, #tpu.memory_space<vmem>> -> memref<1x16x768xf32, #tpu.memory_space<vmem>>
    %dma_wait3A_818 = tpu.memref_squeeze %dma_wait3A_817 : memref<1x16x768xf32, #tpu.memory_space<vmem>> -> memref<16x768xf32, #tpu.memory_space<vmem>>
    tpu.wait_dma2 semaphore(%arg7 : memref<!tpu.dma_semaphore, #tpu.memory_space<semaphore_mem>>) src(%dma_wait3A_818 : memref<16x768xf32, #tpu.memory_space<vmem>>) dst(%dma_wait3A_814 : memref<16x768xf32, #tpu.memory_space<hbm>>)
    %dma_wait3A_819 = arith.constant 0 : i32
    %dma_wait3A_820 = arith.constant 0 : i32
    %dma_wait3A_821 = arith.constant 0 : i32
    %dma_wait3A_822 = arith.constant 0 : i32
    %dma_wait3A_823 = tpu.memref_slice %arg5[%dma_wait3A_819, %dma_wait3A_821, %dma_wait3A_822] : memref<8x16x768xf32, #tpu.memory_space<vmem>> -> memref<1x16x768xf32, #tpu.memory_space<vmem>>
    %dma_wait3A_824 = tpu.memref_squeeze %dma_wait3A_823 : memref<1x16x768xf32, #tpu.memory_space<vmem>> -> memref<16x768xf32, #tpu.memory_space<vmem>>
    %dma_wait3A_825 = arith.constant 0 : i32
    %dma_wait3A_826 = arith.constant 0 : i32
    %dma_wait3A_827 = tpu.memref_slice %arg4[%dma_wait3A_820, %dma_wait3A_825, %dma_wait3A_826] : memref<4096x32x768xf32, #tpu.memory_space<hbm>> -> memref<1x16x768xf32, #tpu.memory_space<hbm>>
    %dma_wait3A_828 = tpu.memref_squeeze %dma_wait3A_827 : memref<1x16x768xf32, #tpu.memory_space<hbm>> -> memref<16x768xf32, #tpu.memory_space<hbm>>
    %dma_wait3A_829 = arith.constant 0 : i32
    %dma_wait3A_830 = arith.constant 0 : i32
    %dma_wait3A_831 = tpu.memref_slice %arg4[%dma_wait3A_820, %dma_wait3A_829, %dma_wait3A_830] : memref<4096x32x768xf32, #tpu.memory_space<hbm>> -> memref<1x16x768xf32, #tpu.memory_space<hbm>>
    %dma_wait3A_832 = tpu.memref_squeeze %dma_wait3A_831 : memref<1x16x768xf32, #tpu.memory_space<hbm>> -> memref<16x768xf32, #tpu.memory_space<hbm>>
    %dma_wait3A_833 = arith.constant 0 : i32
    %dma_wait3A_834 = arith.constant 0 : i32
    %dma_wait3A_835 = tpu.memref_slice %arg5[%dma_wait3A_819, %dma_wait3A_833, %dma_wait3A_834] : memref<8x16x768xf32, #tpu.memory_space<vmem>> -> memref<1x16x768xf32, #tpu.memory_space<vmem>>
    %dma_wait3A_836 = tpu.memref_squeeze %dma_wait3A_835 : memref<1x16x768xf32, #tpu.memory_space<vmem>> -> memref<16x768xf32, #tpu.memory_space<vmem>>
    tpu.wait_dma2 semaphore(%arg7 : memref<!tpu.dma_semaphore, #tpu.memory_space<semaphore_mem>>) src(%dma_wait3A_836 : memref<16x768xf32, #tpu.memory_space<vmem>>) dst(%dma_wait3A_832 : memref<16x768xf32, #tpu.memory_space<hbm>>)
    %dma_wait3A_837 = arith.constant 0 : i32
    %dma_wait3A_838 = arith.constant 0 : i32
    %dma_wait3A_839 = arith.constant 0 : i32
    %dma_wait3A_840 = arith.constant 0 : i32
    %dma_wait3A_841 = tpu.memref_slice %arg5[%dma_wait3A_837, %dma_wait3A_839, %dma_wait3A_840] : memref<8x16x768xf32, #tpu.memory_space<vmem>> -> memref<1x16x768xf32, #tpu.memory_space<vmem>>
    %dma_wait3A_842 = tpu.memref_squeeze %dma_wait3A_841 : memref<1x16x768xf32, #tpu.memory_space<vmem>> -> memref<16x768xf32, #tpu.memory_space<vmem>>
    %dma_wait3A_843 = arith.constant 0 : i32
    %dma_wait3A_844 = arith.constant 0 : i32
    %dma_wait3A_845 = tpu.memref_slice %arg4[%dma_wait3A_838, %dma_wait3A_843, %dma_wait3A_844] : memref<4096x32x768xf32, #tpu.memory_space<hbm>> -> memref<1x16x768xf32, #tpu.memory_space<hbm>>
    %dma_wait3A_846 = tpu.memref_squeeze %dma_wait3A_845 : memref<1x16x768xf32, #tpu.memory_space<hbm>> -> memref<16x768xf32, #tpu.memory_space<hbm>>
    %dma_wait3A_847 = arith.constant 0 : i32
    %dma_wait3A_848 = arith.constant 0 : i32
    %dma_wait3A_849 = tpu.memref_slice %arg4[%dma_wait3A_838, %dma_wait3A_847, %dma_wait3A_848] : memref<4096x32x768xf32, #tpu.memory_space<hbm>> -> memref<1x16x768xf32, #tpu.memory_space<hbm>>
    %dma_wait3A_850 = tpu.memref_squeeze %dma_wait3A_849 : memref<1x16x768xf32, #tpu.memory_space<hbm>> -> memref<16x768xf32, #tpu.memory_space<hbm>>
    %dma_wait3A_851 = arith.constant 0 : i32
    %dma_wait3A_852 = arith.constant 0 : i32
    %dma_wait3A_853 = tpu.memref_slice %arg5[%dma_wait3A_837, %dma_wait3A_851, %dma_wait3A_852] : memref<8x16x768xf32, #tpu.memory_space<vmem>> -> memref<1x16x768xf32, #tpu.memory_space<vmem>>
    %dma_wait3A_854 = tpu.memref_squeeze %dma_wait3A_853 : memref<1x16x768xf32, #tpu.memory_space<vmem>> -> memref<16x768xf32, #tpu.memory_space<vmem>>
    tpu.wait_dma2 semaphore(%arg7 : memref<!tpu.dma_semaphore, #tpu.memory_space<semaphore_mem>>) src(%dma_wait3A_854 : memref<16x768xf32, #tpu.memory_space<vmem>>) dst(%dma_wait3A_850 : memref<16x768xf32, #tpu.memory_space<hbm>>)
    %dma_wait3A_855 = arith.constant 0 : i32
    %dma_wait3A_856 = arith.constant 0 : i32
    %dma_wait3A_857 = arith.constant 0 : i32
    %dma_wait3A_858 = arith.constant 0 : i32
    %dma_wait3A_859 = tpu.memref_slice %arg5[%dma_wait3A_855, %dma_wait3A_857, %dma_wait3A_858] : memref<8x16x768xf32, #tpu.memory_space<vmem>> -> memref<1x16x768xf32, #tpu.memory_space<vmem>>
    %dma_wait3A_860 = tpu.memref_squeeze %dma_wait3A_859 : memref<1x16x768xf32, #tpu.memory_space<vmem>> -> memref<16x768xf32, #tpu.memory_space<vmem>>
    %dma_wait3A_861 = arith.constant 0 : i32
    %dma_wait3A_862 = arith.constant 0 : i32
    %dma_wait3A_863 = tpu.memref_slice %arg4[%dma_wait3A_856, %dma_wait3A_861, %dma_wait3A_862] : memref<4096x32x768xf32, #tpu.memory_space<hbm>> -> memref<1x16x768xf32, #tpu.memory_space<hbm>>
    %dma_wait3A_864 = tpu.memref_squeeze %dma_wait3A_863 : memref<1x16x768xf32, #tpu.memory_space<hbm>> -> memref<16x768xf32, #tpu.memory_space<hbm>>
    %dma_wait3A_865 = arith.constant 0 : i32
    %dma_wait3A_866 = arith.constant 0 : i32
    %dma_wait3A_867 = tpu.memref_slice %arg4[%dma_wait3A_856, %dma_wait3A_865, %dma_wait3A_866] : memref<4096x32x768xf32, #tpu.memory_space<hbm>> -> memref<1x16x768xf32, #tpu.memory_space<hbm>>
    %dma_wait3A_868 = tpu.memref_squeeze %dma_wait3A_867 : memref<1x16x768xf32, #tpu.memory_space<hbm>> -> memref<16x768xf32, #tpu.memory_space<hbm>>
    %dma_wait3A_869 = arith.constant 0 : i32
    %dma_wait3A_870 = arith.constant 0 : i32
    %dma_wait3A_871 = tpu.memref_slice %arg5[%dma_wait3A_855, %dma_wait3A_869, %dma_wait3A_870] : memref<8x16x768xf32, #tpu.memory_space<vmem>> -> memref<1x16x768xf32, #tpu.memory_space<vmem>>
    %dma_wait3A_872 = tpu.memref_squeeze %dma_wait3A_871 : memref<1x16x768xf32, #tpu.memory_space<vmem>> -> memref<16x768xf32, #tpu.memory_space<vmem>>
    tpu.wait_dma2 semaphore(%arg7 : memref<!tpu.dma_semaphore, #tpu.memory_space<semaphore_mem>>) src(%dma_wait3A_872 : memref<16x768xf32, #tpu.memory_space<vmem>>) dst(%dma_wait3A_868 : memref<16x768xf32, #tpu.memory_space<hbm>>)
    %dma_wait3A_873 = arith.constant 0 : i32
    %dma_wait3A_874 = arith.constant 0 : i32
    %dma_wait3A_875 = arith.constant 0 : i32
    %dma_wait3A_876 = arith.constant 0 : i32
    %dma_wait3A_877 = tpu.memref_slice %arg5[%dma_wait3A_873, %dma_wait3A_875, %dma_wait3A_876] : memref<8x16x768xf32, #tpu.memory_space<vmem>> -> memref<1x16x768xf32, #tpu.memory_space<vmem>>
    %dma_wait3A_878 = tpu.memref_squeeze %dma_wait3A_877 : memref<1x16x768xf32, #tpu.memory_space<vmem>> -> memref<16x768xf32, #tpu.memory_space<vmem>>
    %dma_wait3A_879 = arith.constant 0 : i32
    %dma_wait3A_880 = arith.constant 0 : i32
    %dma_wait3A_881 = tpu.memref_slice %arg4[%dma_wait3A_874, %dma_wait3A_879, %dma_wait3A_880] : memref<4096x32x768xf32, #tpu.memory_space<hbm>> -> memref<1x16x768xf32, #tpu.memory_space<hbm>>
    %dma_wait3A_882 = tpu.memref_squeeze %dma_wait3A_881 : memref<1x16x768xf32, #tpu.memory_space<hbm>> -> memref<16x768xf32, #tpu.memory_space<hbm>>
    %dma_wait3A_883 = arith.constant 0 : i32
    %dma_wait3A_884 = arith.constant 0 : i32
    %dma_wait3A_885 = tpu.memref_slice %arg4[%dma_wait3A_874, %dma_wait3A_883, %dma_wait3A_884] : memref<4096x32x768xf32, #tpu.memory_space<hbm>> -> memref<1x16x768xf32, #tpu.memory_space<hbm>>
    %dma_wait3A_886 = tpu.memref_squeeze %dma_wait3A_885 : memref<1x16x768xf32, #tpu.memory_space<hbm>> -> memref<16x768xf32, #tpu.memory_space<hbm>>
    %dma_wait3A_887 = arith.constant 0 : i32
    %dma_wait3A_888 = arith.constant 0 : i32
    %dma_wait3A_889 = tpu.memref_slice %arg5[%dma_wait3A_873, %dma_wait3A_887, %dma_wait3A_888] : memref<8x16x768xf32, #tpu.memory_space<vmem>> -> memref<1x16x768xf32, #tpu.memory_space<vmem>>
    %dma_wait3A_890 = tpu.memref_squeeze %dma_wait3A_889 : memref<1x16x768xf32, #tpu.memory_space<vmem>> -> memref<16x768xf32, #tpu.memory_space<vmem>>
    tpu.wait_dma2 semaphore(%arg7 : memref<!tpu.dma_semaphore, #tpu.memory_space<semaphore_mem>>) src(%dma_wait3A_890 : memref<16x768xf32, #tpu.memory_space<vmem>>) dst(%dma_wait3A_886 : memref<16x768xf32, #tpu.memory_space<hbm>>)
    %dma_wait3A_891 = arith.constant 0 : i32
    %dma_wait3A_892 = arith.constant 0 : i32
    %dma_wait3A_893 = arith.constant 0 : i32
    %dma_wait3A_894 = arith.constant 0 : i32
    %dma_wait3A_895 = tpu.memref_slice %arg5[%dma_wait3A_891, %dma_wait3A_893, %dma_wait3A_894] : memref<8x16x768xf32, #tpu.memory_space<vmem>> -> memref<1x16x768xf32, #tpu.memory_space<vmem>>
    %dma_wait3A_896 = tpu.memref_squeeze %dma_wait3A_895 : memref<1x16x768xf32, #tpu.memory_space<vmem>> -> memref<16x768xf32, #tpu.memory_space<vmem>>
    %dma_wait3A_897 = arith.constant 0 : i32
    %dma_wait3A_898 = arith.constant 0 : i32
    %dma_wait3A_899 = tpu.memref_slice %arg4[%dma_wait3A_892, %dma_wait3A_897, %dma_wait3A_898] : memref<4096x32x768xf32, #tpu.memory_space<hbm>> -> memref<1x16x768xf32, #tpu.memory_space<hbm>>
    %dma_wait3A_900 = tpu.memref_squeeze %dma_wait3A_899 : memref<1x16x768xf32, #tpu.memory_space<hbm>> -> memref<16x768xf32, #tpu.memory_space<hbm>>
    %dma_wait3A_901 = arith.constant 0 : i32
    %dma_wait3A_902 = arith.constant 0 : i32
    %dma_wait3A_903 = tpu.memref_slice %arg4[%dma_wait3A_892, %dma_wait3A_901, %dma_wait3A_902] : memref<4096x32x768xf32, #tpu.memory_space<hbm>> -> memref<1x16x768xf32, #tpu.memory_space<hbm>>
    %dma_wait3A_904 = tpu.memref_squeeze %dma_wait3A_903 : memref<1x16x768xf32, #tpu.memory_space<hbm>> -> memref<16x768xf32, #tpu.memory_space<hbm>>
    %dma_wait3A_905 = arith.constant 0 : i32
    %dma_wait3A_906 = arith.constant 0 : i32
    %dma_wait3A_907 = tpu.memref_slice %arg5[%dma_wait3A_891, %dma_wait3A_905, %dma_wait3A_906] : memref<8x16x768xf32, #tpu.memory_space<vmem>> -> memref<1x16x768xf32, #tpu.memory_space<vmem>>
    %dma_wait3A_908 = tpu.memref_squeeze %dma_wait3A_907 : memref<1x16x768xf32, #tpu.memory_space<vmem>> -> memref<16x768xf32, #tpu.memory_space<vmem>>
    tpu.wait_dma2 semaphore(%arg7 : memref<!tpu.dma_semaphore, #tpu.memory_space<semaphore_mem>>) src(%dma_wait3A_908 : memref<16x768xf32, #tpu.memory_space<vmem>>) dst(%dma_wait3A_904 : memref<16x768xf32, #tpu.memory_space<hbm>>)
    return
  }
}

</mosaic_0001>

<sc_bundles>
// kernel: kernel.3.cloned.1.call-start
scs
__scs_entry_jumppad:
0x0: {  	(pc) =	sbr.rel $0x88, $3  }
0x1: {  	(tag) =	ssettag $0x0;
	lr =	simm.s32 $0x1  }
0x2: {  	[smem:$0x3F9D] =	sst lr;
	_ =	strace $0xD0000000  }
0x3: {  	_ = 	snop  }
0x4: {  	_ = 	snop  }
0x5: {  	_ = 	snop  }
0x6: {  	_ = 	snop  }
0x7: {  	_ = 	snop  }
__scs_overlays_trampoline_lowered:
0x8: {  	[smem:$0x3FAC] =	sst s0  }
0x9: {  	[smem:$0x3FAD] =	sst s1  }
0xa: {  	[smem:$0x3FAE] =	sst s2  }
0xb: {  	[smem:$0x3FAF] =	sst s3  }
0xc: {  	[smem:$0x3FB0] =	sst s4  }
0xd: {  	[smem:$0x3FB1] =	sst s5  }
0xe: {  	[smem:$0x3FB2] =	sst s6  }
0xf: {  	[smem:$0x3FB3] =	sst s7  }
0x10: {  	[smem:$0x3FB4] =	sst s8  }
0x11: {  	[smem:$0x3FB5] =	sst s9;
	s0 =	simm.s32 @!p0 $0x0  }
0x12: {  	s1 =	sld [smem:$0x3F9B];
	s0 =	simm.s32 @p0 $0x1  }
0x13: {  	[smem:$0x3FB6] =	sst s0;
	s0 =	simm.s32 @!p1 $0x0  }
0x14: {  	s2 =	sld [smem:$0x3F9A];
	s0 =	simm.s32 @p1 $0x1  }
0x15: {  	[smem:$0x3FB7] =	sst s0;
	s0 =	simm.s32 @!p2 $0x0  }
0x16: {  	s3 =	sld [smem:$0x3FDB];
	s0 =	simm.s32 @p2 $0x1  }
0x17: {  	s4 =	simm.s32 $0x1BF5;
	[smem:$0x3FB9] =	sst s0  }
0x18: {  	s0 =	sld [smem:$0x3F9C];
	_ =	swait.ge [sflag:s4], $0x0  }
0x19: {  	s7 =	sld [smem:$0x3F9D]  }
0x1a: {  	s8 =	sadd.s32 $0xFFFFE003, lr  }
0x1b: {  	s9 =	sadd.s32 $0xFFFFFEF7, lr;
	s5 =	simm.s32 $0xFFFFFFFF;
	p2 =	slt.u32 s8, $0xFFFFF086  }
0x1c: {  	p1 =	slt.u32 s9, $0xF7A;
	s5 =	simm.s32 @!p2 $0x0  }
0x1d: {  	s5 =	simm.s32 @p1 $0x1;
	p0 =	seq.s32 s7, s2  }
0x1e: {  	s7 =	smul.u32 @!p0 $0xF7A, s2;
	p2 =	seq.s32 @!p0 s5, $0x0  }
0x1f: {  	s9 =	smul.u32 $0xF7A, s1;
	s8 =	simm.s32 @!p0 $0x1BF5;
	p2 =	por !p2, p0  }
0x20: {  	[sflag:s8] =	ssyncset.s32 @!p0 $0xFFFFF086;
	s6 =	sadd.s32 @!p0 s3, s7;
	s7 =	simm.s32 @!p0 $0x108  }
0x21: {  	s3 =	sadd.s32 s3, s9;
	s6 =	sadd.s32 @!p0 $0x88, s6;
	s7 =	simm.s32 @p2 $0x1082  }
0x22: {  	[simem:s7], [sflag:s8] =	dma.local @!p0 [hbm:s6], $0xF7A  }
0x23: {  	s9 =	sor.u32 $0xD0000000, s2;
	s6 =	simm.s32 $0x108;
	_ =	swait.ge @!p0 [sflag:s8], $0x0  }
0x24: {  	s3 =	sadd.s32 $0x88, s3;
	s6 =	simm.s32 @!p1 $0x1082;
	[sflag:s4] =	ssyncset.s32 $0xFFFFF086  }
0x25: {  	[simem:s6], [sflag:s4] =	dma.local [hbm:s3], $0xF7A  }
0x26: {  	[smem:$0x3F9D] =	sst s1;
	(tag) =	ssettag s2;
	_ =	strace s9  }
0x27: {  	s1 =	sld [smem:$0x3FAD]  }
0x28: {  	s2 =	sld [smem:$0x3FAE]  }
0x29: {  	s4 =	sld [smem:$0x3FB0]  }
0x2a: {  	p0 =	seq.s32 s5, $0x0;
	s5 =	sld [smem:$0x3FB1]  }
0x2b: {  	s6 =	sld [smem:$0x3FB2]  }
0x2c: {  	s7 =	sld [smem:$0x3FB3]  }
0x2d: {  	s3 =	simm.s32 $0x108;
	s8 =	sld [smem:$0x3FB4]  }
0x2e: {  	s3 =	simm.s32 @!p0 $0x1082;
	s9 =	sld [smem:$0x3FB5]  }
0x2f: {  	lr =	sadd.s32 s0, s3;
	s0 =	sld [smem:$0x3FAC]  }
0x30: {  	s3 =	sld [smem:$0x3FAF]  }
0x31: {  	[smem:$0x3FB8] =	sst s10  }
0x32: {  	s10 =	sld [smem:$0x3FB6];
	_ =	sdelay $0x3  }
0x33: {  	p0 =	seq.s32 s10, $0x1;
	s10 =	sld [smem:$0x3FB8];
	_ =	sdelay $0x3  }
0x34: {  	[smem:$0x3FB8] =	sst s10  }
0x35: {  	s10 =	sld [smem:$0x3FB7];
	_ =	sdelay $0x3  }
0x36: {  	p1 =	seq.s32 s10, $0x1;
	s10 =	sld [smem:$0x3FB8];
	_ =	sdelay $0x3  }
0x37: {  	[smem:$0x3FB8] =	sst s10  }
0x38: {  	s10 =	sld [smem:$0x3FB9]  }
0x39: {  	_ = 	snop;
	(pc) =	sbr.ind lr, $3  }
0x3a: {  	_ = 	snop  }
0x3b: {  	_ = 	snop  }
0x3c: {  	p2 =	seq.s32 s10, $0x1;
	s10 =	sld [smem:$0x3FB8]  }
0x3d: {  	_ =	shalt  }
0x3e: {  	_ =	shalt  }
0x3f: {  	_ =	shalt  }
0x40: {  	_ =	shalt  }
0x41: {  	_ =	shalt  }
0x42: {  	_ =	shalt  }
0x43: {  	_ =	shalt  }
0x44: {  	_ =	shalt  }
0x45: {  	_ =	shalt  }
0x46: {  	_ =	shalt  }
0x47: {  	_ =	shalt  }
0x48: {  	_ =	shalt  }
0x49: {  	_ =	shalt  }
0x4a: {  	_ =	shalt  }
0x4b: {  	_ =	shalt  }
0x4c: {  	_ =	shalt  }
0x4d: {  	_ =	shalt  }
0x4e: {  	_ =	shalt  }
0x4f: {  	_ =	shalt  }
0x50: {  	_ =	shalt  }
0x51: {  	_ =	shalt  }
0x52: {  	_ =	shalt  }
0x53: {  	_ =	shalt  }
0x54: {  	_ =	shalt  }
0x55: {  	_ =	shalt  }
0x56: {  	_ =	shalt  }
0x57: {  	_ =	shalt  }
0x58: {  	_ =	shalt  }
0x59: {  	_ =	shalt  }
0x5a: {  	_ =	shalt  }
0x5b: {  	_ =	shalt  }
0x5c: {  	_ =	shalt  }
0x5d: {  	_ =	shalt  }
0x5e: {  	_ =	shalt  }
0x5f: {  	_ =	shalt  }
0x60: {  	_ =	shalt  }
0x61: {  	_ =	shalt  }
0x62: {  	_ =	shalt  }
0x63: {  	_ =	shalt  }
0x64: {  	_ =	shalt  }
0x65: {  	_ =	shalt  }
0x66: {  	_ =	shalt  }
0x67: {  	_ =	shalt  }
0x68: {  	_ =	shalt  }
0x69: {  	_ =	shalt  }
0x6a: {  	_ =	shalt  }
0x6b: {  	_ =	shalt  }
0x6c: {  	_ =	shalt  }
0x6d: {  	_ =	shalt  }
0x6e: {  	_ =	shalt  }
0x6f: {  	_ =	shalt  }
0x70: {  	_ =	shalt  }
0x71: {  	_ =	shalt  }
0x72: {  	_ =	shalt  }
0x73: {  	_ =	shalt  }
0x74: {  	_ =	shalt  }
0x75: {  	_ =	shalt  }
0x76: {  	_ =	shalt  }
0x77: {  	_ =	shalt  }
0x78: {  	_ =	shalt  }
0x79: {  	_ =	shalt  }
0x7a: {  	_ =	shalt  }
0x7b: {  	_ =	shalt  }
0x7c: {  	_ =	shalt  }
0x7d: {  	_ =	shalt  }
0x7e: {  	_ =	shalt  }
0x7f: {  	_ =	shalt  }
0x80: {  	_ =	shalt  }
0x81: {  	_ =	shalt  }
0x82: {  	_ =	shalt  }
0x83: {  	_ =	shalt  }
0x84: {  	_ =	shalt  }
0x85: {  	_ =	shalt  }
0x86: {  	_ =	shalt  }
0x87: {  	_ =	shalt  }
.Lfunc_end0:
.L_simem_size_0:
called_computation_lowered:
.L_overlay_start_0:
0x88: {  	s2 =	sld [smem:$0x3FD9]  }
0x89: {  	s3 =	sld [smem:$0x3FFE];
	_ =	sdelay $0x1  }
0x8a: {  	s1 =	srdreg.scid  }
0x8b: {  	s0 =	sand.u32 $0x1, s1  }
0x8c: {  	s17 =	sshll.u32 s0, $0xA;
	s2 =	sadd.s32 s3, s2  }
0x8d: {  	s2 =	sadd.s32 s2, s17  }
0x8e: {  	[smem:$0x3FC4] =	sst s2  }
0x8f: {  	_ = 	snop  }
0x90: {  	s2 =	sld [smem:$0x3FD0];
	(tm) =	ssettm $0x1  }
0x91: {  	s18 =	sld [smem:$0x3FFB];
	_ =	sdelay $0x3  }
0x92: {  	_ =	strace s18  }
0x93: {  	s3 =	sld [smem:$0x3FFC];
	_ =	sdelay $0x3  }
0x94: {  	_ =	strace s3  }
0x95: {  	s3 =	sld [smem:$0x3FFD];
	_ =	sdelay $0x3  }
0x96: {  	_ =	strace s3  }
0x97: {  	_ =	strace $0x8FFFFFFF  }
0x98: {  	s19 =	sld [smem:$0x3FDB];
	_ =	sdelay $0x1  }
0x99: {  	s4 =	simm.s32 $_scs_section_size  }
0x9a: {  	s5 =	simm.s32 $_size__tile_overlayer_lowered;
	s6 =	simm.s32 $_tile_overlayer_lowered  }
0x9b: {  	s22 =	simm.s32 $0x1BFF;
	s21 =	sshll.u32 s6, $0x1;
	s3 =	sadd.s32 s4, s19  }
0x9c: {  	s7 =	simm.s32 $0x0;
	s20 =	sshll.u32 s5, $0x1;
	s5 =	sadd.s32 s21, s3  }
0x9d: {  	[timem:s7], [sflag:s22] =	dma.local [hbm:s5], s20  }
0x9e: {  	_ =	swait.ge [sflag:s22], s20  }
0x9f: {  	s4 =	ssub.s32 $0x0, s20;
	[sflag:s22] =	ssyncset.done $0x0  }
0xa0: {  	[sflag:s22] =	ssyncadd.s32 s4;
	_ =	sdelay $0x1  }
0xa1: {  	s23 =	simm.s32 $0x1B8B  }
0xa2: {  	_ =	swait.ge [sflag:s23], $0x1  }
0xa3: {  	[sflag:s23] =	ssyncset.done $0x0  }
0xa4: {  	s25 =	simm.s32 $0x1B8E;
	s24 =	sld [smem:$0x3FFE];
	[sflag:s23] =	ssyncadd.s32 $0xFFFFFFFF  }
0xa5: {  	s26 =	simm.s32 $execute0_lowered;
	[smem:$0x3FD2] =	sst s25  }
0xa6: {  	s5 =	sshll.u32 s26, $0x1;
	_ =	strace $0x80000046;
	[dreg:$0x1] =	wrdreg $0xFFFFFFFF  }
0xa7: {  	s28 =	simm.s32 $_size_execute0_lowered;
	s3 =	sadd.s32 s3, s5;
	[dreg:$0x0] =	wrdreg $0x0  }
0xa8: {  	s5 =	sshll.u32 s28, $0x1;
	[dreg:$0x2] =	wrdreg s3  }
0xa9: {  	[dreg:$0x3] =	wrdreg s5  }
0xaa: {  	[dreg:$0x4] =	wrdreg $0xC0  }
0xab: {  	_ =	task [dreg:s7], $0x5FFFF  }
0xac: {  	[dreg:$0x1] =	wrdreg $0xFFFFFFFF  }
0xad: {  	[dreg:$0x0] =	wrdreg $0x60  }
0xae: {  	[dreg:$0x2] =	wrdreg s24  }
0xaf: {  	[dreg:$0x3] =	wrdreg s2  }
0xb0: {  	[dreg:$0x4] =	wrdreg $0x9  }
0xb1: {  	_ =	task.clear_ibuf [dreg:s7], $0x5FFFF;
	_ =	strace $0x90000046  }
0xb2: {  	s29 =	simm.s32 $0x9;
	_ =	strace $0x80000048  }
0xb3: {  	_ =	swait.ge [sflag:s29], $0x1  }
0xb4: {  	[sflag:s29] =	ssyncadd.s32 $0xFFFFFFFF  }
0xb5: {  	_ =	strace $0x90000048  }
0xb6: {  	_ =	sfence  }
0xb7: {  	s30 =	sld [smem:$0x0];
	_ =	sdelay $0x2  }
0xb8: {  	s31 =	sshll.u32 s1, $0xD;
	s1 =	sshrl.u32 s1, $0x2  }
0xb9: {  	s3 =	sand.u32 $0x4000, s31;
	s1 =	sadd.s32 s1, s30  }
0xba: {  	s0 =	sor.u32 s3, s0;
	s1 =	sshll.u32 s1, $0x11  }
0xbb: {  	s0 =	sor.u32 s1, s0  }
0xbc: {  	s0 =	sadd.s32 $0x8F2B, s0  }
0xbd: {  	[sflag:s0] =	ssyncadd.remote.s32 $0x1  }
0xbe: {  	_ =	sfence.sel $0xFFFF  }
0xbf: {  	[dreg:$0x0] =	wrdreg $0xFFFFFFFF;
	(pc) =	sbr.abs _section_cstart, $3  }
0xc0: {  	[dreg:$0x1] =	wrdreg $0xFFFFFFFF  }
0xc1: {  	_ =	task.clear_ibuf [dreg:s7], $0x2FFFF;
	_ =	strace $0x9FFFFFFF  }
0xc2: {  	(tm) =	ssettm $0x7FFFFFFF  }
0xc3: {  	_ =	shalt  }
tec
execute0_lowered:
.L_overlay_start_1:
0x0: {  	(tag) =	ssettag $0x1  }
0x1: {  	s3 =	stileid.u32;
	s0 =	srdreg.scid  }
0x2: {  	s6 =	rddreg [dreg:$0x0];
	s0 =	sand.u32 $0x1, s0;
	s1 =	sshll.u32 s3, $0x1  }
0x3: {  	s5 =	simm.s32 $0x1;
	s4 =	sshll.u32 s3, $0x6;
	s2 =	sor.u32 s0, s1  }
0x4: {  	p0 =	seq.s32 s0, $0x1;
	s1 =	simm.s32 $0x0;
	p1 =	seq.s32 s2, $0x0  }
0x5: {  	s4 =	sand.u32 $0x300, s4;
	s29 =	ssub.s32 $0x2, s0;
	p1 =	por !p1, !p0  }
0x6: {  	s14 =	smul.u32 $0x3000, s0;
	[smem:$0x7FF] =	sst s1;
	p1 =	por !p1, !p1  }
0x7: {  	s4 =	sadd.s32 s4, s6;
	s2 =	sshll.u32 s2, $0x4;
	s5 =	simm.s32 @!p1 $0x0  }
0x8: {  	s2 =	sand.u32 $0x70, s2;
	s21 =	sadd.s32 $0x1800, s14;
	s5 =	ssub.s32 s3, s5  }
0x9: {  	s20 =	sadd.s32 s2, s4;
	s3 =	sshrl.u32 s29, $0x1;
	s11 =	smul.u32 $0x600000, s5  }
0xa: {  	s4 =	rddreg [dreg:$0x1];
	p1 =	seq.s32 @!p0 s0, $0x0;
	s7 =	ssub.s32 s29, s3  }
0xb: {  	s20 =	sadd.s32 $0x400, s20;
	[dreg:$0x1b] =	wrdreg s7;
	s8 =	sor.u32 $0x6000, s11  }
0xc: {  	s9 =	sor.u32 $0xC000, s11;
	s10 =	sor.u32 $0x12000, s11;
	s12 =	sor.u32 $0x18000, s11  }
0xd: {  	s13 =	sor.u32 $0x1E000, s11;
	s15 =	sor.u32 $0x24000, s11;
	s16 =	sor.u32 $0x2A000, s11  }
0xe: {  	s17 =	sor.u32 $0x30000, s11;
	s18 =	sor.u32 $0x36000, s11;
	s3 =	sor.u32 $0x3C000, s11  }
0xf: {  	s2 =	sor.u32 $0x42000, s11;
	s23 =	sadd.s32 s14, s8;
	s24 =	sadd.s32 s21, s8  }
0x10: {  	s28 =	sor.u32 s14, s9;
	s29 =	sadd.s32 s21, s9;
	s30 =	sadd.s32 s14, s10  }
0x11: {  	s31 =	sadd.s32 s21, s10;
	s6 =	sor.u32 s14, s12;
	s5 =	sor.u32 s21, s12  }
0x12: {  	s9 =	sadd.s32 s14, s13;
	s7 =	sadd.s32 s21, s13;
	s8 =	sor.u32 s14, s15  }
0x13: {  	s12 =	sadd.s32 s21, s15;
	s22 =	sadd.s32 s14, s16;
	s10 =	sadd.s32 s21, s16  }
0x14: {  	s19 =	sor.u32 s14, s17;
	s25 =	sor.u32 s21, s17;
	s26 =	sadd.s32 s14, s18  }
0x15: {  	s17 =	sadd.s32 s21, s18;
	s15 =	sor.u32 s14, s3;
	s13 =	sadd.s32 s14, s2  }
0x16: {  	s16 =	sor.u32 $0x48000, s11;
	s2 =	sadd.s32 s21, s2;
	[dreg:$0x1f] =	wrdreg s13  }
0x17: {  	s18 =	sadd.s32 s21, s3;
	[smem:$0x7FC] =	sst s2;
	s3 =	sor.u32 s14, s16  }
0x18: {  	s2 =	sor.u32 $0x4E000, s11;
	s13 =	sor.u32 s21, s16;
	[smem:$0x7FD] =	sst s3  }
0x19: {  	p1 =	por p0, !p1;
	[dreg:$0x1e] =	wrdreg s13;
	s16 =	sadd.s32 s14, s2  }
0x1a: {  	s2 =	sadd.s32 s21, s2;
	s3 =	sor.u32 s21, s11;
	[dreg:$0x1c] =	wrdreg s16  }
0x1b: {  	s13 =	sor.u32 $0x54000, s11;
	[dreg:$0x1d] =	wrdreg s2;
	s2 =	sor.u32 s14, s11  }
0x1c: {  	s11 =	sor.u32 $0x5A000, s11;
	_ =	strace $0x80000047;
	[dreg:$0x3] =	wrdreg s20  }
0x1d: {  	s16 =	sor.u32 s14, s13;
	s13 =	sadd.s32 s21, s13;
	s20 =	rddreg [dreg:$0x0]  }
0x1e: {  	s14 =	sadd.s32 s14, s11;
	s11 =	sadd.s32 s21, s11;
	s21 =	sadd.s32 $0x800, s20  }
0x1f: {  	s23 =	sshrl.u32 s23, $0x3;
	s20 =	sadd.s32 $0x3800, s20;
	[dreg:$0x4] =	wrdreg s21  }
0x20: {  	s24 =	sshrl.u32 s24, $0x3;
	s21 =	sshrl.u32 s2, $0x3;
	[dreg:$0x5] =	wrdreg s20  }
0x21: {  	s20 =	sadd.s32 s4, s24;
	s24 =	sshrl.u32 s30, $0x3;
	s0 =	sadd.s32 s4, s21  }
0x22: {  	s21 =	sshrl.u32 s3, $0x3;
	[dreg:$0x9] =	wrdreg s20;
	s3 =	sshrl.u32 s6, $0x3  }
0x23: {  	s6 =	sshrl.u32 s5, $0x3;
	[dreg:$0x6] =	wrdreg s0;
	s0 =	sadd.s32 s4, s21  }
0x24: {  	s21 =	sshrl.u32 s28, $0x3;
	s28 =	sadd.s32 s4, s24;
	[dreg:$0x7] =	wrdreg s0  }
0x25: {  	s5 =	sshrl.u32 s10, $0x3;
	s20 =	sadd.s32 s4, s6;
	[dreg:$0xc] =	wrdreg s28  }
0x26: {  	s11 =	sshrl.u32 s11, $0x3;
	s6 =	sadd.s32 s4, s5;
	[dreg:$0xf] =	wrdreg s20  }
0x27: {  	s15 =	sshrl.u32 s15, $0x3;
	s11 =	sadd.s32 s4, s11;
	[dreg:$0x15] =	wrdreg s6  }
0x28: {  	s24 =	sshrl.u32 s8, $0x3;
	s8 =	sshrl.u32 s25, $0x3;
	s20 =	sld [smem:$0x7FD]  }
0x29: {  	s0 =	sadd.s32 s4, s23;
	s28 =	sadd.s32 s4, s24;
	s24 =	rddreg [dreg:$0x1d]  }
0x2a: {  	s25 =	sshrl.u32 s16, $0x3;
	s23 =	sshrl.u32 s29, $0x3;
	[dreg:$0x8] =	wrdreg s0  }
0x2b: {  	s0 =	sadd.s32 s4, s21;
	s21 =	sshrl.u32 s9, $0x3;
	[dreg:$0x12] =	wrdreg s28  }
0x2c: {  	s9 =	sshrl.u32 s26, $0x3;
	[dreg:$0xa] =	wrdreg s0;
	s0 =	sadd.s32 s4, s23  }
0x2d: {  	s23 =	sshrl.u32 s7, $0x3;
	s7 =	sshrl.u32 s19, $0x3;
	s19 =	sld [smem:$0x7FC]  }
0x2e: {  	s29 =	sshrl.u32 s31, $0x3;
	s10 =	sadd.s32 s4, s9;
	[dreg:$0xb] =	wrdreg s0  }
0x2f: {  	s0 =	sadd.s32 s4, s29;
	s29 =	sshrl.u32 s12, $0x3;
	[dreg:$0x18] =	wrdreg s10  }
0x30: {  	s12 =	sshrl.u32 s17, $0x3;
	s17 =	sshrl.u32 s18, $0x3;
	s18 =	rddreg [dreg:$0x1f]  }
0x31: {  	s6 =	sshrl.u32 s24, $0x3;
	s26 =	sshrl.u32 s13, $0x3;
	[dreg:$0xd] =	wrdreg s0  }
0x32: {  	s0 =	sadd.s32 s4, s3;
	s3 =	sshrl.u32 s22, $0x3;
	s22 =	rddreg [dreg:$0x1e]  }
0x33: {  	s28 =	sshrl.u32 s14, $0x3;
	[dreg:$0xe] =	wrdreg s0;
	s0 =	sadd.s32 s4, s21  }
0x34: {  	s13 =	simm.s32 $0x1;
	s14 =	simm.s32 $0x2;
	[dreg:$0x10] =	wrdreg s0  }
0x35: {  	s6 =	sadd.s32 s4, s6;
	s0 =	sadd.s32 s4, s23;
	s23 =	rddreg [dreg:$0x1c]  }
0x36: {  	s9 =	sadd.s32 s4, s26;
	s10 =	sadd.s32 s4, s28;
	[dreg:$0x11] =	wrdreg s0  }
0x37: {  	s30 =	sadd.s32 s4, s17;
	s0 =	sadd.s32 s4, s29;
	s29 =	rddreg [dreg:$0x1b]  }
0x38: {  	s21 =	sshrl.u32 s20, $0x3;
	[dreg:$0x13] =	wrdreg s0;
	s0 =	sadd.s32 s4, s3  }
0x39: {  	s5 =	sshrl.u32 s22, $0x3;
	[dreg:$0x14] =	wrdreg s0;
	s0 =	sadd.s32 s4, s7  }
0x3a: {  	s7 =	sadd.s32 s4, s5;
	[dreg:$0x16] =	wrdreg s0;
	s0 =	sadd.s32 s4, s8  }
0x3b: {  	s5 =	sshrl.u32 s23, $0x3;
	[dreg:$0x17] =	wrdreg s0;
	s0 =	sadd.s32 s4, s12  }
0x3c: {  	s5 =	sadd.s32 s4, s5;
	[dreg:$0x19] =	wrdreg s0;
	s0 =	sadd.s32 s4, s15  }
0x3d: {  	s8 =	sadd.s32 s4, s25;
	[dreg:$0x1a] =	wrdreg s0;
	s0 =	sshrl.u32 s18, $0x3  }
0x3e: {  	s12 =	smax.u32 s29, $0x1;
	s31 =	sadd.s32 s4, s0;
	s0 =	sshrl.u32 s19, $0x3  }
0x3f: {  	s15 =	simm.s32 $0x0;
	s3 =	sadd.s32 s4, s0;
	s0 =	sadd.s32 s4, s21  }
.LBB2_1:
0x40: {  	s16 =	rddreg [dreg:$0x3]  }
0x41: {  	s17 =	simm.s32 $0x80;
	s18 =	simm.s32 $0x400;
	s19 =	simm.s32 $0x18000  }
0x42: {  	[tilespmem:s19], [sflag:$0x2] =	stream.strided.gather [hbm4b:s16+s17], $0x100, s18, s17, $0x38;
	[tilespmem:$0x18100] =	vst v63  }
0x43: {  	_ =	swait.ge [sflag:s14], $0x100  }
0x44: {  	[sflag:s14] =	ssyncset.done $0x0  }
0x45: {  	s16 =	simm.s32 @!p0 $0x0;
	s17 =	rddreg [dreg:$0x4];
	[sflag:s14] =	ssyncadd.s32 $0xFFFFFF00  }
0x46: {  	[tilespmem:s16], [sflag:$0x2] =	stream.linear.gather @!p0 [hbm4b:s17+s16], $0x18000, $0x38;
	[tilespmem:$0x18100] =	vst v63  }
0x47: {  	s16 =	simm.s32 @!p0 $0x2  }
0x48: {  	_ =	swait.ge @!p0 [sflag:s16], $0x18000  }
0x49: {  	[sflag:s16] =	ssyncset.done @!p0 $0x0  }
0x4a: {  	[sflag:s16] =	ssyncadd.s32 @!p0 $0xFFFE8000;
	s16 =	rddreg @p1 [dreg:$0x5]  }
0x4b: {  	[tilespmem:s1], [sflag:$0x2] =	stream.linear.gather @p1 [hbm4b:s16+s1], $0xC000, $0x38;
	[tilespmem:$0x18100] =	vst v63  }
0x4c: {  	_ =	swait.ge @p1 [sflag:s14], $0xC000  }
0x4d: {  	[sflag:s14] =	ssyncset.done @p1 $0x0  }
0x4e: {  	[sflag:s14] =	ssyncadd.s32 @p1 $0xFFFF4000  }
0x4f: {  	v0 =	vld [tilespmem:$0x18000];
	_ =	sdelay $0x4  }
0x50: {  	v0 =	vmul.u32 $0xC000, v0;
	_ =	sdelay $0x1  }
0x51: {  	v0 =	vshra.s32 v0, $0x2  }
0x52: {  	(v2sf) =	vpush v0, $0x0;
	_ =	sdelay $0x3  }
0x53: {  	(v2sf) =	vpush v0, $0x1;
	_ =	sdelay $0x3  }
0x54: {  	(v2sf) =	vpush v0, $0x2;
	_ =	sdelay $0x3  }
0x55: {  	(v2sf) =	vpush v0, $0x3;
	_ =	sdelay $0x2  }
0x56: {  	s16 =	simm.s32 $0x0;
	s20 =	rddreg [dreg:$0x6];
	s19 =	spop (v2sf)  }
0x57: {  	(v2sf) =	vpush v0, $0x4;
	[hbm4b:s20+s16] =	stream.linear.scatter [tilespmem:s19], [sflag:$0x1], $0x1800, $0x38;
	[tilespmem:$0x18100] =	vst v63  }
0x58: {  	s21 =	rddreg [dreg:$0x7];
	s17 =	sadd.s32 $0x1800, s19  }
0x59: {  	[hbm4b:s21+s16] =	stream.linear.scatter [tilespmem:s17], [sflag:$0x1], $0x1800, $0x38;
	[tilespmem:$0x18100] =	vst v63  }
0x5a: {  	s23 =	rddreg [dreg:$0x8];
	s22 =	spop (v2sf)  }
0x5b: {  	(v2sf) =	vpush v0, $0x5;
	[hbm4b:s23+s16] =	stream.linear.scatter [tilespmem:s22], [sflag:$0x1], $0x1800, $0x38;
	[tilespmem:$0x18100] =	vst v63  }
0x5c: {  	s24 =	rddreg [dreg:$0x9];
	s17 =	sadd.s32 $0x1800, s22  }
0x5d: {  	[hbm4b:s24+s16] =	stream.linear.scatter [tilespmem:s17], [sflag:$0x1], $0x1800, $0x38;
	[tilespmem:$0x18100] =	vst v63  }
0x5e: {  	s26 =	rddreg [dreg:$0xa];
	s25 =	spop (v2sf)  }
0x5f: {  	(v2sf) =	vpush v0, $0x6;
	[hbm4b:s26+s16] =	stream.linear.scatter [tilespmem:s25], [sflag:$0x1], $0x1800, $0x38;
	[tilespmem:$0x18100] =	vst v63  }
0x60: {  	s28 =	rddreg [dreg:$0xb];
	s17 =	sadd.s32 $0x1800, s25  }
0x61: {  	[hbm4b:s28+s16] =	stream.linear.scatter [tilespmem:s17], [sflag:$0x1], $0x1800, $0x38;
	[tilespmem:$0x18100] =	vst v63  }
0x62: {  	s19 =	rddreg [dreg:$0xc];
	s29 =	spop (v2sf)  }
0x63: {  	(v2sf) =	vpush v0, $0x7;
	[hbm4b:s19+s16] =	stream.linear.scatter [tilespmem:s29], [sflag:$0x1], $0x1800, $0x38;
	[tilespmem:$0x18100] =	vst v63  }
0x64: {  	s20 =	rddreg [dreg:$0xd];
	s17 =	sadd.s32 $0x1800, s29  }
0x65: {  	[hbm4b:s20+s16] =	stream.linear.scatter [tilespmem:s17], [sflag:$0x1], $0x1800, $0x38;
	[tilespmem:$0x18100] =	vst v63  }
0x66: {  	s22 =	rddreg [dreg:$0xe];
	s21 =	spop (v2sf)  }
0x67: {  	(v2sf) =	vpush v0, $0x8;
	[hbm4b:s22+s16] =	stream.linear.scatter [tilespmem:s21], [sflag:$0x1], $0x1800, $0x38;
	[tilespmem:$0x18100] =	vst v63  }
0x68: {  	s23 =	rddreg [dreg:$0xf];
	s17 =	sadd.s32 $0x1800, s21  }
0x69: {  	[hbm4b:s23+s16] =	stream.linear.scatter [tilespmem:s17], [sflag:$0x1], $0x1800, $0x38;
	[tilespmem:$0x18100] =	vst v63  }
0x6a: {  	s25 =	rddreg [dreg:$0x10];
	s24 =	spop (v2sf)  }
0x6b: {  	(v2sf) =	vpush v0, $0x9;
	[hbm4b:s25+s16] =	stream.linear.scatter [tilespmem:s24], [sflag:$0x1], $0x1800, $0x38;
	[tilespmem:$0x18100] =	vst v63  }
0x6c: {  	s26 =	rddreg [dreg:$0x11];
	s17 =	sadd.s32 $0x1800, s24  }
0x6d: {  	[hbm4b:s26+s16] =	stream.linear.scatter [tilespmem:s17], [sflag:$0x1], $0x1800, $0x38;
	[tilespmem:$0x18100] =	vst v63  }
0x6e: {  	s29 =	rddreg [dreg:$0x12];
	s28 =	spop (v2sf)  }
0x6f: {  	(v2sf) =	vpush v0, $0xA;
	[hbm4b:s29+s16] =	stream.linear.scatter [tilespmem:s28], [sflag:$0x1], $0x1800, $0x38;
	[tilespmem:$0x18100] =	vst v63  }
0x70: {  	s19 =	rddreg [dreg:$0x13];
	s17 =	sadd.s32 $0x1800, s28  }
0x71: {  	[hbm4b:s19+s16] =	stream.linear.scatter [tilespmem:s17], [sflag:$0x1], $0x1800, $0x38;
	[tilespmem:$0x18100] =	vst v63  }
0x72: {  	s21 =	rddreg [dreg:$0x14];
	s20 =	spop (v2sf)  }
0x73: {  	(v2sf) =	vpush v0, $0xB;
	[hbm4b:s21+s16] =	stream.linear.scatter [tilespmem:s20], [sflag:$0x1], $0x1800, $0x38;
	[tilespmem:$0x18100] =	vst v63  }
0x74: {  	s22 =	rddreg [dreg:$0x15];
	s17 =	sadd.s32 $0x1800, s20  }
0x75: {  	[hbm4b:s22+s16] =	stream.linear.scatter [tilespmem:s17], [sflag:$0x1], $0x1800, $0x38;
	[tilespmem:$0x18100] =	vst v63  }
0x76: {  	s24 =	rddreg [dreg:$0x16];
	s23 =	spop (v2sf)  }
0x77: {  	(v2sf) =	vpush v0, $0xC;
	[hbm4b:s24+s16] =	stream.linear.scatter [tilespmem:s23], [sflag:$0x1], $0x1800, $0x38;
	[tilespmem:$0x18100] =	vst v63  }
0x78: {  	s25 =	rddreg [dreg:$0x17];
	s17 =	sadd.s32 $0x1800, s23  }
0x79: {  	[hbm4b:s25+s16] =	stream.linear.scatter [tilespmem:s17], [sflag:$0x1], $0x1800, $0x38;
	[tilespmem:$0x18100] =	vst v63  }
0x7a: {  	s28 =	rddreg [dreg:$0x18];
	s26 =	spop (v2sf)  }
0x7b: {  	(v2sf) =	vpush v0, $0xD;
	[hbm4b:s28+s16] =	stream.linear.scatter [tilespmem:s26], [sflag:$0x1], $0x1800, $0x38;
	[tilespmem:$0x18100] =	vst v63  }
0x7c: {  	s29 =	rddreg [dreg:$0x19];
	s17 =	sadd.s32 $0x1800, s26  }
0x7d: {  	[hbm4b:s29+s16] =	stream.linear.scatter [tilespmem:s17], [sflag:$0x1], $0x1800, $0x38;
	[tilespmem:$0x18100] =	vst v63  }
0x7e: {  	s20 =	rddreg [dreg:$0x1a];
	s19 =	spop (v2sf)  }
0x7f: {  	(v2sf) =	vpush v0, $0xE;
	[hbm4b:s20+s16] =	stream.linear.scatter [tilespmem:s19], [sflag:$0x1], $0x1800, $0x38;
	[tilespmem:$0x18100] =	vst v63  }
0x80: {  	s17 =	sadd.s32 $0x1800, s19  }
0x81: {  	[hbm4b:s30+s16] =	stream.linear.scatter [tilespmem:s17], [sflag:$0x1], $0x1800, $0x38;
	[tilespmem:$0x18100] =	vst v63  }
0x82: {  	s21 =	spop (v2sf)  }
0x83: {  	(v2sf) =	vpush v0, $0xF;
	[hbm4b:s31+s16] =	stream.linear.scatter [tilespmem:s21], [sflag:$0x1], $0x1800, $0x38;
	[tilespmem:$0x18100] =	vst v63  }
0x84: {  	s17 =	sadd.s32 $0x1800, s21  }
0x85: {  	[hbm4b:s3+s16] =	stream.linear.scatter [tilespmem:s17], [sflag:$0x1], $0x1800, $0x38;
	[tilespmem:$0x18100] =	vst v63  }
0x86: {  	s22 =	spop (v2sf)  }
0x87: {  	[hbm4b:s0+s16] =	stream.linear.scatter [tilespmem:s22], [sflag:$0x1], $0x1800, $0x38;
	[tilespmem:$0x18100] =	vst v63  }
0x88: {  	s17 =	sadd.s32 $0x1800, s22  }
0x89: {  	[hbm4b:s7+s16] =	stream.linear.scatter [tilespmem:s17], [sflag:$0x1], $0x1800, $0x38;
	[tilespmem:$0x18100] =	vst v63  }
0x8a: {  	s23 =	spop (v2sf)  }
0x8b: {  	[hbm4b:s5+s16] =	stream.linear.scatter [tilespmem:s23], [sflag:$0x1], $0x1800, $0x38;
	[tilespmem:$0x18100] =	vst v63  }
0x8c: {  	s17 =	sadd.s32 $0x1800, s23  }
0x8d: {  	[hbm4b:s6+s16] =	stream.linear.scatter [tilespmem:s17], [sflag:$0x1], $0x1800, $0x38;
	[tilespmem:$0x18100] =	vst v63  }
0x8e: {  	s24 =	spop (v2sf)  }
0x8f: {  	[hbm4b:s8+s16] =	stream.linear.scatter [tilespmem:s24], [sflag:$0x1], $0x1800, $0x38;
	[tilespmem:$0x18100] =	vst v63  }
0x90: {  	s17 =	sadd.s32 $0x1800, s24  }
0x91: {  	[hbm4b:s9+s16] =	stream.linear.scatter [tilespmem:s17], [sflag:$0x1], $0x1800, $0x38;
	[tilespmem:$0x18100] =	vst v63  }
0x92: {  	s25 =	spop (v2sf)  }
0x93: {  	[hbm4b:s10+s16] =	stream.linear.scatter [tilespmem:s25], [sflag:$0x1], $0x1800, $0x38;
	[tilespmem:$0x18100] =	vst v63  }
0x94: {  	s17 =	sadd.s32 $0x1800, s25  }
0x95: {  	[hbm4b:s11+s16] =	stream.linear.scatter [tilespmem:s17], [sflag:$0x1], $0x1800, $0x38;
	[tilespmem:$0x18100] =	vst v63  }
0x96: {  	s16 =	simm.s32 $0x18010  }
0x97: {  	v63 =	vld [tilespmem:s16+$0x0];
	_ =	sdelay $0x4  }
0x98: {  	v0 =	vmul.u32 $0xC000, v63;
	_ =	sdelay $0x1  }
0x99: {  	v0 =	vshra.s32 v0, $0x2  }
0x9a: {  	(v2sf) =	vpush v0, $0x0;
	_ =	sdelay $0x6  }
0x9b: {  	(v2sf) =	vpush v0, $0x1;
	_ =	sdelay $0x4  }
0x9c: {  	s17 =	sadd.s32 $0x0, s2;
	(v2sf) =	vpush v0, $0x2  }
0x9d: {  	s26 =	sadd.s32 $0x60000, s17;
	_ =	swait.ge [sflag:s13], $0x3000  }
0x9e: {  	s29 =	sadd.s32 $0x61800, s17;
	s18 =	sshrl.u32 s26, $0x3;
	[sflag:s13] =	ssyncset.done $0x0  }
0x9f: {  	s18 =	sadd.s32 s4, s18;
	[sflag:s13] =	ssyncadd.s32 $0xFFFFD000;
	s28 =	spop (v2sf)  }
0xa0: {  	[hbm4b:s18+s1] =	stream.linear.scatter [tilespmem:s28], [sflag:$0x1], $0x1800, $0x38;
	[tilespmem:$0x18100] =	vst v63  }
0xa1: {  	s18 =	sshrl.u32 s29, $0x3  }
0xa2: {  	s19 =	sadd.s32 $0x1800, s28;
	s18 =	sadd.s32 s4, s18  }
0xa3: {  	(v2sf) =	vpush v0, $0x3;
	[hbm4b:s18+s1] =	stream.linear.scatter [tilespmem:s19], [sflag:$0x1], $0x1800, $0x38;
	[tilespmem:$0x18100] =	vst v63  }
0xa4: {  	s20 =	sadd.s32 $0x66000, s17;
	_ =	swait.ge [sflag:s13], $0x3000  }
0xa5: {  	s22 =	sadd.s32 $0x67800, s17;
	s18 =	sshrl.u32 s20, $0x3;
	[sflag:s13] =	ssyncset.done $0x0  }
0xa6: {  	s18 =	sadd.s32 s4, s18;
	s21 =	spop (v2sf);
	[sflag:s13] =	ssyncadd.s32 $0xFFFFD000  }
0xa7: {  	[hbm4b:s18+s1] =	stream.linear.scatter [tilespmem:s21], [sflag:$0x1], $0x1800, $0x38;
	[tilespmem:$0x18100] =	vst v63  }
0xa8: {  	s18 =	sshrl.u32 s22, $0x3  }
0xa9: {  	s19 =	sadd.s32 $0x1800, s21;
	s18 =	sadd.s32 s4, s18  }
0xaa: {  	(v2sf) =	vpush v0, $0x4;
	[hbm4b:s18+s1] =	stream.linear.scatter [tilespmem:s19], [sflag:$0x1], $0x1800, $0x38;
	[tilespmem:$0x18100] =	vst v63  }
0xab: {  	s23 =	sadd.s32 $0x6C000, s17;
	_ =	swait.ge [sflag:s13], $0x3000  }
0xac: {  	s25 =	sadd.s32 $0x6D800, s17;
	s18 =	sshrl.u32 s23, $0x3;
	[sflag:s13] =	ssyncset.done $0x0  }
0xad: {  	s18 =	sadd.s32 s4, s18;
	s24 =	spop (v2sf);
	[sflag:s13] =	ssyncadd.s32 $0xFFFFD000  }
0xae: {  	[hbm4b:s18+s1] =	stream.linear.scatter [tilespmem:s24], [sflag:$0x1], $0x1800, $0x38;
	[tilespmem:$0x18100] =	vst v63  }
0xaf: {  	s18 =	sshrl.u32 s25, $0x3  }
0xb0: {  	s19 =	sadd.s32 $0x1800, s24;
	s18 =	sadd.s32 s4, s18  }
0xb1: {  	(v2sf) =	vpush v0, $0x5;
	[hbm4b:s18+s1] =	stream.linear.scatter [tilespmem:s19], [sflag:$0x1], $0x1800, $0x38;
	[tilespmem:$0x18100] =	vst v63  }
0xb2: {  	s26 =	sadd.s32 $0x72000, s17;
	_ =	swait.ge [sflag:s13], $0x3000  }
0xb3: {  	s29 =	sadd.s32 $0x73800, s17;
	s18 =	sshrl.u32 s26, $0x3;
	[sflag:s13] =	ssyncset.done $0x0  }
0xb4: {  	s18 =	sadd.s32 s4, s18;
	s28 =	spop (v2sf);
	[sflag:s13] =	ssyncadd.s32 $0xFFFFD000  }
0xb5: {  	[hbm4b:s18+s1] =	stream.linear.scatter [tilespmem:s28], [sflag:$0x1], $0x1800, $0x38;
	[tilespmem:$0x18100] =	vst v63  }
0xb6: {  	s18 =	sshrl.u32 s29, $0x3  }
0xb7: {  	s19 =	sadd.s32 $0x1800, s28;
	s18 =	sadd.s32 s4, s18  }
0xb8: {  	(v2sf) =	vpush v0, $0x6;
	[hbm4b:s18+s1] =	stream.linear.scatter [tilespmem:s19], [sflag:$0x1], $0x1800, $0x38;
	[tilespmem:$0x18100] =	vst v63  }
0xb9: {  	s20 =	sadd.s32 $0x78000, s17;
	_ =	swait.ge [sflag:s13], $0x3000  }
0xba: {  	s22 =	sadd.s32 $0x79800, s17;
	s18 =	sshrl.u32 s20, $0x3;
	[sflag:s13] =	ssyncset.done $0x0  }
0xbb: {  	s18 =	sadd.s32 s4, s18;
	s21 =	spop (v2sf);
	[sflag:s13] =	ssyncadd.s32 $0xFFFFD000  }
0xbc: {  	[hbm4b:s18+s1] =	stream.linear.scatter [tilespmem:s21], [sflag:$0x1], $0x1800, $0x38;
	[tilespmem:$0x18100] =	vst v63  }
0xbd: {  	s18 =	sshrl.u32 s22, $0x3  }
0xbe: {  	s19 =	sadd.s32 $0x1800, s21;
	s18 =	sadd.s32 s4, s18  }
0xbf: {  	(v2sf) =	vpush v0, $0x7;
	[hbm4b:s18+s1] =	stream.linear.scatter [tilespmem:s19], [sflag:$0x1], $0x1800, $0x38;
	[tilespmem:$0x18100] =	vst v63  }
0xc0: {  	s23 =	sadd.s32 $0x7E000, s17;
	_ =	swait.ge [sflag:s13], $0x3000  }
0xc1: {  	s25 =	sadd.s32 $0x7F800, s17;
	s18 =	sshrl.u32 s23, $0x3;
	[sflag:s13] =	ssyncset.done $0x0  }
0xc2: {  	s18 =	sadd.s32 s4, s18;
	s24 =	spop (v2sf);
	[sflag:s13] =	ssyncadd.s32 $0xFFFFD000  }
0xc3: {  	[hbm4b:s18+s1] =	stream.linear.scatter [tilespmem:s24], [sflag:$0x1], $0x1800, $0x38;
	[tilespmem:$0x18100] =	vst v63  }
0xc4: {  	s18 =	sshrl.u32 s25, $0x3  }
0xc5: {  	s19 =	sadd.s32 $0x1800, s24;
	s18 =	sadd.s32 s4, s18  }
0xc6: {  	(v2sf) =	vpush v0, $0x8;
	[hbm4b:s18+s1] =	stream.linear.scatter [tilespmem:s19], [sflag:$0x1], $0x1800, $0x38;
	[tilespmem:$0x18100] =	vst v63  }
0xc7: {  	s26 =	sadd.s32 $0x84000, s17;
	_ =	swait.ge [sflag:s13], $0x3000  }
0xc8: {  	s29 =	sadd.s32 $0x85800, s17;
	s18 =	sshrl.u32 s26, $0x3;
	[sflag:s13] =	ssyncset.done $0x0  }
0xc9: {  	s18 =	sadd.s32 s4, s18;
	s28 =	spop (v2sf);
	[sflag:s13] =	ssyncadd.s32 $0xFFFFD000  }
0xca: {  	[hbm4b:s18+s1] =	stream.linear.scatter [tilespmem:s28], [sflag:$0x1], $0x1800, $0x38;
	[tilespmem:$0x18100] =	vst v63  }
0xcb: {  	s18 =	sshrl.u32 s29, $0x3  }
0xcc: {  	s19 =	sadd.s32 $0x1800, s28;
	s18 =	sadd.s32 s4, s18  }
0xcd: {  	(v2sf) =	vpush v0, $0x9;
	[hbm4b:s18+s1] =	stream.linear.scatter [tilespmem:s19], [sflag:$0x1], $0x1800, $0x38;
	[tilespmem:$0x18100] =	vst v63  }
0xce: {  	s20 =	sadd.s32 $0x8A000, s17;
	_ =	swait.ge [sflag:s13], $0x3000  }
0xcf: {  	s22 =	sadd.s32 $0x8B800, s17;
	s18 =	sshrl.u32 s20, $0x3;
	[sflag:s13] =	ssyncset.done $0x0  }
0xd0: {  	s18 =	sadd.s32 s4, s18;
	s21 =	spop (v2sf);
	[sflag:s13] =	ssyncadd.s32 $0xFFFFD000  }
0xd1: {  	[hbm4b:s18+s1] =	stream.linear.scatter [tilespmem:s21], [sflag:$0x1], $0x1800, $0x38;
	[tilespmem:$0x18100] =	vst v63  }
0xd2: {  	s18 =	sshrl.u32 s22, $0x3  }
0xd3: {  	s19 =	sadd.s32 $0x1800, s21;
	s18 =	sadd.s32 s4, s18  }
0xd4: {  	(v2sf) =	vpush v0, $0xA;
	[hbm4b:s18+s1] =	stream.linear.scatter [tilespmem:s19], [sflag:$0x1], $0x1800, $0x38;
	[tilespmem:$0x18100] =	vst v63  }
0xd5: {  	s23 =	sadd.s32 $0x90000, s17;
	_ =	swait.ge [sflag:s13], $0x3000  }
0xd6: {  	s25 =	sadd.s32 $0x91800, s17;
	s18 =	sshrl.u32 s23, $0x3;
	[sflag:s13] =	ssyncset.done $0x0  }
0xd7: {  	s18 =	sadd.s32 s4, s18;
	s24 =	spop (v2sf);
	[sflag:s13] =	ssyncadd.s32 $0xFFFFD000  }
0xd8: {  	[hbm4b:s18+s1] =	stream.linear.scatter [tilespmem:s24], [sflag:$0x1], $0x1800, $0x38;
	[tilespmem:$0x18100] =	vst v63  }
0xd9: {  	s18 =	sshrl.u32 s25, $0x3  }
0xda: {  	s19 =	sadd.s32 $0x1800, s24;
	s18 =	sadd.s32 s4, s18  }
0xdb: {  	(v2sf) =	vpush v0, $0xB;
	[hbm4b:s18+s1] =	stream.linear.scatter [tilespmem:s19], [sflag:$0x1], $0x1800, $0x38;
	[tilespmem:$0x18100] =	vst v63  }
0xdc: {  	s26 =	sadd.s32 $0x96000, s17;
	_ =	swait.ge [sflag:s13], $0x3000  }
0xdd: {  	s29 =	sadd.s32 $0x97800, s17;
	s18 =	sshrl.u32 s26, $0x3;
	[sflag:s13] =	ssyncset.done $0x0  }
0xde: {  	s18 =	sadd.s32 s4, s18;
	s28 =	spop (v2sf);
	[sflag:s13] =	ssyncadd.s32 $0xFFFFD000  }
0xdf: {  	[hbm4b:s18+s1] =	stream.linear.scatter [tilespmem:s28], [sflag:$0x1], $0x1800, $0x38;
	[tilespmem:$0x18100] =	vst v63  }
0xe0: {  	s18 =	sshrl.u32 s29, $0x3  }
0xe1: {  	s19 =	sadd.s32 $0x1800, s28;
	s18 =	sadd.s32 s4, s18  }
0xe2: {  	(v2sf) =	vpush v0, $0xC;
	[hbm4b:s18+s1] =	stream.linear.scatter [tilespmem:s19], [sflag:$0x1], $0x1800, $0x38;
	[tilespmem:$0x18100] =	vst v63  }
0xe3: {  	s20 =	sadd.s32 $0x9C000, s17;
	_ =	swait.ge [sflag:s13], $0x3000  }
0xe4: {  	s22 =	sadd.s32 $0x9D800, s17;
	s18 =	sshrl.u32 s20, $0x3;
	[sflag:s13] =	ssyncset.done $0x0  }
0xe5: {  	s18 =	sadd.s32 s4, s18;
	s21 =	spop (v2sf);
	[sflag:s13] =	ssyncadd.s32 $0xFFFFD000  }
0xe6: {  	[hbm4b:s18+s1] =	stream.linear.scatter [tilespmem:s21], [sflag:$0x1], $0x1800, $0x38;
	[tilespmem:$0x18100] =	vst v63  }
0xe7: {  	s18 =	sshrl.u32 s22, $0x3  }
0xe8: {  	s19 =	sadd.s32 $0x1800, s21;
	s18 =	sadd.s32 s4, s18  }
0xe9: {  	(v2sf) =	vpush v0, $0xD;
	[hbm4b:s18+s1] =	stream.linear.scatter [tilespmem:s19], [sflag:$0x1], $0x1800, $0x38;
	[tilespmem:$0x18100] =	vst v63  }
0xea: {  	s23 =	sadd.s32 $0xA2000, s17;
	_ =	swait.ge [sflag:s13], $0x3000  }
0xeb: {  	s25 =	sadd.s32 $0xA3800, s17;
	s18 =	sshrl.u32 s23, $0x3;
	[sflag:s13] =	ssyncset.done $0x0  }
0xec: {  	s18 =	sadd.s32 s4, s18;
	s24 =	spop (v2sf);
	[sflag:s13] =	ssyncadd.s32 $0xFFFFD000  }
0xed: {  	[hbm4b:s18+s1] =	stream.linear.scatter [tilespmem:s24], [sflag:$0x1], $0x1800, $0x38;
	[tilespmem:$0x18100] =	vst v63  }
0xee: {  	s18 =	sshrl.u32 s25, $0x3  }
0xef: {  	s19 =	sadd.s32 $0x1800, s24;
	s18 =	sadd.s32 s4, s18  }
0xf0: {  	(v2sf) =	vpush v0, $0xE;
	[hbm4b:s18+s1] =	stream.linear.scatter [tilespmem:s19], [sflag:$0x1], $0x1800, $0x38;
	[tilespmem:$0x18100] =	vst v63  }
0xf1: {  	s26 =	sadd.s32 $0xA8000, s17;
	_ =	swait.ge [sflag:s13], $0x3000  }
0xf2: {  	s29 =	sadd.s32 $0xA9800, s17;
	s18 =	sshrl.u32 s26, $0x3;
	[sflag:s13] =	ssyncset.done $0x0  }
0xf3: {  	s18 =	sadd.s32 s4, s18;
	s28 =	spop (v2sf);
	[sflag:s13] =	ssyncadd.s32 $0xFFFFD000  }
0xf4: {  	[hbm4b:s18+s1] =	stream.linear.scatter [tilespmem:s28], [sflag:$0x1], $0x1800, $0x38;
	[tilespmem:$0x18100] =	vst v63  }
0xf5: {  	s18 =	sshrl.u32 s29, $0x3  }
0xf6: {  	s19 =	sadd.s32 $0x1800, s28;
	s18 =	sadd.s32 s4, s18  }
0xf7: {  	(v2sf) =	vpush v0, $0xF;
	[hbm4b:s18+s1] =	stream.linear.scatter [tilespmem:s19], [sflag:$0x1], $0x1800, $0x38;
	[tilespmem:$0x18100] =	vst v63  }
0xf8: {  	s20 =	sadd.s32 $0xAE000, s17;
	_ =	swait.ge [sflag:s13], $0x3000  }
0xf9: {  	s22 =	sadd.s32 $0xAF800, s17;
	s18 =	sshrl.u32 s20, $0x3;
	[sflag:s13] =	ssyncset.done $0x0  }
0xfa: {  	s18 =	sadd.s32 s4, s18;
	s21 =	spop (v2sf);
	[sflag:s13] =	ssyncadd.s32 $0xFFFFD000  }
0xfb: {  	[hbm4b:s18+s1] =	stream.linear.scatter [tilespmem:s21], [sflag:$0x1], $0x1800, $0x38;
	[tilespmem:$0x18100] =	vst v63  }
0xfc: {  	s18 =	sshrl.u32 s22, $0x3  }
0xfd: {  	s19 =	sadd.s32 $0x1800, s21;
	s18 =	sadd.s32 s4, s18  }
0xfe: {  	[hbm4b:s18+s1] =	stream.linear.scatter [tilespmem:s19], [sflag:$0x1], $0x1800, $0x38;
	[tilespmem:$0x18100] =	vst v63  }
0xff: {  	s23 =	sadd.s32 $0xB4000, s17;
	_ =	swait.ge [sflag:s13], $0x3000  }
0x100: {  	s25 =	sadd.s32 $0xB5800, s17;
	s18 =	sshrl.u32 s23, $0x3;
	[sflag:s13] =	ssyncset.done $0x0  }
0x101: {  	s18 =	sadd.s32 s4, s18;
	s24 =	spop (v2sf);
	[sflag:s13] =	ssyncadd.s32 $0xFFFFD000  }
0x102: {  	[hbm4b:s18+s1] =	stream.linear.scatter [tilespmem:s24], [sflag:$0x1], $0x1800, $0x38;
	[tilespmem:$0x18100] =	vst v63  }
0x103: {  	s18 =	sshrl.u32 s25, $0x3  }
0x104: {  	s19 =	sadd.s32 $0x1800, s24;
	s18 =	sadd.s32 s4, s18  }
0x105: {  	[hbm4b:s18+s1] =	stream.linear.scatter [tilespmem:s19], [sflag:$0x1], $0x1800, $0x38;
	[tilespmem:$0x18100] =	vst v63  }
0x106: {  	s26 =	sadd.s32 $0xBA000, s17;
	s17 =	sadd.s32 $0xBB800, s17;
	_ =	swait.ge [sflag:s13], $0x3000  }
0x107: {  	s29 =	sshrl.u32 s17, $0x3;
	s18 =	sshrl.u32 s26, $0x3;
	[sflag:s13] =	ssyncset.done $0x0  }
0x108: {  	s18 =	sadd.s32 s4, s18;
	s28 =	spop (v2sf);
	[sflag:s13] =	ssyncadd.s32 $0xFFFFD000  }
0x109: {  	[hbm4b:s18+s1] =	stream.linear.scatter [tilespmem:s28], [sflag:$0x1], $0x1800, $0x38;
	[tilespmem:$0x18100] =	vst v63  }
0x10a: {  	s17 =	simm.s32 $0x60000;
	s19 =	sadd.s32 $0x1800, s28;
	s18 =	sadd.s32 s4, s29  }
.LBB2_2:
0x10b: {  	p2 =	sne.s32 s17, $0x540000  }
0x10c: {  	s16 =	sadd.s32 $0x10, s16;
	s20 =	smov.u32 s17;
	s17 =	sadd.s32 $0x60000, s17  }
0x10d: {  	[hbm4b:s18+s1] =	stream.linear.scatter [tilespmem:s19], [sflag:$0x1], $0x1800, $0x38;
	[tilespmem:$0x18100] =	vst v63  }
0x10e: {  	v0 =	vld [tilespmem:s16+$0x0];
	_ =	sdelay $0x4  }
0x10f: {  	v0 =	vmul.u32 $0xC000, v0;
	_ =	sdelay $0x1  }
0x110: {  	v0 =	vshra.s32 v0, $0x2  }
0x111: {  	(v2sf) =	vpush v0, $0x0;
	_ =	sdelay $0x5  }
0x112: {  	(v2sf) =	vpush v0, $0x1;
	_ =	sdelay $0x5  }
0x113: {  	s18 =	sadd.s32 s20, s2;
	(v2sf) =	vpush v0, $0x2  }
0x114: {  	s19 =	sadd.s32 $0x60000, s18;
	s20 =	sadd.s32 $0x66000, s18;
	_ =	swait.ge [sflag:s13], $0x3000  }
0x115: {  	s21 =	sadd.s32 $0x61800, s18;
	s19 =	sshrl.u32 s19, $0x3;
	[sflag:s13] =	ssyncset.done $0x0  }
0x116: {  	s21 =	sshrl.u32 s21, $0x3;
	[sflag:s13] =	ssyncadd.s32 $0xFFFFD000;
	s22 =	spop (v2sf)  }
0x117: {  	s19 =	sadd.s32 s4, s19;
	s21 =	sadd.s32 s4, s21;
	s23 =	sadd.s32 $0x1800, s22  }
0x118: {  	[hbm4b:s19+s1] =	stream.linear.scatter [tilespmem:s22], [sflag:$0x1], $0x1800, $0x38;
	[tilespmem:$0x18100] =	vst v63  }
0x119: {  	s19 =	sshrl.u32 s20, $0x3;
	s20 =	sadd.s32 $0x67800, s18;
	s22 =	sadd.s32 $0x72000, s18;
	(v2sf) =	vpush v0, $0x3  }
0x11a: {  	[hbm4b:s21+s1] =	stream.linear.scatter [tilespmem:s23], [sflag:$0x1], $0x1800, $0x38;
	[tilespmem:$0x18100] =	vst v63  }
0x11b: {  	s20 =	sshrl.u32 s20, $0x3;
	s21 =	sshrl.u32 s22, $0x3;
	_ =	swait.ge [sflag:s13], $0x3000  }
0x11c: {  	s19 =	sadd.s32 s4, s19;
	[sflag:s13] =	ssyncset.done $0x0;
	s22 =	spop (v2sf)  }
0x11d: {  	s24 =	sadd.s32 $0x6D800, s18;
	[sflag:s13] =	ssyncadd.s32 $0xFFFFD000;
	s23 =	sadd.s32 $0x1800, s22  }
0x11e: {  	[hbm4b:s19+s1] =	stream.linear.scatter [tilespmem:s22], [sflag:$0x1], $0x1800, $0x38;
	[tilespmem:$0x18100] =	vst v63  }
0x11f: {  	s19 =	sadd.s32 s4, s20;
	s20 =	sadd.s32 $0x6C000, s18;
	s22 =	sshrl.u32 s24, $0x3;
	(v2sf) =	vpush v0, $0x4  }
0x120: {  	[hbm4b:s19+s1] =	stream.linear.scatter [tilespmem:s23], [sflag:$0x1], $0x1800, $0x38;
	[tilespmem:$0x18100] =	vst v63  }
0x121: {  	s19 =	sshrl.u32 s20, $0x3;
	s20 =	sadd.s32 $0x73800, s18;
	_ =	swait.ge [sflag:s13], $0x3000  }
0x122: {  	s19 =	sadd.s32 s4, s19;
	[sflag:s13] =	ssyncset.done $0x0;
	s23 =	spop (v2sf)  }
0x123: {  	s22 =	sadd.s32 s4, s22;
	[sflag:s13] =	ssyncadd.s32 $0xFFFFD000;
	s24 =	sadd.s32 $0x1800, s23  }
0x124: {  	[hbm4b:s19+s1] =	stream.linear.scatter [tilespmem:s23], [sflag:$0x1], $0x1800, $0x38;
	[tilespmem:$0x18100] =	vst v63  }
0x125: {  	s19 =	sshrl.u32 s20, $0x3;
	s20 =	sadd.s32 $0x78000, s18;
	s23 =	sadd.s32 $0x79800, s18;
	(v2sf) =	vpush v0, $0x5  }
0x126: {  	[hbm4b:s22+s1] =	stream.linear.scatter [tilespmem:s24], [sflag:$0x1], $0x1800, $0x38;
	[tilespmem:$0x18100] =	vst v63  }
0x127: {  	s20 =	sshrl.u32 s20, $0x3;
	s22 =	sshrl.u32 s23, $0x3;
	_ =	swait.ge [sflag:s13], $0x3000  }
0x128: {  	s21 =	sadd.s32 s4, s21;
	[sflag:s13] =	ssyncset.done $0x0;
	s23 =	spop (v2sf)  }
0x129: {  	s25 =	sadd.s32 $0x7E000, s18;
	[sflag:s13] =	ssyncadd.s32 $0xFFFFD000;
	s24 =	sadd.s32 $0x1800, s23  }
0x12a: {  	[hbm4b:s21+s1] =	stream.linear.scatter [tilespmem:s23], [sflag:$0x1], $0x1800, $0x38;
	[tilespmem:$0x18100] =	vst v63  }
0x12b: {  	s19 =	sadd.s32 s4, s19;
	s21 =	sshrl.u32 s25, $0x3;
	s23 =	sadd.s32 $0x7F800, s18;
	(v2sf) =	vpush v0, $0x6  }
0x12c: {  	[hbm4b:s19+s1] =	stream.linear.scatter [tilespmem:s24], [sflag:$0x1], $0x1800, $0x38;
	[tilespmem:$0x18100] =	vst v63  }
0x12d: {  	s19 =	sshrl.u32 s23, $0x3;
	s23 =	sadd.s32 $0x84000, s18;
	_ =	swait.ge [sflag:s13], $0x3000  }
0x12e: {  	s20 =	sadd.s32 s4, s20;
	[sflag:s13] =	ssyncset.done $0x0;
	s24 =	spop (v2sf)  }
0x12f: {  	s22 =	sadd.s32 s4, s22;
	[sflag:s13] =	ssyncadd.s32 $0xFFFFD000;
	s25 =	sadd.s32 $0x1800, s24  }
0x130: {  	[hbm4b:s20+s1] =	stream.linear.scatter [tilespmem:s24], [sflag:$0x1], $0x1800, $0x38;
	[tilespmem:$0x18100] =	vst v63  }
0x131: {  	s20 =	sshrl.u32 s23, $0x3;
	s23 =	sadd.s32 $0x85800, s18;
	s24 =	sadd.s32 $0x8A000, s18;
	(v2sf) =	vpush v0, $0x7  }
0x132: {  	[hbm4b:s22+s1] =	stream.linear.scatter [tilespmem:s25], [sflag:$0x1], $0x1800, $0x38;
	[tilespmem:$0x18100] =	vst v63  }
0x133: {  	s22 =	sshrl.u32 s23, $0x3;
	s23 =	sshrl.u32 s24, $0x3;
	_ =	swait.ge [sflag:s13], $0x3000  }
0x134: {  	s21 =	sadd.s32 s4, s21;
	[sflag:s13] =	ssyncset.done $0x0;
	s24 =	spop (v2sf)  }
0x135: {  	s19 =	sadd.s32 s4, s19;
	[sflag:s13] =	ssyncadd.s32 $0xFFFFD000;
	s25 =	sadd.s32 $0x1800, s24  }
0x136: {  	[hbm4b:s21+s1] =	stream.linear.scatter [tilespmem:s24], [sflag:$0x1], $0x1800, $0x38;
	[tilespmem:$0x18100] =	vst v63  }
0x137: {  	s26 =	sadd.s32 $0x91800, s18;
	s21 =	sadd.s32 $0x8B800, s18;
	s24 =	sadd.s32 $0x90000, s18;
	(v2sf) =	vpush v0, $0x8  }
0x138: {  	[hbm4b:s19+s1] =	stream.linear.scatter [tilespmem:s25], [sflag:$0x1], $0x1800, $0x38;
	[tilespmem:$0x18100] =	vst v63  }
0x139: {  	s19 =	sshrl.u32 s21, $0x3;
	s21 =	sshrl.u32 s24, $0x3;
	_ =	swait.ge [sflag:s13], $0x3000  }
0x13a: {  	s20 =	sadd.s32 s4, s20;
	[sflag:s13] =	ssyncset.done $0x0;
	s24 =	spop (v2sf)  }
0x13b: {  	s22 =	sadd.s32 s4, s22;
	[sflag:s13] =	ssyncadd.s32 $0xFFFFD000;
	s25 =	sadd.s32 $0x1800, s24  }
0x13c: {  	[hbm4b:s20+s1] =	stream.linear.scatter [tilespmem:s24], [sflag:$0x1], $0x1800, $0x38;
	[tilespmem:$0x18100] =	vst v63  }
0x13d: {  	s20 =	sshrl.u32 s26, $0x3;
	s24 =	sadd.s32 $0x96000, s18;
	s26 =	sadd.s32 $0x97800, s18;
	(v2sf) =	vpush v0, $0x9  }
0x13e: {  	[hbm4b:s22+s1] =	stream.linear.scatter [tilespmem:s25], [sflag:$0x1], $0x1800, $0x38;
	[tilespmem:$0x18100] =	vst v63  }
0x13f: {  	s22 =	sshrl.u32 s24, $0x3;
	s24 =	sshrl.u32 s26, $0x3;
	_ =	swait.ge [sflag:s13], $0x3000  }
0x140: {  	s23 =	sadd.s32 s4, s23;
	[sflag:s13] =	ssyncset.done $0x0;
	s25 =	spop (v2sf)  }
0x141: {  	s19 =	sadd.s32 s4, s19;
	[sflag:s13] =	ssyncadd.s32 $0xFFFFD000;
	s26 =	sadd.s32 $0x1800, s25  }
0x142: {  	[hbm4b:s23+s1] =	stream.linear.scatter [tilespmem:s25], [sflag:$0x1], $0x1800, $0x38;
	[tilespmem:$0x18100] =	vst v63  }
0x143: {  	s28 =	sadd.s32 $0xA2000, s18;
	s23 =	sadd.s32 $0x9C000, s18;
	s25 =	sadd.s32 $0x9D800, s18;
	(v2sf) =	vpush v0, $0xA  }
0x144: {  	[hbm4b:s19+s1] =	stream.linear.scatter [tilespmem:s26], [sflag:$0x1], $0x1800, $0x38;
	[tilespmem:$0x18100] =	vst v63  }
0x145: {  	s23 =	sshrl.u32 s23, $0x3;
	s25 =	sshrl.u32 s25, $0x3;
	_ =	swait.ge [sflag:s13], $0x3000  }
0x146: {  	s19 =	sadd.s32 s4, s21;
	[sflag:s13] =	ssyncset.done $0x0;
	s21 =	spop (v2sf)  }
0x147: {  	s20 =	sadd.s32 s4, s20;
	[sflag:s13] =	ssyncadd.s32 $0xFFFFD000;
	s26 =	sadd.s32 $0x1800, s21  }
0x148: {  	[hbm4b:s19+s1] =	stream.linear.scatter [tilespmem:s21], [sflag:$0x1], $0x1800, $0x38;
	[tilespmem:$0x18100] =	vst v63  }
0x149: {  	s21 =	sshrl.u32 s28, $0x3;
	s19 =	sadd.s32 $0xA3800, s18;
	s28 =	sadd.s32 $0xA8000, s18;
	(v2sf) =	vpush v0, $0xB  }
0x14a: {  	[hbm4b:s20+s1] =	stream.linear.scatter [tilespmem:s26], [sflag:$0x1], $0x1800, $0x38;
	[tilespmem:$0x18100] =	vst v63  }
0x14b: {  	s20 =	sshrl.u32 s19, $0x3;
	s19 =	sshrl.u32 s28, $0x3;
	_ =	swait.ge [sflag:s13], $0x3000  }
0x14c: {  	s22 =	sadd.s32 s4, s22;
	[sflag:s13] =	ssyncset.done $0x0;
	s26 =	spop (v2sf)  }
0x14d: {  	s24 =	sadd.s32 s4, s24;
	[sflag:s13] =	ssyncadd.s32 $0xFFFFD000;
	s28 =	sadd.s32 $0x1800, s26  }
0x14e: {  	[hbm4b:s22+s1] =	stream.linear.scatter [tilespmem:s26], [sflag:$0x1], $0x1800, $0x38;
	[tilespmem:$0x18100] =	vst v63  }
0x14f: {  	s29 =	sadd.s32 $0xAF800, s18;
	s22 =	sadd.s32 $0xA9800, s18;
	s26 =	sadd.s32 $0xAE000, s18;
	(v2sf) =	vpush v0, $0xC  }
0x150: {  	[hbm4b:s24+s1] =	stream.linear.scatter [tilespmem:s28], [sflag:$0x1], $0x1800, $0x38;
	[tilespmem:$0x18100] =	vst v63  }
0x151: {  	s22 =	sshrl.u32 s22, $0x3;
	s24 =	sshrl.u32 s26, $0x3;
	_ =	swait.ge [sflag:s13], $0x3000  }
0x152: {  	s23 =	sadd.s32 s4, s23;
	[sflag:s13] =	ssyncset.done $0x0;
	s26 =	spop (v2sf)  }
0x153: {  	s25 =	sadd.s32 s4, s25;
	[sflag:s13] =	ssyncadd.s32 $0xFFFFD000;
	s28 =	sadd.s32 $0x1800, s26  }
0x154: {  	[hbm4b:s23+s1] =	stream.linear.scatter [tilespmem:s26], [sflag:$0x1], $0x1800, $0x38;
	[tilespmem:$0x18100] =	vst v63  }
0x155: {  	s23 =	sshrl.u32 s29, $0x3;
	s26 =	sadd.s32 $0xB4000, s18;
	s29 =	sadd.s32 $0xB5800, s18;
	(v2sf) =	vpush v0, $0xD  }
0x156: {  	[hbm4b:s25+s1] =	stream.linear.scatter [tilespmem:s28], [sflag:$0x1], $0x1800, $0x38;
	[tilespmem:$0x18100] =	vst v63  }
0x157: {  	s25 =	sshrl.u32 s26, $0x3;
	s26 =	sshrl.u32 s29, $0x3;
	_ =	swait.ge [sflag:s13], $0x3000  }
0x158: {  	s21 =	sadd.s32 s4, s21;
	[sflag:s13] =	ssyncset.done $0x0;
	s28 =	spop (v2sf)  }
0x159: {  	s20 =	sadd.s32 s4, s20;
	[sflag:s13] =	ssyncadd.s32 $0xFFFFD000;
	s29 =	sadd.s32 $0x1800, s28  }
0x15a: {  	[hbm4b:s21+s1] =	stream.linear.scatter [tilespmem:s28], [sflag:$0x1], $0x1800, $0x38;
	[tilespmem:$0x18100] =	vst v63  }
0x15b: {  	s21 =	sadd.s32 $0xBA000, s18;
	s18 =	sadd.s32 $0xBB800, s18;
	(v2sf) =	vpush v0, $0xE  }
0x15c: {  	[hbm4b:s20+s1] =	stream.linear.scatter [tilespmem:s29], [sflag:$0x1], $0x1800, $0x38;
	[tilespmem:$0x18100] =	vst v63  }
0x15d: {  	s18 =	sshrl.u32 s18, $0x3;
	s20 =	sshrl.u32 s21, $0x3;
	_ =	swait.ge [sflag:s13], $0x3000  }
0x15e: {  	s19 =	sadd.s32 s4, s19;
	[sflag:s13] =	ssyncset.done $0x0;
	s21 =	spop (v2sf)  }
0x15f: {  	s22 =	sadd.s32 s4, s22;
	[sflag:s13] =	ssyncadd.s32 $0xFFFFD000;
	s28 =	sadd.s32 $0x1800, s21  }
0x160: {  	[hbm4b:s19+s1] =	stream.linear.scatter [tilespmem:s21], [sflag:$0x1], $0x1800, $0x38;
	[tilespmem:$0x18100] =	vst v63  }
0x161: {  	(v2sf) =	vpush v0, $0xF  }
0x162: {  	[hbm4b:s22+s1] =	stream.linear.scatter [tilespmem:s28], [sflag:$0x1], $0x1800, $0x38;
	[tilespmem:$0x18100] =	vst v63  }
0x163: {  	_ =	swait.ge [sflag:s13], $0x3000  }
0x164: {  	s19 =	sadd.s32 s4, s24;
	[sflag:s13] =	ssyncset.done $0x0;
	s21 =	spop (v2sf)  }
0x165: {  	s22 =	sadd.s32 s4, s23;
	[sflag:s13] =	ssyncadd.s32 $0xFFFFD000;
	s23 =	sadd.s32 $0x1800, s21  }
0x166: {  	[hbm4b:s19+s1] =	stream.linear.scatter [tilespmem:s21], [sflag:$0x1], $0x1800, $0x38;
	[tilespmem:$0x18100] =	vst v63  }
0x167: {  	_ = 	snop  }
0x168: {  	[hbm4b:s22+s1] =	stream.linear.scatter [tilespmem:s23], [sflag:$0x1], $0x1800, $0x38;
	[tilespmem:$0x18100] =	vst v63  }
0x169: {  	_ =	swait.ge [sflag:s13], $0x3000  }
0x16a: {  	s19 =	sadd.s32 s4, s25;
	[sflag:s13] =	ssyncset.done $0x0;
	s21 =	spop (v2sf)  }
0x16b: {  	s22 =	sadd.s32 s4, s26;
	[sflag:s13] =	ssyncadd.s32 $0xFFFFD000;
	s23 =	sadd.s32 $0x1800, s21  }
0x16c: {  	[hbm4b:s19+s1] =	stream.linear.scatter [tilespmem:s21], [sflag:$0x1], $0x1800, $0x38;
	[tilespmem:$0x18100] =	vst v63  }
0x16d: {  	_ = 	snop  }
0x16e: {  	[hbm4b:s22+s1] =	stream.linear.scatter [tilespmem:s23], [sflag:$0x1], $0x1800, $0x38;
	[tilespmem:$0x18100] =	vst v63  }
.Ltmp0:
0x16f: {  	_ = 	snop;
	(pc) =	sbr.rel @p2 .LBB2_2-.Ltmp0, $4  }
0x170: {  	_ =	swait.ge [sflag:s13], $0x3000  }
0x171: {  	s20 =	sadd.s32 s4, s20;
	[sflag:s13] =	ssyncset.done $0x0;
	s21 =	spop (v2sf)  }
0x172: {  	s18 =	sadd.s32 s4, s18;
	[sflag:s13] =	ssyncadd.s32 $0xFFFFD000;
	s19 =	sadd.s32 $0x1800, s21  }
0x173: {  	[hbm4b:s20+s1] =	stream.linear.scatter [tilespmem:s21], [sflag:$0x1], $0x1800, $0x38;
	[tilespmem:$0x18100] =	vst v63  }
0x174: {  	[hbm4b:s18+s1] =	stream.linear.scatter [tilespmem:s19], [sflag:$0x1], $0x1800, $0x38;
	[tilespmem:$0x18100] =	vst v63  }
0x175: {  	_ =	swait.ge [sflag:s13], $0x3000  }
0x176: {  	[sflag:s13] =	ssyncset.done $0x0  }
0x177: {  	[sflag:s13] =	ssyncadd.s32 $0xFFFFD000  }
0x178: {  	_ =	swait.ge [sflag:s13], $0x3000  }
0x179: {  	[sflag:s13] =	ssyncset.done $0x0  }
0x17a: {  	[sflag:s13] =	ssyncadd.s32 $0xFFFFD000  }
0x17b: {  	_ =	swait.ge [sflag:s13], $0x3000  }
0x17c: {  	[sflag:s13] =	ssyncset.done $0x0  }
0x17d: {  	[sflag:s13] =	ssyncadd.s32 $0xFFFFD000  }
0x17e: {  	_ =	swait.ge [sflag:s13], $0x3000  }
0x17f: {  	[sflag:s13] =	ssyncset.done $0x0  }
0x180: {  	[sflag:s13] =	ssyncadd.s32 $0xFFFFD000  }
0x181: {  	_ =	swait.ge [sflag:s13], $0x3000  }
0x182: {  	[sflag:s13] =	ssyncset.done $0x0  }
0x183: {  	[sflag:s13] =	ssyncadd.s32 $0xFFFFD000  }
0x184: {  	_ =	swait.ge [sflag:s13], $0x3000  }
0x185: {  	[sflag:s13] =	ssyncset.done $0x0  }
0x186: {  	[sflag:s13] =	ssyncadd.s32 $0xFFFFD000  }
0x187: {  	_ =	swait.ge [sflag:s13], $0x3000  }
0x188: {  	[sflag:s13] =	ssyncset.done $0x0  }
0x189: {  	[sflag:s13] =	ssyncadd.s32 $0xFFFFD000  }
0x18a: {  	_ =	swait.ge [sflag:s13], $0x3000  }
0x18b: {  	[sflag:s13] =	ssyncset.done $0x0  }
0x18c: {  	[sflag:s13] =	ssyncadd.s32 $0xFFFFD000  }
0x18d: {  	_ =	swait.ge [sflag:s13], $0x3000  }
0x18e: {  	[sflag:s13] =	ssyncset.done $0x0  }
0x18f: {  	[sflag:s13] =	ssyncadd.s32 $0xFFFFD000  }
0x190: {  	_ =	swait.ge [sflag:s13], $0x3000  }
0x191: {  	[sflag:s13] =	ssyncset.done $0x0  }
0x192: {  	[sflag:s13] =	ssyncadd.s32 $0xFFFFD000  }
0x193: {  	_ =	swait.ge [sflag:s13], $0x3000  }
0x194: {  	[sflag:s13] =	ssyncset.done $0x0  }
0x195: {  	[sflag:s13] =	ssyncadd.s32 $0xFFFFD000  }
0x196: {  	_ =	swait.ge [sflag:s13], $0x3000  }
0x197: {  	[sflag:s13] =	ssyncset.done $0x0  }
0x198: {  	[sflag:s13] =	ssyncadd.s32 $0xFFFFD000  }
0x199: {  	_ =	swait.ge [sflag:s13], $0x3000  }
0x19a: {  	[sflag:s13] =	ssyncset.done $0x0  }
0x19b: {  	[sflag:s13] =	ssyncadd.s32 $0xFFFFD000  }
0x19c: {  	_ =	swait.ge [sflag:s13], $0x3000  }
0x19d: {  	[sflag:s13] =	ssyncset.done $0x0  }
0x19e: {  	s15 =	sadd.s32 $0x1, s15;
	[sflag:s13] =	ssyncadd.s32 $0xFFFFD000  }
0x19f: {  	p2 =	sne.s32 s15, s12;
	_ =	swait.ge [sflag:s13], $0x3000  }
.Ltmp1:
0x1a0: {  	[sflag:s13] =	ssyncset.done $0x0;
	(pc) =	sbr.rel @p2 .LBB2_1-.Ltmp1, $4  }
0x1a1: {  	[sflag:s13] =	ssyncadd.s32 $0xFFFFD000  }
0x1a2: {  	_ =	swait.ge [sflag:s13], $0x3000  }
0x1a3: {  	[sflag:s13] =	ssyncset.done $0x0  }
0x1a4: {  	[sflag:s13] =	ssyncadd.s32 $0xFFFFD000  }
0x1a5: {  	_ =	sfence.sel $0x180000  }
0x1a6: {  	[bflag:$0x0] =	sbarrier.arrive $0xFFFF  }
0x1a7: {  	_ =	strace $0x90000047  }
0x1a8: {  	s0 =	stileid.u32;
	[bflag:$0x2] =	sbarrier.arrive $0xFFFF  }
0x1a9: {  	p0 =	sne.s32 s0, $0x0;
	s0 =	rddreg [dreg:$0x2]  }
0x1aa: {  	s0 =	sadd.s32 @!p0 $0x100000, s0  }
0x1ab: {  	[sflag:s0] =	ssyncadd.tile.s32 @!p0 $0x1;
	_ =	shalt  }
.Lfunc_end2:
_tile_overlayer_lowered:
.L_overlay_start_2:
0x1ac: {  	(tag) =	ssettag $0x2  }
0x1ad: {  	s0 =	rddreg [dreg:$0x0];
	s2 =	stileid.u32  }
0x1ae: {  	s1 =	rddreg [dreg:$0x1];
	p0 =	sne.s32 s2, $0x0  }
0x1af: {  	s3 =	rddreg [dreg:$0x2];
	[bflag:$0x3] =	sbarrier.arrive $0xFFFF;
	s2 =	simm.s32 @!p0 $0x1C02  }
0x1b0: {  	[timem:s3], [sflag:s2] =	dma.local @!p0 [hbm:s0], s1  }
0x1b1: {  	s0 =	simm.s32 @!p0 $0x2  }
0x1b2: {  	_ =	swait.ge @!p0 [sflag:s0], s1  }
0x1b3: {  	s1 =	ssub.s32 @!p0 $0x0, s1;
	[sflag:s0] =	ssyncset.done @!p0 $0x0  }
0x1b4: {  	[sflag:s0] =	ssyncadd.s32 @!p0 s1  }
0x1b5: {  	[bflag:$0x3] =	sbarrier.arrive $0xFFFF  }
0x1b6: {  	_ =	shalt  }

</sc_bundles>
